<compile_context>
chip_gen: v7x
topology: tpu7x:2x2x1
jax: 0.10.2.dev20260603
libtpu: 0.0.44.dev20260713+nightly
codegen_flags: <defaults>
</compile_context>

<pallas_src>
import functools

import jax
import jax.numpy as jnp
from jax import lax
from jax.experimental import pallas as pl
from jax.experimental.pallas import tpu as pltpu
from jax.experimental.pallas import tpu_sc as plsc

N_NODES = 10000
N_EDGES = 320000
NPAD = 10240
NC, NS = 2, 16
NW = NC * NS
EPW = N_EDGES // NW
EBATCH = 80
NBATCH = EPW // EBATCH
NCHUNK = 5
CHB = NBATCH // NCHUNK
NBUF = 4
RPT = NPAD // NS


@functools.cache
def _degree_kernel_fn():
    mesh = plsc.VectorSubcoreMesh(core_axis_name="c", subcore_axis_name="s", num_cores=NC, num_subcores=NS)
    return functools.partial(
        pl.kernel,
        out_type=jax.ShapeDtypeStruct((NW, 2, NPAD), jnp.float32),
        mesh=mesh,
        compiler_params=pltpu.CompilerParams(needs_layout_passes=False),
        scratch_types=[
            pltpu.VMEM((EPW,), jnp.int32),
            pltpu.VMEM((EPW,), jnp.int32),
            pltpu.VMEM((NPAD,), jnp.float32),
            pltpu.VMEM((NPAD,), jnp.float32),
        ],
    )(_degree_body)


def _degree_body(src_hbm, dst_hbm, zflat_hbm, out_hbm, srcb, dstb, dego_l, degi_l):
    cid = lax.axis_index("c")
    sid = lax.axis_index("s")
    wid = sid * NC + cid
    pltpu.sync_copy(zflat_hbm, dego_l)
    pltpu.sync_copy(zflat_hbm, degi_l)
    pltpu.sync_copy(src_hbm.at[pl.ds(wid * EPW, EPW)], srcb)
    pltpu.sync_copy(dst_hbm.at[pl.ds(wid * EPW, EPW)], dstb)
    ones16 = jnp.ones((16,), jnp.float32)

    def body(j, carry):
        for u in range(5):
            sl = pl.ds((j * 5 + u) * 16, 16)
            plsc.addupdate_scatter(dego_l, [srcb[sl]], ones16)
            plsc.addupdate_scatter(degi_l, [dstb[sl]], ones16)
        return carry

    lax.fori_loop(0, EPW // 80, body, 0)
    pltpu.sync_copy(dego_l, out_hbm.at[wid, 0])
    pltpu.sync_copy(degi_l, out_hbm.at[wid, 1])


@functools.cache
def _prop_kernel_fn():
    mesh = plsc.VectorSubcoreMesh(core_axis_name="c", subcore_axis_name="s", num_cores=NC, num_subcores=NS)
    return functools.partial(
        pl.kernel,
        out_type=jax.ShapeDtypeStruct((NC, NPAD, 128), jnp.float32),
        mesh=mesh,
        scratch_types=[
            pltpu.VMEM((CHB, EBATCH), jnp.int32),
            pltpu.VMEM((CHB, EBATCH), jnp.int32),
            [pltpu.VMEM((EBATCH, 128), jnp.float32)] * NBUF,
            pltpu.VMEM_SHARED((NPAD, 128), jnp.float32),
            [pltpu.SemaphoreType.DMA] * NBUF,
            [pltpu.SemaphoreType.DMA] * NBUF,
        ],
    )(_prop_body)


def _prop_body(m_hbm, src4_hbm, dst4_hbm, zrow_hbm, out_hbm,
               src2, dst2, rows, acc_sh, gsems, ssems):
    cid = lax.axis_index("c")
    sid = lax.axis_index("s")
    wid = sid * NC + cid
    pltpu.sync_copy(zrow_hbm, acc_sh.at[pl.ds(sid * RPT, RPT)])
    plsc.subcore_barrier()

    def fire_g(jj, t):
        pltpu.async_copy(m_hbm.at[src2.at[jj]], rows[t], gsems[t])

    def wait_g(jj, t):
        pltpu.make_async_copy(m_hbm.at[src2.at[jj]], rows[t], gsems[t]).wait()

    def fire_s(jj, t):
        pltpu.async_copy(rows[t], acc_sh.at[dst2.at[jj]], ssems[t], add=True)

    def wait_s(jj, t):
        pltpu.make_async_copy(rows[t], acc_sh.at[dst2.at[jj]], ssems[t]).wait()

    def chunk_body(c, carry):
        pltpu.sync_copy(src4_hbm.at[wid, c], src2)
        pltpu.sync_copy(dst4_hbm.at[wid, c], dst2)
        fire_g(0, 0)
        fire_g(1, 1)
        fire_g(2, 2)

        def group(i, carry2):
            for t in range(NBUF):
                k = NBUF * i + t
                wait_g(k, t)
                fire_s(k, t)
                t3 = (t + 3) % NBUF

                @pl.when(k + 3 < CHB)
                def _():
                    @pl.when(k >= 1)
                    def _():
                        wait_s(k - 1, t3)
                    fire_g(k + 3, t3)
            return carry2

        lax.fori_loop(0, CHB // NBUF, group, 0)
        wait_g(CHB - 1, 0)
        fire_s(CHB - 1, 0)
        wait_s(CHB - 4, 1)
        wait_s(CHB - 3, 2)
        wait_s(CHB - 2, 3)
        wait_s(CHB - 1, 0)
        return carry

    lax.fori_loop(0, NCHUNK, chunk_body, 0)
    plsc.subcore_barrier()
    pltpu.sync_copy(acc_sh.at[pl.ds(sid * RPT, RPT)],
                    out_hbm.at[cid, pl.ds(sid * RPT, RPT)])



def _tc1_body(degs_ref, x_ref, w_ref, m0_ref, ns_ref, nd_ref):
    dsum = jnp.sum(degs_ref[...], axis=0)
    dego = dsum[0][:N_NODES, None]
    degi = dsum[1][:N_NODES, None]
    ns = jnp.where(dego > 0, lax.rsqrt(jnp.maximum(dego, 1.0)), 0.0)
    nd = jnp.where(degi > 0, lax.rsqrt(jnp.maximum(degi, 1.0)), 0.0)
    ns_ref[...] = ns
    nd_ref[...] = nd
    xw = jnp.dot(x_ref[...], w_ref[...], preferred_element_type=jnp.float32)
    m0_ref[...] = xw * ns


def _tc2_body(agg_ref, nd_ref, ns_ref, b_ref, m1_ref):
    a = agg_ref[0, :N_NODES] + agg_ref[1, :N_NODES]
    h = jnp.maximum(a * nd_ref[...] + b_ref[...], 0.0)
    m1_ref[...] = h * ns_ref[...]


def _tc3_body(agg_ref, nd_ref, wc_ref, bc_ref, ws_ref, bs_ref, x1_ref, x2_ref):
    g = (agg_ref[0, :N_NODES] + agg_ref[1, :N_NODES]) * nd_ref[...]
    x1_ref[...] = jnp.maximum(
        jnp.dot(g, wc_ref[...], preferred_element_type=jnp.float32) + bc_ref[...], 0.0)
    x2_ref[...] = jnp.maximum(
        jnp.dot(g, ws_ref[...], preferred_element_type=jnp.float32) + bs_ref[...], 0.0)



def kernel(features, edge_index, W_in, b_in, W_c3, b_c3, W_s3, b_s3):
    src = edge_index[0]
    dst = edge_index[1]
    zrow = jnp.zeros((RPT, 128), jnp.float32)
    zflat = jnp.zeros((NPAD,), jnp.float32)
    src4 = src.reshape(NW, NCHUNK, CHB, EBATCH)
    dst4 = dst.reshape(NW, NCHUNK, CHB, EBATCH)

    degs = _degree_kernel_fn()(src, dst, zflat)

    m0, ns, nd = pl.pallas_call(
        _tc1_body,
        out_shape=[
            jax.ShapeDtypeStruct((N_NODES, 128), jnp.float32),
            jax.ShapeDtypeStruct((N_NODES, 1), jnp.float32),
            jax.ShapeDtypeStruct((N_NODES, 1), jnp.float32),
        ],
    )(degs, features, W_in)

    agg1 = _prop_kernel_fn()(m0, src4, dst4, zrow)

    m1 = pl.pallas_call(
        _tc2_body,
        out_shape=jax.ShapeDtypeStruct((N_NODES, 128), jnp.float32),
    )(agg1, nd, ns, b_in.reshape(1, 128))

    agg2 = _prop_kernel_fn()(m1, src4, dst4, zrow)

    x1, x2 = pl.pallas_call(
        _tc3_body,
        out_shape=[
            jax.ShapeDtypeStruct((N_NODES, 64), jnp.float32),
            jax.ShapeDtypeStruct((N_NODES, 64), jnp.float32),
        ],
    )(agg2, nd, W_c3, b_c3.reshape(1, 64), W_s3, b_s3.reshape(1, 64))

    return (x1, x2)

# --- scband reference (transcript-rebuilt; emitter-appended) ---
"""Pipeline reference for scband-gcn-90366111908565 (READ-ONLY COPY).

The authoritative reference and input builder live on the scoring server;
editing this copy changes nothing except your own understanding.
"""

import jax, jax.numpy as jnp
import numpy as np

N_NODES = 10000
N_EDGES = 320000
IN_FEATS = 128
N_HIDDEN = 128
N_CLASSES = 64


def setup_inputs(seed: int = 0) -> dict:
    key = jax.random.key(seed)
    ks = jax.random.split(key, 8)
    features = jax.random.normal(ks[0], (N_NODES, IN_FEATS), dtype=jnp.float32)
    edge_index = jax.random.randint(ks[1], (2, N_EDGES), 0, N_NODES, dtype=jnp.int32)
    W_in = jax.random.normal(ks[2], (IN_FEATS, N_HIDDEN), dtype=jnp.float32) * (1.0 / np.sqrt(IN_FEATS))
    b_in = jnp.zeros((N_HIDDEN,), dtype=jnp.float32)
    W_c3 = jax.random.normal(ks[3], (N_HIDDEN, N_CLASSES), dtype=jnp.float32) * (1.0 / np.sqrt(N_HIDDEN))
    b_c3 = jnp.zeros((N_CLASSES,), dtype=jnp.float32)
    W_s3 = jax.random.normal(ks[4], (N_HIDDEN, N_CLASSES), dtype=jnp.float32) * (1.0 / np.sqrt(N_HIDDEN))
    b_s3 = jnp.zeros((N_CLASSES,), dtype=jnp.float32)
    return {"features": features, "edge_index": edge_index, "W_in": W_in, "b_in": b_in,
            "W_c3": W_c3, "b_c3": b_c3, "W_s3": W_s3, "b_s3": b_s3}


def _graph_conv(x, src, dst, W, b):
    # DGL GraphConv with norm='both': D_dst^{-1/2} A D_src^{-1/2} X W + b, then activation
    deg_out = jnp.zeros((N_NODES,), jnp.float32).at[src].add(1.0)
    deg_in = jnp.zeros((N_NODES,), jnp.float32).at[dst].add(1.0)
    norm_src = jnp.where(deg_out > 0, 1.0 / jnp.sqrt(jnp.maximum(deg_out, 1.0)), 0.0)
    norm_dst = jnp.where(deg_in > 0, 1.0 / jnp.sqrt(jnp.maximum(deg_in, 1.0)), 0.0)
    h = (x * norm_src[:, None]) @ W
    msg = jnp.take(h, src, axis=0)
    agg = jnp.zeros((N_NODES, W.shape[1]), jnp.float32).at[dst].add(msg)
    out = agg * norm_dst[:, None] + b
    return jax.nn.relu(out)


def reference(features, edge_index, W_in, b_in, W_c3, b_c3, W_s3, b_s3):
    src = edge_index[0]
    dst = edge_index[1]
    # shared first layer (same weights applied in both branches)
    h = _graph_conv(features, src, dst, W_in, b_in)
    # dropout p=0.0 -> identity
    x1 = _graph_conv(h, src, dst, W_c3, b_c3)
    x2 = _graph_conv(h, src, dst, W_s3, b_s3)
    return (x1, x2)

if __name__ == "__main__":
    import jax
    _d = setup_inputs()
    print(jax.jit(kernel)(*tuple(_d.values())))

</pallas_src>

<mosaic_0001>
#map = affine_map<(d0, d1) -> (0, 0)>
#map1 = affine_map<(d0, d1) -> (0, 0, 0, 0)>
#map2 = affine_map<(d0, d1) -> (0, 0, 0)>
module attributes {stable_mosaic.version = 14 : i64} {
  func.func @_prop_body(%arg0: i32, %arg1: i32, %arg2: memref<10000x128xf32, #tpu.memory_space<hbm>>, %arg3: memref<32x5x25x80xi32, #tpu.memory_space<hbm>>, %arg4: memref<32x5x25x80xi32, #tpu.memory_space<hbm>>, %arg5: memref<640x128xf32, #tpu.memory_space<hbm>>, %arg6: memref<2x10240x128xf32, #tpu.memory_space<hbm>>, %arg7: memref<25x80xi32, #tpu.memory_space<vmem>>, %arg8: memref<25x80xi32, #tpu.memory_space<vmem>>, %arg9: memref<80x128xf32, #tpu.memory_space<vmem>>, %arg10: memref<80x128xf32, #tpu.memory_space<vmem>>, %arg11: memref<80x128xf32, #tpu.memory_space<vmem>>, %arg12: memref<80x128xf32, #tpu.memory_space<vmem>>, %arg13: memref<10240x128xf32, #tpu.memory_space<vmem_shared>>, %arg14: memref<!tpu.dma_semaphore, #tpu.memory_space<semaphore_mem>>, %arg15: memref<!tpu.dma_semaphore, #tpu.memory_space<semaphore_mem>>, %arg16: memref<!tpu.dma_semaphore, #tpu.memory_space<semaphore_mem>>, %arg17: memref<!tpu.dma_semaphore, #tpu.memory_space<semaphore_mem>>, %arg18: memref<!tpu.dma_semaphore, #tpu.memory_space<semaphore_mem>>, %arg19: memref<!tpu.dma_semaphore, #tpu.memory_space<semaphore_mem>>, %arg20: memref<!tpu.dma_semaphore, #tpu.memory_space<semaphore_mem>>, %arg21: memref<!tpu.dma_semaphore, #tpu.memory_space<semaphore_mem>>) attributes {dimension_semantics = [#tpu.dimension_semantics<core_parallel>, #tpu.dimension_semantics<subcore_parallel>], iteration_bounds = array<i64: 2, 16>, scalar_prefetch = 0 : i64, scratch_operands = 15 : i64, tpu.core_type = #tpu.core_type<sc_vector_subcore>, window_params = [{transform_indices = #map}, {transform_indices = #map1}, {transform_indices = #map1}, {transform_indices = #map}, {transform_indices = #map2}]} {
    %mul3A = arith.constant 2 : i32
    %mul3A_0 = arith.muli %arg1, %mul3A : i32
    %add3A = arith.addi %mul3A_0, %arg0 : i32
    %mul3A_1 = arith.constant 640 : i32
    %mul3A_2 = arith.muli %arg1, %mul3A_1 : i32
    "tpu.region"() ({
      %run_scoped3A = tpu.sem_alloc : memref<!tpu.dma_semaphore, #tpu.memory_space<semaphore_mem>>
      %dma_start3A = arith.constant 0 : i32
      %dma_start3A_13 = tpu.memref_slice %arg13[%mul3A_2, %dma_start3A] : memref<10240x128xf32, #tpu.memory_space<vmem_shared>> -> memref<640x128xf32, #tpu.memory_space<vmem_shared>>
      tpu.enqueue_dma source(%arg5 : memref<640x128xf32, #tpu.memory_space<hbm>>) target(%dma_start3A_13 : memref<640x128xf32, #tpu.memory_space<vmem_shared>>) target_semaphore(%run_scoped3A : memref<!tpu.dma_semaphore, #tpu.memory_space<semaphore_mem>>)
      %dma_wait3A = arith.constant 0 : i32
      %dma_wait3A_14 = tpu.memref_slice %arg13[%mul3A_2, %dma_wait3A] : memref<10240x128xf32, #tpu.memory_space<vmem_shared>> -> memref<640x128xf32, #tpu.memory_space<vmem_shared>>
      tpu.wait_dma2 semaphore(%run_scoped3A : memref<!tpu.dma_semaphore, #tpu.memory_space<semaphore_mem>>) src(%arg5 : memref<640x128xf32, #tpu.memory_space<hbm>>) dst(%dma_wait3A_14 : memref<640x128xf32, #tpu.memory_space<vmem_shared>>)
      tpu.yield
    }) : () -> ()
    %barrier3A = arith.constant 0 : index
    tpu.barrier barrier_id(%barrier3A)
    %scan3A = arith.constant 0 : i32
    %scan3A_3 = arith.constant 0 : i32
    %scan3A_4 = arith.constant 5 : i32
    %scan3A_5 = arith.addi %scan3A_3, %scan3A_4 : i32
    %scan3A_6 = arith.constant 1 : i32
    scf.for %scan3A_13 = %scan3A_3 to %scan3A_5 step %scan3A_6  : i32 {
      "tpu.region"() ({
        %run_scoped3A = tpu.sem_alloc : memref<!tpu.dma_semaphore, #tpu.memory_space<semaphore_mem>>
        %dma_start3A_81 = arith.constant 0 : i32
        %dma_start3A_82 = arith.constant 0 : i32
        %dma_start3A_83 = tpu.memref_slice %arg3[%add3A, %scan3A_13, %dma_start3A_81, %dma_start3A_82] : memref<32x5x25x80xi32, #tpu.memory_space<hbm>> -> memref<1x1x25x80xi32, #tpu.memory_space<hbm>>
        %dma_start3A_84 = tpu.memref_squeeze %dma_start3A_83 : memref<1x1x25x80xi32, #tpu.memory_space<hbm>> -> memref<25x80xi32, #tpu.memory_space<hbm>>
        %dma_start3A_85 = arith.constant 0 : i32
        %dma_start3A_86 = arith.constant 0 : i32
        %dma_start3A_87 = tpu.memref_slice %arg3[%add3A, %scan3A_13, %dma_start3A_85, %dma_start3A_86] : memref<32x5x25x80xi32, #tpu.memory_space<hbm>> -> memref<1x1x25x80xi32, #tpu.memory_space<hbm>>
        %dma_start3A_88 = tpu.memref_squeeze %dma_start3A_87 : memref<1x1x25x80xi32, #tpu.memory_space<hbm>> -> memref<25x80xi32, #tpu.memory_space<hbm>>
        tpu.enqueue_dma source(%dma_start3A_88 : memref<25x80xi32, #tpu.memory_space<hbm>>) target(%arg7 : memref<25x80xi32, #tpu.memory_space<vmem>>) target_semaphore(%run_scoped3A : memref<!tpu.dma_semaphore, #tpu.memory_space<semaphore_mem>>)
        %dma_wait3A_89 = arith.constant 0 : i32
        %dma_wait3A_90 = arith.constant 0 : i32
        %dma_wait3A_91 = tpu.memref_slice %arg3[%add3A, %scan3A_13, %dma_wait3A_89, %dma_wait3A_90] : memref<32x5x25x80xi32, #tpu.memory_space<hbm>> -> memref<1x1x25x80xi32, #tpu.memory_space<hbm>>
        %dma_wait3A_92 = tpu.memref_squeeze %dma_wait3A_91 : memref<1x1x25x80xi32, #tpu.memory_space<hbm>> -> memref<25x80xi32, #tpu.memory_space<hbm>>
        %dma_wait3A_93 = arith.constant 0 : i32
        %dma_wait3A_94 = arith.constant 0 : i32
        %dma_wait3A_95 = tpu.memref_slice %arg3[%add3A, %scan3A_13, %dma_wait3A_93, %dma_wait3A_94] : memref<32x5x25x80xi32, #tpu.memory_space<hbm>> -> memref<1x1x25x80xi32, #tpu.memory_space<hbm>>
        %dma_wait3A_96 = tpu.memref_squeeze %dma_wait3A_95 : memref<1x1x25x80xi32, #tpu.memory_space<hbm>> -> memref<25x80xi32, #tpu.memory_space<hbm>>
        tpu.wait_dma2 semaphore(%run_scoped3A : memref<!tpu.dma_semaphore, #tpu.memory_space<semaphore_mem>>) src(%dma_wait3A_96 : memref<25x80xi32, #tpu.memory_space<hbm>>) dst(%arg7 : memref<25x80xi32, #tpu.memory_space<vmem>>)
        tpu.yield
      }) : () -> ()
      "tpu.region"() ({
        %run_scoped3A = tpu.sem_alloc : memref<!tpu.dma_semaphore, #tpu.memory_space<semaphore_mem>>
        %dma_start3A_81 = arith.constant 0 : i32
        %dma_start3A_82 = arith.constant 0 : i32
        %dma_start3A_83 = tpu.memref_slice %arg4[%add3A, %scan3A_13, %dma_start3A_81, %dma_start3A_82] : memref<32x5x25x80xi32, #tpu.memory_space<hbm>> -> memref<1x1x25x80xi32, #tpu.memory_space<hbm>>
        %dma_start3A_84 = tpu.memref_squeeze %dma_start3A_83 : memref<1x1x25x80xi32, #tpu.memory_space<hbm>> -> memref<25x80xi32, #tpu.memory_space<hbm>>
        %dma_start3A_85 = arith.constant 0 : i32
        %dma_start3A_86 = arith.constant 0 : i32
        %dma_start3A_87 = tpu.memref_slice %arg4[%add3A, %scan3A_13, %dma_start3A_85, %dma_start3A_86] : memref<32x5x25x80xi32, #tpu.memory_space<hbm>> -> memref<1x1x25x80xi32, #tpu.memory_space<hbm>>
        %dma_start3A_88 = tpu.memref_squeeze %dma_start3A_87 : memref<1x1x25x80xi32, #tpu.memory_space<hbm>> -> memref<25x80xi32, #tpu.memory_space<hbm>>
        tpu.enqueue_dma source(%dma_start3A_88 : memref<25x80xi32, #tpu.memory_space<hbm>>) target(%arg8 : memref<25x80xi32, #tpu.memory_space<vmem>>) target_semaphore(%run_scoped3A : memref<!tpu.dma_semaphore, #tpu.memory_space<semaphore_mem>>)
        %dma_wait3A_89 = arith.constant 0 : i32
        %dma_wait3A_90 = arith.constant 0 : i32
        %dma_wait3A_91 = tpu.memref_slice %arg4[%add3A, %scan3A_13, %dma_wait3A_89, %dma_wait3A_90] : memref<32x5x25x80xi32, #tpu.memory_space<hbm>> -> memref<1x1x25x80xi32, #tpu.memory_space<hbm>>
        %dma_wait3A_92 = tpu.memref_squeeze %dma_wait3A_91 : memref<1x1x25x80xi32, #tpu.memory_space<hbm>> -> memref<25x80xi32, #tpu.memory_space<hbm>>
        %dma_wait3A_93 = arith.constant 0 : i32
        %dma_wait3A_94 = arith.constant 0 : i32
        %dma_wait3A_95 = tpu.memref_slice %arg4[%add3A, %scan3A_13, %dma_wait3A_93, %dma_wait3A_94] : memref<32x5x25x80xi32, #tpu.memory_space<hbm>> -> memref<1x1x25x80xi32, #tpu.memory_space<hbm>>
        %dma_wait3A_96 = tpu.memref_squeeze %dma_wait3A_95 : memref<1x1x25x80xi32, #tpu.memory_space<hbm>> -> memref<25x80xi32, #tpu.memory_space<hbm>>
        tpu.wait_dma2 semaphore(%run_scoped3A : memref<!tpu.dma_semaphore, #tpu.memory_space<semaphore_mem>>) src(%dma_wait3A_96 : memref<25x80xi32, #tpu.memory_space<hbm>>) dst(%arg8 : memref<25x80xi32, #tpu.memory_space<vmem>>)
        tpu.yield
      }) : () -> ()
      %dma_start3A = arith.constant 0 : i32
      %dma_start3A_14 = arith.constant 0 : i32
      %dma_start3A_15 = tpu.memref_slice %arg7[%dma_start3A, %dma_start3A_14] : memref<25x80xi32, #tpu.memory_space<vmem>> -> memref<1x80xi32, #tpu.memory_space<vmem>>
      %dma_start3A_16 = tpu.memref_squeeze %dma_start3A_15 : memref<1x80xi32, #tpu.memory_space<vmem>> -> memref<80xi32, #tpu.memory_space<vmem>>
      %dma_start3A_17 = arith.constant 0 : i32
      %dma_start3A_18 = arith.constant 0 : i32
      %dma_start3A_19 = tpu.memref_slice %arg2[%dma_start3A_17, %dma_start3A_18] : memref<10000x128xf32, #tpu.memory_space<hbm>> -> memref<10000x128xf32, #tpu.memory_space<hbm>>
      tpu.enqueue_indirect_dma source(%dma_start3A_19 : memref<10000x128xf32, #tpu.memory_space<hbm>>) target(%arg9 : memref<80x128xf32, #tpu.memory_space<vmem>>) offsets(%dma_start3A_16 : memref<80xi32, #tpu.memory_space<vmem>>) semaphore(%arg14 : memref<!tpu.dma_semaphore, #tpu.memory_space<semaphore_mem>>)
      %dma_start3A_20 = arith.constant 1 : i32
      %dma_start3A_21 = arith.constant 0 : i32
      %dma_start3A_22 = tpu.memref_slice %arg7[%dma_start3A_20, %dma_start3A_21] : memref<25x80xi32, #tpu.memory_space<vmem>> -> memref<1x80xi32, #tpu.memory_space<vmem>>
      %dma_start3A_23 = tpu.memref_squeeze %dma_start3A_22 : memref<1x80xi32, #tpu.memory_space<vmem>> -> memref<80xi32, #tpu.memory_space<vmem>>
      %dma_start3A_24 = arith.constant 0 : i32
      %dma_start3A_25 = arith.constant 0 : i32
      %dma_start3A_26 = tpu.memref_slice %arg2[%dma_start3A_24, %dma_start3A_25] : memref<10000x128xf32, #tpu.memory_space<hbm>> -> memref<10000x128xf32, #tpu.memory_space<hbm>>
      tpu.enqueue_indirect_dma source(%dma_start3A_26 : memref<10000x128xf32, #tpu.memory_space<hbm>>) target(%arg10 : memref<80x128xf32, #tpu.memory_space<vmem>>) offsets(%dma_start3A_23 : memref<80xi32, #tpu.memory_space<vmem>>) semaphore(%arg15 : memref<!tpu.dma_semaphore, #tpu.memory_space<semaphore_mem>>)
      %dma_start3A_27 = arith.constant 2 : i32
      %dma_start3A_28 = arith.constant 0 : i32
      %dma_start3A_29 = tpu.memref_slice %arg7[%dma_start3A_27, %dma_start3A_28] : memref<25x80xi32, #tpu.memory_space<vmem>> -> memref<1x80xi32, #tpu.memory_space<vmem>>
      %dma_start3A_30 = tpu.memref_squeeze %dma_start3A_29 : memref<1x80xi32, #tpu.memory_space<vmem>> -> memref<80xi32, #tpu.memory_space<vmem>>
      %dma_start3A_31 = arith.constant 0 : i32
      %dma_start3A_32 = arith.constant 0 : i32
      %dma_start3A_33 = tpu.memref_slice %arg2[%dma_start3A_31, %dma_start3A_32] : memref<10000x128xf32, #tpu.memory_space<hbm>> -> memref<10000x128xf32, #tpu.memory_space<hbm>>
      tpu.enqueue_indirect_dma source(%dma_start3A_33 : memref<10000x128xf32, #tpu.memory_space<hbm>>) target(%arg11 : memref<80x128xf32, #tpu.memory_space<vmem>>) offsets(%dma_start3A_30 : memref<80xi32, #tpu.memory_space<vmem>>) semaphore(%arg16 : memref<!tpu.dma_semaphore, #tpu.memory_space<semaphore_mem>>)
      %scan3A_34 = arith.constant 0 : i32
      %scan3A_35 = arith.constant 0 : i32
      %scan3A_36 = arith.constant 6 : i32
      %scan3A_37 = arith.addi %scan3A_35, %scan3A_36 : i32
      %scan3A_38 = arith.constant 1 : i32
      scf.for %scan3A_81 = %scan3A_35 to %scan3A_37 step %scan3A_38  : i32 {
        %mul3A_82 = arith.constant 4 : i32
        %mul3A_83 = arith.muli %mul3A_82, %scan3A_81 : i32
        %add3A_84 = arith.constant 0 : i32
        %add3A_85 = arith.addi %mul3A_83, %add3A_84 : i32
        %dma_wait3A_86 = arith.constant 0 : i32
        %dma_wait3A_87 = tpu.memref_slice %arg7[%add3A_85, %dma_wait3A_86] : memref<25x80xi32, #tpu.memory_space<vmem>> -> memref<1x80xi32, #tpu.memory_space<vmem>>
        %dma_wait3A_88 = tpu.memref_squeeze %dma_wait3A_87 : memref<1x80xi32, #tpu.memory_space<vmem>> -> memref<80xi32, #tpu.memory_space<vmem>>
        %dma_wait3A_89 = arith.constant 0 : i32
        %dma_wait3A_90 = arith.constant 0 : i32
        %dma_wait3A_91 = tpu.memref_slice %arg2[%dma_wait3A_89, %dma_wait3A_90] : memref<10000x128xf32, #tpu.memory_space<hbm>> -> memref<10000x128xf32, #tpu.memory_space<hbm>>
        tpu.wait_indirect_dma semaphore(%arg14 : memref<!tpu.dma_semaphore, #tpu.memory_space<semaphore_mem>>) src(%dma_wait3A_91 : memref<10000x128xf32, #tpu.memory_space<hbm>>) dst(%arg9 : memref<80x128xf32, #tpu.memory_space<vmem>>)
        %dma_start3A_92 = arith.constant 0 : i32
        %dma_start3A_93 = tpu.memref_slice %arg8[%add3A_85, %dma_start3A_92] : memref<25x80xi32, #tpu.memory_space<vmem>> -> memref<1x80xi32, #tpu.memory_space<vmem>>
        %dma_start3A_94 = tpu.memref_squeeze %dma_start3A_93 : memref<1x80xi32, #tpu.memory_space<vmem>> -> memref<80xi32, #tpu.memory_space<vmem>>
        %dma_start3A_95 = arith.constant 0 : i32
        %dma_start3A_96 = arith.constant 0 : i32
        %dma_start3A_97 = tpu.memref_slice %arg13[%dma_start3A_95, %dma_start3A_96] : memref<10240x128xf32, #tpu.memory_space<vmem_shared>> -> memref<10240x128xf32, #tpu.memory_space<vmem_shared>>
        tpu.enqueue_indirect_dma source(%arg9 : memref<80x128xf32, #tpu.memory_space<vmem>>) target(%dma_start3A_97 : memref<10240x128xf32, #tpu.memory_space<vmem_shared>>) offsets(%dma_start3A_94 : memref<80xi32, #tpu.memory_space<vmem>>) semaphore(%arg18 : memref<!tpu.dma_semaphore, #tpu.memory_space<semaphore_mem>>) {add = true}
        %add3A_98 = arith.constant 3 : i32
        %add3A_99 = arith.addi %add3A_85, %add3A_98 : i32
        %lt3A = arith.constant 25 : i32
        %lt3A_100 = arith.cmpi slt, %add3A_99, %lt3A : i32
        %convert_element_type3A = arith.extui %lt3A_100 : i1 to i32
        %cond3A = arith.constant 0 : i32
        %cond3A_101 = arith.cmpi ne, %convert_element_type3A, %cond3A : i32
        scf.if %cond3A_101 {
          %ge3A = arith.constant 1 : i32
          %ge3A_171 = arith.cmpi sge, %add3A_85, %ge3A : i32
          %convert_element_type3A_172 = arith.extui %ge3A_171 : i1 to i32
          %cond3A_173 = arith.constant 0 : i32
          %cond3A_174 = arith.cmpi ne, %convert_element_type3A_172, %cond3A_173 : i32
          scf.if %cond3A_174 {
            %sub3A = arith.constant 1 : i32
            %sub3A_183 = arith.subi %add3A_85, %sub3A : i32
            %dma_wait3A_184 = arith.constant 0 : i32
            %dma_wait3A_185 = tpu.memref_slice %arg8[%sub3A_183, %dma_wait3A_184] : memref<25x80xi32, #tpu.memory_space<vmem>> -> memref<1x80xi32, #tpu.memory_space<vmem>>
            %dma_wait3A_186 = tpu.memref_squeeze %dma_wait3A_185 : memref<1x80xi32, #tpu.memory_space<vmem>> -> memref<80xi32, #tpu.memory_space<vmem>>
            %dma_wait3A_187 = arith.constant 0 : i32
            %dma_wait3A_188 = arith.constant 0 : i32
            %dma_wait3A_189 = tpu.memref_slice %arg13[%dma_wait3A_187, %dma_wait3A_188] : memref<10240x128xf32, #tpu.memory_space<vmem_shared>> -> memref<10240x128xf32, #tpu.memory_space<vmem_shared>>
            tpu.wait_indirect_dma semaphore(%arg21 : memref<!tpu.dma_semaphore, #tpu.memory_space<semaphore_mem>>) src(%arg12 : memref<80x128xf32, #tpu.memory_space<vmem>>) dst(%dma_wait3A_189 : memref<10240x128xf32, #tpu.memory_space<vmem_shared>>)
          } else {
          }
          %add3A_175 = arith.constant 3 : i32
          %add3A_176 = arith.addi %add3A_85, %add3A_175 : i32
          %dma_start3A_177 = arith.constant 0 : i32
          %dma_start3A_178 = tpu.memref_slice %arg7[%add3A_176, %dma_start3A_177] : memref<25x80xi32, #tpu.memory_space<vmem>> -> memref<1x80xi32, #tpu.memory_space<vmem>>
          %dma_start3A_179 = tpu.memref_squeeze %dma_start3A_178 : memref<1x80xi32, #tpu.memory_space<vmem>> -> memref<80xi32, #tpu.memory_space<vmem>>
          %dma_start3A_180 = arith.constant 0 : i32
          %dma_start3A_181 = arith.constant 0 : i32
          %dma_start3A_182 = tpu.memref_slice %arg2[%dma_start3A_180, %dma_start3A_181] : memref<10000x128xf32, #tpu.memory_space<hbm>> -> memref<10000x128xf32, #tpu.memory_space<hbm>>
          tpu.enqueue_indirect_dma source(%dma_start3A_182 : memref<10000x128xf32, #tpu.memory_space<hbm>>) target(%arg12 : memref<80x128xf32, #tpu.memory_space<vmem>>) offsets(%dma_start3A_179 : memref<80xi32, #tpu.memory_space<vmem>>) semaphore(%arg17 : memref<!tpu.dma_semaphore, #tpu.memory_space<semaphore_mem>>)
        } else {
        }
        %mul3A_102 = arith.constant 4 : i32
        %mul3A_103 = arith.muli %mul3A_102, %scan3A_81 : i32
        %add3A_104 = arith.constant 1 : i32
        %add3A_105 = arith.addi %mul3A_103, %add3A_104 : i32
        %dma_wait3A_106 = arith.constant 0 : i32
        %dma_wait3A_107 = tpu.memref_slice %arg7[%add3A_105, %dma_wait3A_106] : memref<25x80xi32, #tpu.memory_space<vmem>> -> memref<1x80xi32, #tpu.memory_space<vmem>>
        %dma_wait3A_108 = tpu.memref_squeeze %dma_wait3A_107 : memref<1x80xi32, #tpu.memory_space<vmem>> -> memref<80xi32, #tpu.memory_space<vmem>>
        %dma_wait3A_109 = arith.constant 0 : i32
        %dma_wait3A_110 = arith.constant 0 : i32
        %dma_wait3A_111 = tpu.memref_slice %arg2[%dma_wait3A_109, %dma_wait3A_110] : memref<10000x128xf32, #tpu.memory_space<hbm>> -> memref<10000x128xf32, #tpu.memory_space<hbm>>
        tpu.wait_indirect_dma semaphore(%arg15 : memref<!tpu.dma_semaphore, #tpu.memory_space<semaphore_mem>>) src(%dma_wait3A_111 : memref<10000x128xf32, #tpu.memory_space<hbm>>) dst(%arg10 : memref<80x128xf32, #tpu.memory_space<vmem>>)
        %dma_start3A_112 = arith.constant 0 : i32
        %dma_start3A_113 = tpu.memref_slice %arg8[%add3A_105, %dma_start3A_112] : memref<25x80xi32, #tpu.memory_space<vmem>> -> memref<1x80xi32, #tpu.memory_space<vmem>>
        %dma_start3A_114 = tpu.memref_squeeze %dma_start3A_113 : memref<1x80xi32, #tpu.memory_space<vmem>> -> memref<80xi32, #tpu.memory_space<vmem>>
        %dma_start3A_115 = arith.constant 0 : i32
        %dma_start3A_116 = arith.constant 0 : i32
        %dma_start3A_117 = tpu.memref_slice %arg13[%dma_start3A_115, %dma_start3A_116] : memref<10240x128xf32, #tpu.memory_space<vmem_shared>> -> memref<10240x128xf32, #tpu.memory_space<vmem_shared>>
        tpu.enqueue_indirect_dma source(%arg10 : memref<80x128xf32, #tpu.memory_space<vmem>>) target(%dma_start3A_117 : memref<10240x128xf32, #tpu.memory_space<vmem_shared>>) offsets(%dma_start3A_114 : memref<80xi32, #tpu.memory_space<vmem>>) semaphore(%arg19 : memref<!tpu.dma_semaphore, #tpu.memory_space<semaphore_mem>>) {add = true}
        %add3A_118 = arith.constant 3 : i32
        %add3A_119 = arith.addi %add3A_105, %add3A_118 : i32
        %lt3A_120 = arith.constant 25 : i32
        %lt3A_121 = arith.cmpi slt, %add3A_119, %lt3A_120 : i32
        %convert_element_type3A_122 = arith.extui %lt3A_121 : i1 to i32
        %cond3A_123 = arith.constant 0 : i32
        %cond3A_124 = arith.cmpi ne, %convert_element_type3A_122, %cond3A_123 : i32
        scf.if %cond3A_124 {
          %ge3A = arith.constant 1 : i32
          %ge3A_171 = arith.cmpi sge, %add3A_105, %ge3A : i32
          %convert_element_type3A_172 = arith.extui %ge3A_171 : i1 to i32
          %cond3A_173 = arith.constant 0 : i32
          %cond3A_174 = arith.cmpi ne, %convert_element_type3A_172, %cond3A_173 : i32
          scf.if %cond3A_174 {
            %sub3A = arith.constant 1 : i32
            %sub3A_183 = arith.subi %add3A_105, %sub3A : i32
            %dma_wait3A_184 = arith.constant 0 : i32
            %dma_wait3A_185 = tpu.memref_slice %arg8[%sub3A_183, %dma_wait3A_184] : memref<25x80xi32, #tpu.memory_space<vmem>> -> memref<1x80xi32, #tpu.memory_space<vmem>>
            %dma_wait3A_186 = tpu.memref_squeeze %dma_wait3A_185 : memref<1x80xi32, #tpu.memory_space<vmem>> -> memref<80xi32, #tpu.memory_space<vmem>>
            %dma_wait3A_187 = arith.constant 0 : i32
            %dma_wait3A_188 = arith.constant 0 : i32
            %dma_wait3A_189 = tpu.memref_slice %arg13[%dma_wait3A_187, %dma_wait3A_188] : memref<10240x128xf32, #tpu.memory_space<vmem_shared>> -> memref<10240x128xf32, #tpu.memory_space<vmem_shared>>
            tpu.wait_indirect_dma semaphore(%arg18 : memref<!tpu.dma_semaphore, #tpu.memory_space<semaphore_mem>>) src(%arg9 : memref<80x128xf32, #tpu.memory_space<vmem>>) dst(%dma_wait3A_189 : memref<10240x128xf32, #tpu.memory_space<vmem_shared>>)
          } else {
          }
          %add3A_175 = arith.constant 3 : i32
          %add3A_176 = arith.addi %add3A_105, %add3A_175 : i32
          %dma_start3A_177 = arith.constant 0 : i32
          %dma_start3A_178 = tpu.memref_slice %arg7[%add3A_176, %dma_start3A_177] : memref<25x80xi32, #tpu.memory_space<vmem>> -> memref<1x80xi32, #tpu.memory_space<vmem>>
          %dma_start3A_179 = tpu.memref_squeeze %dma_start3A_178 : memref<1x80xi32, #tpu.memory_space<vmem>> -> memref<80xi32, #tpu.memory_space<vmem>>
          %dma_start3A_180 = arith.constant 0 : i32
          %dma_start3A_181 = arith.constant 0 : i32
          %dma_start3A_182 = tpu.memref_slice %arg2[%dma_start3A_180, %dma_start3A_181] : memref<10000x128xf32, #tpu.memory_space<hbm>> -> memref<10000x128xf32, #tpu.memory_space<hbm>>
          tpu.enqueue_indirect_dma source(%dma_start3A_182 : memref<10000x128xf32, #tpu.memory_space<hbm>>) target(%arg9 : memref<80x128xf32, #tpu.memory_space<vmem>>) offsets(%dma_start3A_179 : memref<80xi32, #tpu.memory_space<vmem>>) semaphore(%arg14 : memref<!tpu.dma_semaphore, #tpu.memory_space<semaphore_mem>>)
        } else {
        }
        %mul3A_125 = arith.constant 4 : i32
        %mul3A_126 = arith.muli %mul3A_125, %scan3A_81 : i32
        %add3A_127 = arith.constant 2 : i32
        %add3A_128 = arith.addi %mul3A_126, %add3A_127 : i32
        %dma_wait3A_129 = arith.constant 0 : i32
        %dma_wait3A_130 = tpu.memref_slice %arg7[%add3A_128, %dma_wait3A_129] : memref<25x80xi32, #tpu.memory_space<vmem>> -> memref<1x80xi32, #tpu.memory_space<vmem>>
        %dma_wait3A_131 = tpu.memref_squeeze %dma_wait3A_130 : memref<1x80xi32, #tpu.memory_space<vmem>> -> memref<80xi32, #tpu.memory_space<vmem>>
        %dma_wait3A_132 = arith.constant 0 : i32
        %dma_wait3A_133 = arith.constant 0 : i32
        %dma_wait3A_134 = tpu.memref_slice %arg2[%dma_wait3A_132, %dma_wait3A_133] : memref<10000x128xf32, #tpu.memory_space<hbm>> -> memref<10000x128xf32, #tpu.memory_space<hbm>>
        tpu.wait_indirect_dma semaphore(%arg16 : memref<!tpu.dma_semaphore, #tpu.memory_space<semaphore_mem>>) src(%dma_wait3A_134 : memref<10000x128xf32, #tpu.memory_space<hbm>>) dst(%arg11 : memref<80x128xf32, #tpu.memory_space<vmem>>)
        %dma_start3A_135 = arith.constant 0 : i32
        %dma_start3A_136 = tpu.memref_slice %arg8[%add3A_128, %dma_start3A_135] : memref<25x80xi32, #tpu.memory_space<vmem>> -> memref<1x80xi32, #tpu.memory_space<vmem>>
        %dma_start3A_137 = tpu.memref_squeeze %dma_start3A_136 : memref<1x80xi32, #tpu.memory_space<vmem>> -> memref<80xi32, #tpu.memory_space<vmem>>
        %dma_start3A_138 = arith.constant 0 : i32
        %dma_start3A_139 = arith.constant 0 : i32
        %dma_start3A_140 = tpu.memref_slice %arg13[%dma_start3A_138, %dma_start3A_139] : memref<10240x128xf32, #tpu.memory_space<vmem_shared>> -> memref<10240x128xf32, #tpu.memory_space<vmem_shared>>
        tpu.enqueue_indirect_dma source(%arg11 : memref<80x128xf32, #tpu.memory_space<vmem>>) target(%dma_start3A_140 : memref<10240x128xf32, #tpu.memory_space<vmem_shared>>) offsets(%dma_start3A_137 : memref<80xi32, #tpu.memory_space<vmem>>) semaphore(%arg20 : memref<!tpu.dma_semaphore, #tpu.memory_space<semaphore_mem>>) {add = true}
        %add3A_141 = arith.constant 3 : i32
        %add3A_142 = arith.addi %add3A_128, %add3A_141 : i32
        %lt3A_143 = arith.constant 25 : i32
        %lt3A_144 = arith.cmpi slt, %add3A_142, %lt3A_143 : i32
        %convert_element_type3A_145 = arith.extui %lt3A_144 : i1 to i32
        %cond3A_146 = arith.constant 0 : i32
        %cond3A_147 = arith.cmpi ne, %convert_element_type3A_145, %cond3A_146 : i32
        scf.if %cond3A_147 {
          %ge3A = arith.constant 1 : i32
          %ge3A_171 = arith.cmpi sge, %add3A_128, %ge3A : i32
          %convert_element_type3A_172 = arith.extui %ge3A_171 : i1 to i32
          %cond3A_173 = arith.constant 0 : i32
          %cond3A_174 = arith.cmpi ne, %convert_element_type3A_172, %cond3A_173 : i32
          scf.if %cond3A_174 {
            %sub3A = arith.constant 1 : i32
            %sub3A_183 = arith.subi %add3A_128, %sub3A : i32
            %dma_wait3A_184 = arith.constant 0 : i32
            %dma_wait3A_185 = tpu.memref_slice %arg8[%sub3A_183, %dma_wait3A_184] : memref<25x80xi32, #tpu.memory_space<vmem>> -> memref<1x80xi32, #tpu.memory_space<vmem>>
            %dma_wait3A_186 = tpu.memref_squeeze %dma_wait3A_185 : memref<1x80xi32, #tpu.memory_space<vmem>> -> memref<80xi32, #tpu.memory_space<vmem>>
            %dma_wait3A_187 = arith.constant 0 : i32
            %dma_wait3A_188 = arith.constant 0 : i32
            %dma_wait3A_189 = tpu.memref_slice %arg13[%dma_wait3A_187, %dma_wait3A_188] : memref<10240x128xf32, #tpu.memory_space<vmem_shared>> -> memref<10240x128xf32, #tpu.memory_space<vmem_shared>>
            tpu.wait_indirect_dma semaphore(%arg19 : memref<!tpu.dma_semaphore, #tpu.memory_space<semaphore_mem>>) src(%arg10 : memref<80x128xf32, #tpu.memory_space<vmem>>) dst(%dma_wait3A_189 : memref<10240x128xf32, #tpu.memory_space<vmem_shared>>)
          } else {
          }
          %add3A_175 = arith.constant 3 : i32
          %add3A_176 = arith.addi %add3A_128, %add3A_175 : i32
          %dma_start3A_177 = arith.constant 0 : i32
          %dma_start3A_178 = tpu.memref_slice %arg7[%add3A_176, %dma_start3A_177] : memref<25x80xi32, #tpu.memory_space<vmem>> -> memref<1x80xi32, #tpu.memory_space<vmem>>
          %dma_start3A_179 = tpu.memref_squeeze %dma_start3A_178 : memref<1x80xi32, #tpu.memory_space<vmem>> -> memref<80xi32, #tpu.memory_space<vmem>>
          %dma_start3A_180 = arith.constant 0 : i32
          %dma_start3A_181 = arith.constant 0 : i32
          %dma_start3A_182 = tpu.memref_slice %arg2[%dma_start3A_180, %dma_start3A_181] : memref<10000x128xf32, #tpu.memory_space<hbm>> -> memref<10000x128xf32, #tpu.memory_space<hbm>>
          tpu.enqueue_indirect_dma source(%dma_start3A_182 : memref<10000x128xf32, #tpu.memory_space<hbm>>) target(%arg10 : memref<80x128xf32, #tpu.memory_space<vmem>>) offsets(%dma_start3A_179 : memref<80xi32, #tpu.memory_space<vmem>>) semaphore(%arg15 : memref<!tpu.dma_semaphore, #tpu.memory_space<semaphore_mem>>)
        } else {
        }
        %mul3A_148 = arith.constant 4 : i32
        %mul3A_149 = arith.muli %mul3A_148, %scan3A_81 : i32
        %add3A_150 = arith.constant 3 : i32
        %add3A_151 = arith.addi %mul3A_149, %add3A_150 : i32
        %dma_wait3A_152 = arith.constant 0 : i32
        %dma_wait3A_153 = tpu.memref_slice %arg7[%add3A_151, %dma_wait3A_152] : memref<25x80xi32, #tpu.memory_space<vmem>> -> memref<1x80xi32, #tpu.memory_space<vmem>>
        %dma_wait3A_154 = tpu.memref_squeeze %dma_wait3A_153 : memref<1x80xi32, #tpu.memory_space<vmem>> -> memref<80xi32, #tpu.memory_space<vmem>>
        %dma_wait3A_155 = arith.constant 0 : i32
        %dma_wait3A_156 = arith.constant 0 : i32
        %dma_wait3A_157 = tpu.memref_slice %arg2[%dma_wait3A_155, %dma_wait3A_156] : memref<10000x128xf32, #tpu.memory_space<hbm>> -> memref<10000x128xf32, #tpu.memory_space<hbm>>
        tpu.wait_indirect_dma semaphore(%arg17 : memref<!tpu.dma_semaphore, #tpu.memory_space<semaphore_mem>>) src(%dma_wait3A_157 : memref<10000x128xf32, #tpu.memory_space<hbm>>) dst(%arg12 : memref<80x128xf32, #tpu.memory_space<vmem>>)
        %dma_start3A_158 = arith.constant 0 : i32
        %dma_start3A_159 = tpu.memref_slice %arg8[%add3A_151, %dma_start3A_158] : memref<25x80xi32, #tpu.memory_space<vmem>> -> memref<1x80xi32, #tpu.memory_space<vmem>>
        %dma_start3A_160 = tpu.memref_squeeze %dma_start3A_159 : memref<1x80xi32, #tpu.memory_space<vmem>> -> memref<80xi32, #tpu.memory_space<vmem>>
        %dma_start3A_161 = arith.constant 0 : i32
        %dma_start3A_162 = arith.constant 0 : i32
        %dma_start3A_163 = tpu.memref_slice %arg13[%dma_start3A_161, %dma_start3A_162] : memref<10240x128xf32, #tpu.memory_space<vmem_shared>> -> memref<10240x128xf32, #tpu.memory_space<vmem_shared>>
        tpu.enqueue_indirect_dma source(%arg12 : memref<80x128xf32, #tpu.memory_space<vmem>>) target(%dma_start3A_163 : memref<10240x128xf32, #tpu.memory_space<vmem_shared>>) offsets(%dma_start3A_160 : memref<80xi32, #tpu.memory_space<vmem>>) semaphore(%arg21 : memref<!tpu.dma_semaphore, #tpu.memory_space<semaphore_mem>>) {add = true}
        %add3A_164 = arith.constant 3 : i32
        %add3A_165 = arith.addi %add3A_151, %add3A_164 : i32
        %lt3A_166 = arith.constant 25 : i32
        %lt3A_167 = arith.cmpi slt, %add3A_165, %lt3A_166 : i32
        %convert_element_type3A_168 = arith.extui %lt3A_167 : i1 to i32
        %cond3A_169 = arith.constant 0 : i32
        %cond3A_170 = arith.cmpi ne, %convert_element_type3A_168, %cond3A_169 : i32
        scf.if %cond3A_170 {
          %ge3A = arith.constant 1 : i32
          %ge3A_171 = arith.cmpi sge, %add3A_151, %ge3A : i32
          %convert_element_type3A_172 = arith.extui %ge3A_171 : i1 to i32
          %cond3A_173 = arith.constant 0 : i32
          %cond3A_174 = arith.cmpi ne, %convert_element_type3A_172, %cond3A_173 : i32
          scf.if %cond3A_174 {
            %sub3A = arith.constant 1 : i32
            %sub3A_183 = arith.subi %add3A_151, %sub3A : i32
            %dma_wait3A_184 = arith.constant 0 : i32
            %dma_wait3A_185 = tpu.memref_slice %arg8[%sub3A_183, %dma_wait3A_184] : memref<25x80xi32, #tpu.memory_space<vmem>> -> memref<1x80xi32, #tpu.memory_space<vmem>>
            %dma_wait3A_186 = tpu.memref_squeeze %dma_wait3A_185 : memref<1x80xi32, #tpu.memory_space<vmem>> -> memref<80xi32, #tpu.memory_space<vmem>>
            %dma_wait3A_187 = arith.constant 0 : i32
            %dma_wait3A_188 = arith.constant 0 : i32
            %dma_wait3A_189 = tpu.memref_slice %arg13[%dma_wait3A_187, %dma_wait3A_188] : memref<10240x128xf32, #tpu.memory_space<vmem_shared>> -> memref<10240x128xf32, #tpu.memory_space<vmem_shared>>
            tpu.wait_indirect_dma semaphore(%arg20 : memref<!tpu.dma_semaphore, #tpu.memory_space<semaphore_mem>>) src(%arg11 : memref<80x128xf32, #tpu.memory_space<vmem>>) dst(%dma_wait3A_189 : memref<10240x128xf32, #tpu.memory_space<vmem_shared>>)
          } else {
          }
          %add3A_175 = arith.constant 3 : i32
          %add3A_176 = arith.addi %add3A_151, %add3A_175 : i32
          %dma_start3A_177 = arith.constant 0 : i32
          %dma_start3A_178 = tpu.memref_slice %arg7[%add3A_176, %dma_start3A_177] : memref<25x80xi32, #tpu.memory_space<vmem>> -> memref<1x80xi32, #tpu.memory_space<vmem>>
          %dma_start3A_179 = tpu.memref_squeeze %dma_start3A_178 : memref<1x80xi32, #tpu.memory_space<vmem>> -> memref<80xi32, #tpu.memory_space<vmem>>
          %dma_start3A_180 = arith.constant 0 : i32
          %dma_start3A_181 = arith.constant 0 : i32
          %dma_start3A_182 = tpu.memref_slice %arg2[%dma_start3A_180, %dma_start3A_181] : memref<10000x128xf32, #tpu.memory_space<hbm>> -> memref<10000x128xf32, #tpu.memory_space<hbm>>
          tpu.enqueue_indirect_dma source(%dma_start3A_182 : memref<10000x128xf32, #tpu.memory_space<hbm>>) target(%arg11 : memref<80x128xf32, #tpu.memory_space<vmem>>) offsets(%dma_start3A_179 : memref<80xi32, #tpu.memory_space<vmem>>) semaphore(%arg16 : memref<!tpu.dma_semaphore, #tpu.memory_space<semaphore_mem>>)
        } else {
        }
      }
      %scan3A_39 = arith.constant 6 : i32
      %dma_wait3A = arith.constant 24 : i32
      %dma_wait3A_40 = arith.constant 0 : i32
      %dma_wait3A_41 = tpu.memref_slice %arg7[%dma_wait3A, %dma_wait3A_40] : memref<25x80xi32, #tpu.memory_space<vmem>> -> memref<1x80xi32, #tpu.memory_space<vmem>>
      %dma_wait3A_42 = tpu.memref_squeeze %dma_wait3A_41 : memref<1x80xi32, #tpu.memory_space<vmem>> -> memref<80xi32, #tpu.memory_space<vmem>>
      %dma_wait3A_43 = arith.constant 0 : i32
      %dma_wait3A_44 = arith.constant 0 : i32
      %dma_wait3A_45 = tpu.memref_slice %arg2[%dma_wait3A_43, %dma_wait3A_44] : memref<10000x128xf32, #tpu.memory_space<hbm>> -> memref<10000x128xf32, #tpu.memory_space<hbm>>
      tpu.wait_indirect_dma semaphore(%arg14 : memref<!tpu.dma_semaphore, #tpu.memory_space<semaphore_mem>>) src(%dma_wait3A_45 : memref<10000x128xf32, #tpu.memory_space<hbm>>) dst(%arg9 : memref<80x128xf32, #tpu.memory_space<vmem>>)
      %dma_start3A_46 = arith.constant 24 : i32
      %dma_start3A_47 = arith.constant 0 : i32
      %dma_start3A_48 = tpu.memref_slice %arg8[%dma_start3A_46, %dma_start3A_47] : memref<25x80xi32, #tpu.memory_space<vmem>> -> memref<1x80xi32, #tpu.memory_space<vmem>>
      %dma_start3A_49 = tpu.memref_squeeze %dma_start3A_48 : memref<1x80xi32, #tpu.memory_space<vmem>> -> memref<80xi32, #tpu.memory_space<vmem>>
      %dma_start3A_50 = arith.constant 0 : i32
      %dma_start3A_51 = arith.constant 0 : i32
      %dma_start3A_52 = tpu.memref_slice %arg13[%dma_start3A_50, %dma_start3A_51] : memref<10240x128xf32, #tpu.memory_space<vmem_shared>> -> memref<10240x128xf32, #tpu.memory_space<vmem_shared>>
      tpu.enqueue_indirect_dma source(%arg9 : memref<80x128xf32, #tpu.memory_space<vmem>>) target(%dma_start3A_52 : memref<10240x128xf32, #tpu.memory_space<vmem_shared>>) offsets(%dma_start3A_49 : memref<80xi32, #tpu.memory_space<vmem>>) semaphore(%arg18 : memref<!tpu.dma_semaphore, #tpu.memory_space<semaphore_mem>>) {add = true}
      %dma_wait3A_53 = arith.constant 21 : i32
      %dma_wait3A_54 = arith.constant 0 : i32
      %dma_wait3A_55 = tpu.memref_slice %arg8[%dma_wait3A_53, %dma_wait3A_54] : memref<25x80xi32, #tpu.memory_space<vmem>> -> memref<1x80xi32, #tpu.memory_space<vmem>>
      %dma_wait3A_56 = tpu.memref_squeeze %dma_wait3A_55 : memref<1x80xi32, #tpu.memory_space<vmem>> -> memref<80xi32, #tpu.memory_space<vmem>>
      %dma_wait3A_57 = arith.constant 0 : i32
      %dma_wait3A_58 = arith.constant 0 : i32
      %dma_wait3A_59 = tpu.memref_slice %arg13[%dma_wait3A_57, %dma_wait3A_58] : memref<10240x128xf32, #tpu.memory_space<vmem_shared>> -> memref<10240x128xf32, #tpu.memory_space<vmem_shared>>
      tpu.wait_indirect_dma semaphore(%arg19 : memref<!tpu.dma_semaphore, #tpu.memory_space<semaphore_mem>>) src(%arg10 : memref<80x128xf32, #tpu.memory_space<vmem>>) dst(%dma_wait3A_59 : memref<10240x128xf32, #tpu.memory_space<vmem_shared>>)
      %dma_wait3A_60 = arith.constant 22 : i32
      %dma_wait3A_61 = arith.constant 0 : i32
      %dma_wait3A_62 = tpu.memref_slice %arg8[%dma_wait3A_60, %dma_wait3A_61] : memref<25x80xi32, #tpu.memory_space<vmem>> -> memref<1x80xi32, #tpu.memory_space<vmem>>
      %dma_wait3A_63 = tpu.memref_squeeze %dma_wait3A_62 : memref<1x80xi32, #tpu.memory_space<vmem>> -> memref<80xi32, #tpu.memory_space<vmem>>
      %dma_wait3A_64 = arith.constant 0 : i32
      %dma_wait3A_65 = arith.constant 0 : i32
      %dma_wait3A_66 = tpu.memref_slice %arg13[%dma_wait3A_64, %dma_wait3A_65] : memref<10240x128xf32, #tpu.memory_space<vmem_shared>> -> memref<10240x128xf32, #tpu.memory_space<vmem_shared>>
      tpu.wait_indirect_dma semaphore(%arg20 : memref<!tpu.dma_semaphore, #tpu.memory_space<semaphore_mem>>) src(%arg11 : memref<80x128xf32, #tpu.memory_space<vmem>>) dst(%dma_wait3A_66 : memref<10240x128xf32, #tpu.memory_space<vmem_shared>>)
      %dma_wait3A_67 = arith.constant 23 : i32
      %dma_wait3A_68 = arith.constant 0 : i32
      %dma_wait3A_69 = tpu.memref_slice %arg8[%dma_wait3A_67, %dma_wait3A_68] : memref<25x80xi32, #tpu.memory_space<vmem>> -> memref<1x80xi32, #tpu.memory_space<vmem>>
      %dma_wait3A_70 = tpu.memref_squeeze %dma_wait3A_69 : memref<1x80xi32, #tpu.memory_space<vmem>> -> memref<80xi32, #tpu.memory_space<vmem>>
      %dma_wait3A_71 = arith.constant 0 : i32
      %dma_wait3A_72 = arith.constant 0 : i32
      %dma_wait3A_73 = tpu.memref_slice %arg13[%dma_wait3A_71, %dma_wait3A_72] : memref<10240x128xf32, #tpu.memory_space<vmem_shared>> -> memref<10240x128xf32, #tpu.memory_space<vmem_shared>>
      tpu.wait_indirect_dma semaphore(%arg21 : memref<!tpu.dma_semaphore, #tpu.memory_space<semaphore_mem>>) src(%arg12 : memref<80x128xf32, #tpu.memory_space<vmem>>) dst(%dma_wait3A_73 : memref<10240x128xf32, #tpu.memory_space<vmem_shared>>)
      %dma_wait3A_74 = arith.constant 24 : i32
      %dma_wait3A_75 = arith.constant 0 : i32
      %dma_wait3A_76 = tpu.memref_slice %arg8[%dma_wait3A_74, %dma_wait3A_75] : memref<25x80xi32, #tpu.memory_space<vmem>> -> memref<1x80xi32, #tpu.memory_space<vmem>>
      %dma_wait3A_77 = tpu.memref_squeeze %dma_wait3A_76 : memref<1x80xi32, #tpu.memory_space<vmem>> -> memref<80xi32, #tpu.memory_space<vmem>>
      %dma_wait3A_78 = arith.constant 0 : i32
      %dma_wait3A_79 = arith.constant 0 : i32
      %dma_wait3A_80 = tpu.memref_slice %arg13[%dma_wait3A_78, %dma_wait3A_79] : memref<10240x128xf32, #tpu.memory_space<vmem_shared>> -> memref<10240x128xf32, #tpu.memory_space<vmem_shared>>
      tpu.wait_indirect_dma semaphore(%arg18 : memref<!tpu.dma_semaphore, #tpu.memory_space<semaphore_mem>>) src(%arg9 : memref<80x128xf32, #tpu.memory_space<vmem>>) dst(%dma_wait3A_80 : memref<10240x128xf32, #tpu.memory_space<vmem_shared>>)
    }
    %scan3A_7 = arith.constant 5 : i32
    %barrier3A_8 = arith.constant 0 : index
    tpu.barrier barrier_id(%barrier3A_8)
    %mul3A_9 = arith.constant 640 : i32
    %mul3A_10 = arith.muli %arg1, %mul3A_9 : i32
    %mul3A_11 = arith.constant 640 : i32
    %mul3A_12 = arith.muli %arg1, %mul3A_11 : i32
    "tpu.region"() ({
      %run_scoped3A = tpu.sem_alloc : memref<!tpu.dma_semaphore, #tpu.memory_space<semaphore_mem>>
      %dma_start3A = arith.constant 0 : i32
      %dma_start3A_13 = tpu.memref_slice %arg6[%arg0, %mul3A_12, %dma_start3A] : memref<2x10240x128xf32, #tpu.memory_space<hbm>> -> memref<1x640x128xf32, #tpu.memory_space<hbm>>
      %dma_start3A_14 = tpu.memref_squeeze %dma_start3A_13 : memref<1x640x128xf32, #tpu.memory_space<hbm>> -> memref<640x128xf32, #tpu.memory_space<hbm>>
      %dma_start3A_15 = arith.constant 0 : i32
      %dma_start3A_16 = tpu.memref_slice %arg13[%mul3A_10, %dma_start3A_15] : memref<10240x128xf32, #tpu.memory_space<vmem_shared>> -> memref<640x128xf32, #tpu.memory_space<vmem_shared>>
      tpu.enqueue_dma source(%dma_start3A_16 : memref<640x128xf32, #tpu.memory_space<vmem_shared>>) target(%dma_start3A_14 : memref<640x128xf32, #tpu.memory_space<hbm>>) target_semaphore(%run_scoped3A : memref<!tpu.dma_semaphore, #tpu.memory_space<semaphore_mem>>)
      %dma_wait3A = arith.constant 0 : i32
      %dma_wait3A_17 = tpu.memref_slice %arg6[%arg0, %mul3A_12, %dma_wait3A] : memref<2x10240x128xf32, #tpu.memory_space<hbm>> -> memref<1x640x128xf32, #tpu.memory_space<hbm>>
      %dma_wait3A_18 = tpu.memref_squeeze %dma_wait3A_17 : memref<1x640x128xf32, #tpu.memory_space<hbm>> -> memref<640x128xf32, #tpu.memory_space<hbm>>
      %dma_wait3A_19 = arith.constant 0 : i32
      %dma_wait3A_20 = tpu.memref_slice %arg13[%mul3A_10, %dma_wait3A_19] : memref<10240x128xf32, #tpu.memory_space<vmem_shared>> -> memref<640x128xf32, #tpu.memory_space<vmem_shared>>
      tpu.wait_dma2 semaphore(%run_scoped3A : memref<!tpu.dma_semaphore, #tpu.memory_space<semaphore_mem>>) src(%dma_wait3A_20 : memref<640x128xf32, #tpu.memory_space<vmem_shared>>) dst(%dma_wait3A_18 : memref<640x128xf32, #tpu.memory_space<hbm>>)
      tpu.yield
    }) : () -> ()
    return
  }
}

#map = affine_map<(d0, d1) -> (0)>
#map1 = affine_map<(d0, d1) -> (0, 0, 0)>
module attributes {stable_mosaic.version = 14 : i64} {
  func.func @_degree_body(%arg0: i32, %arg1: i32, %arg2: memref<320000xi32, #tpu.memory_space<hbm>>, %arg3: memref<320000xi32, #tpu.memory_space<hbm>>, %arg4: memref<10240xf32, #tpu.memory_space<hbm>>, %arg5: memref<32x2x10240xf32, #tpu.memory_space<hbm>>, %arg6: memref<10000xi32, #tpu.memory_space<vmem>>, %arg7: memref<10000xi32, #tpu.memory_space<vmem>>, %arg8: memref<10240xf32, #tpu.memory_space<vmem>>, %arg9: memref<10240xf32, #tpu.memory_space<vmem>>) attributes {dimension_semantics = [#tpu.dimension_semantics<core_parallel>, #tpu.dimension_semantics<subcore_parallel>], iteration_bounds = array<i64: 2, 16>, scalar_prefetch = 0 : i64, scratch_operands = 4 : i64, tpu.core_type = #tpu.core_type<sc_vector_subcore>, window_params = [{transform_indices = #map}, {transform_indices = #map}, {transform_indices = #map}, {transform_indices = #map1}]} {
    %mul3A = arith.constant 2 : i32
    %mul3A_0 = arith.muli %arg1, %mul3A : i32
    %add3A = arith.addi %mul3A_0, %arg0 : i32
    "tpu.region"() ({
      %run_scoped3A_12 = tpu.sem_alloc : memref<!tpu.dma_semaphore, #tpu.memory_space<semaphore_mem>>
      tpu.enqueue_dma source(%arg4 : memref<10240xf32, #tpu.memory_space<hbm>>) target(%arg8 : memref<10240xf32, #tpu.memory_space<vmem>>) target_semaphore(%run_scoped3A_12 : memref<!tpu.dma_semaphore, #tpu.memory_space<semaphore_mem>>)
      tpu.wait_dma2 semaphore(%run_scoped3A_12 : memref<!tpu.dma_semaphore, #tpu.memory_space<semaphore_mem>>) src(%arg4 : memref<10240xf32, #tpu.memory_space<hbm>>) dst(%arg8 : memref<10240xf32, #tpu.memory_space<vmem>>)
      tpu.yield
    }) : () -> ()
    "tpu.region"() ({
      %run_scoped3A_12 = tpu.sem_alloc : memref<!tpu.dma_semaphore, #tpu.memory_space<semaphore_mem>>
      tpu.enqueue_dma source(%arg4 : memref<10240xf32, #tpu.memory_space<hbm>>) target(%arg9 : memref<10240xf32, #tpu.memory_space<vmem>>) target_semaphore(%run_scoped3A_12 : memref<!tpu.dma_semaphore, #tpu.memory_space<semaphore_mem>>)
      tpu.wait_dma2 semaphore(%run_scoped3A_12 : memref<!tpu.dma_semaphore, #tpu.memory_space<semaphore_mem>>) src(%arg4 : memref<10240xf32, #tpu.memory_space<hbm>>) dst(%arg9 : memref<10240xf32, #tpu.memory_space<vmem>>)
      tpu.yield
    }) : () -> ()
    %mul3A_1 = arith.constant 10000 : i32
    %mul3A_2 = arith.muli %add3A, %mul3A_1 : i32
    "tpu.region"() ({
      %run_scoped3A_12 = tpu.sem_alloc : memref<!tpu.dma_semaphore, #tpu.memory_space<semaphore_mem>>
      %dma_start3A = tpu.memref_slice %arg2[%mul3A_2] : memref<320000xi32, #tpu.memory_space<hbm>> -> memref<10000xi32, #tpu.memory_space<hbm>>
      %dma_start3A_13 = tpu.memref_slice %arg2[%mul3A_2] : memref<320000xi32, #tpu.memory_space<hbm>> -> memref<10000xi32, #tpu.memory_space<hbm>>
      tpu.enqueue_dma source(%dma_start3A_13 : memref<10000xi32, #tpu.memory_space<hbm>>) target(%arg6 : memref<10000xi32, #tpu.memory_space<vmem>>) target_semaphore(%run_scoped3A_12 : memref<!tpu.dma_semaphore, #tpu.memory_space<semaphore_mem>>)
      %dma_wait3A = tpu.memref_slice %arg2[%mul3A_2] : memref<320000xi32, #tpu.memory_space<hbm>> -> memref<10000xi32, #tpu.memory_space<hbm>>
      %dma_wait3A_14 = tpu.memref_slice %arg2[%mul3A_2] : memref<320000xi32, #tpu.memory_space<hbm>> -> memref<10000xi32, #tpu.memory_space<hbm>>
      tpu.wait_dma2 semaphore(%run_scoped3A_12 : memref<!tpu.dma_semaphore, #tpu.memory_space<semaphore_mem>>) src(%dma_wait3A_14 : memref<10000xi32, #tpu.memory_space<hbm>>) dst(%arg6 : memref<10000xi32, #tpu.memory_space<vmem>>)
      tpu.yield
    }) : () -> ()
    %mul3A_3 = arith.constant 10000 : i32
    %mul3A_4 = arith.muli %add3A, %mul3A_3 : i32
    "tpu.region"() ({
      %run_scoped3A_12 = tpu.sem_alloc : memref<!tpu.dma_semaphore, #tpu.memory_space<semaphore_mem>>
      %dma_start3A = tpu.memref_slice %arg3[%mul3A_4] : memref<320000xi32, #tpu.memory_space<hbm>> -> memref<10000xi32, #tpu.memory_space<hbm>>
      %dma_start3A_13 = tpu.memref_slice %arg3[%mul3A_4] : memref<320000xi32, #tpu.memory_space<hbm>> -> memref<10000xi32, #tpu.memory_space<hbm>>
      tpu.enqueue_dma source(%dma_start3A_13 : memref<10000xi32, #tpu.memory_space<hbm>>) target(%arg7 : memref<10000xi32, #tpu.memory_space<vmem>>) target_semaphore(%run_scoped3A_12 : memref<!tpu.dma_semaphore, #tpu.memory_space<semaphore_mem>>)
      %dma_wait3A = tpu.memref_slice %arg3[%mul3A_4] : memref<320000xi32, #tpu.memory_space<hbm>> -> memref<10000xi32, #tpu.memory_space<hbm>>
      %dma_wait3A_14 = tpu.memref_slice %arg3[%mul3A_4] : memref<320000xi32, #tpu.memory_space<hbm>> -> memref<10000xi32, #tpu.memory_space<hbm>>
      tpu.wait_dma2 semaphore(%run_scoped3A_12 : memref<!tpu.dma_semaphore, #tpu.memory_space<semaphore_mem>>) src(%dma_wait3A_14 : memref<10000xi32, #tpu.memory_space<hbm>>) dst(%arg7 : memref<10000xi32, #tpu.memory_space<vmem>>)
      tpu.yield
    }) : () -> ()
    %broadcast_in_dim3A = arith.constant 1.000000e+00 : f32
    %broadcast_in_dim3A_5 = vector.broadcast %broadcast_in_dim3A : f32 to vector<16xf32>
    %scan3A = arith.constant 0 : i32
    %scan3A_6 = arith.constant 0 : i32
    %scan3A_7 = arith.constant 125 : i32
    %scan3A_8 = arith.addi %scan3A_6, %scan3A_7 : i32
    %scan3A_9 = arith.constant 1 : i32
    scf.for %scan3A_12 = %scan3A_6 to %scan3A_8 step %scan3A_9  : i32 {
      %mul3A_13 = arith.constant 5 : i32
      %mul3A_14 = arith.muli %scan3A_12, %mul3A_13 : i32
      %add3A_15 = arith.constant 0 : i32
      %add3A_16 = arith.addi %mul3A_14, %add3A_15 : i32
      %mul3A_17 = arith.constant 16 : i32
      %mul3A_18 = arith.muli %add3A_16, %mul3A_17 : i32
      %get3A = arith.index_cast %mul3A_18 : i32 to index
      %get3A_19 = tpu.vector_load %arg6[%get3A] {strides = array<i32>} : memref<10000xi32, #tpu.memory_space<vmem>>, vector<16xi32>,
      tpu.vector_store_idx %arg8[%get3A_19], %broadcast_in_dim3A_5 {add = true} : memref<10240xf32, #tpu.memory_space<vmem>>[vector<16xi32>], vector<16xf32>,
      %get3A_20 = arith.index_cast %mul3A_18 : i32 to index
      %get3A_21 = tpu.vector_load %arg7[%get3A_20] {strides = array<i32>} : memref<10000xi32, #tpu.memory_space<vmem>>, vector<16xi32>,
      tpu.vector_store_idx %arg9[%get3A_21], %broadcast_in_dim3A_5 {add = true} : memref<10240xf32, #tpu.memory_space<vmem>>[vector<16xi32>], vector<16xf32>,
      %mul3A_22 = arith.constant 5 : i32
      %mul3A_23 = arith.muli %scan3A_12, %mul3A_22 : i32
      %add3A_24 = arith.constant 1 : i32
      %add3A_25 = arith.addi %mul3A_23, %add3A_24 : i32
      %mul3A_26 = arith.constant 16 : i32
      %mul3A_27 = arith.muli %add3A_25, %mul3A_26 : i32
      %get3A_28 = arith.index_cast %mul3A_27 : i32 to index
      %get3A_29 = tpu.vector_load %arg6[%get3A_28] {strides = array<i32>} : memref<10000xi32, #tpu.memory_space<vmem>>, vector<16xi32>,
      tpu.vector_store_idx %arg8[%get3A_29], %broadcast_in_dim3A_5 {add = true} : memref<10240xf32, #tpu.memory_space<vmem>>[vector<16xi32>], vector<16xf32>,
      %get3A_30 = arith.index_cast %mul3A_27 : i32 to index
      %get3A_31 = tpu.vector_load %arg7[%get3A_30] {strides = array<i32>} : memref<10000xi32, #tpu.memory_space<vmem>>, vector<16xi32>,
      tpu.vector_store_idx %arg9[%get3A_31], %broadcast_in_dim3A_5 {add = true} : memref<10240xf32, #tpu.memory_space<vmem>>[vector<16xi32>], vector<16xf32>,
      %mul3A_32 = arith.constant 5 : i32
      %mul3A_33 = arith.muli %scan3A_12, %mul3A_32 : i32
      %add3A_34 = arith.constant 2 : i32
      %add3A_35 = arith.addi %mul3A_33, %add3A_34 : i32
      %mul3A_36 = arith.constant 16 : i32
      %mul3A_37 = arith.muli %add3A_35, %mul3A_36 : i32
      %get3A_38 = arith.index_cast %mul3A_37 : i32 to index
      %get3A_39 = tpu.vector_load %arg6[%get3A_38] {strides = array<i32>} : memref<10000xi32, #tpu.memory_space<vmem>>, vector<16xi32>,
      tpu.vector_store_idx %arg8[%get3A_39], %broadcast_in_dim3A_5 {add = true} : memref<10240xf32, #tpu.memory_space<vmem>>[vector<16xi32>], vector<16xf32>,
      %get3A_40 = arith.index_cast %mul3A_37 : i32 to index
      %get3A_41 = tpu.vector_load %arg7[%get3A_40] {strides = array<i32>} : memref<10000xi32, #tpu.memory_space<vmem>>, vector<16xi32>,
      tpu.vector_store_idx %arg9[%get3A_41], %broadcast_in_dim3A_5 {add = true} : memref<10240xf32, #tpu.memory_space<vmem>>[vector<16xi32>], vector<16xf32>,
      %mul3A_42 = arith.constant 5 : i32
      %mul3A_43 = arith.muli %scan3A_12, %mul3A_42 : i32
      %add3A_44 = arith.constant 3 : i32
      %add3A_45 = arith.addi %mul3A_43, %add3A_44 : i32
      %mul3A_46 = arith.constant 16 : i32
      %mul3A_47 = arith.muli %add3A_45, %mul3A_46 : i32
      %get3A_48 = arith.index_cast %mul3A_47 : i32 to index
      %get3A_49 = tpu.vector_load %arg6[%get3A_48] {strides = array<i32>} : memref<10000xi32, #tpu.memory_space<vmem>>, vector<16xi32>,
      tpu.vector_store_idx %arg8[%get3A_49], %broadcast_in_dim3A_5 {add = true} : memref<10240xf32, #tpu.memory_space<vmem>>[vector<16xi32>], vector<16xf32>,
      %get3A_50 = arith.index_cast %mul3A_47 : i32 to index
      %get3A_51 = tpu.vector_load %arg7[%get3A_50] {strides = array<i32>} : memref<10000xi32, #tpu.memory_space<vmem>>, vector<16xi32>,
      tpu.vector_store_idx %arg9[%get3A_51], %broadcast_in_dim3A_5 {add = true} : memref<10240xf32, #tpu.memory_space<vmem>>[vector<16xi32>], vector<16xf32>,
      %mul3A_52 = arith.constant 5 : i32
      %mul3A_53 = arith.muli %scan3A_12, %mul3A_52 : i32
      %add3A_54 = arith.constant 4 : i32
      %add3A_55 = arith.addi %mul3A_53, %add3A_54 : i32
      %mul3A_56 = arith.constant 16 : i32
      %mul3A_57 = arith.muli %add3A_55, %mul3A_56 : i32
      %get3A_58 = arith.index_cast %mul3A_57 : i32 to index
      %get3A_59 = tpu.vector_load %arg6[%get3A_58] {strides = array<i32>} : memref<10000xi32, #tpu.memory_space<vmem>>, vector<16xi32>,
      tpu.vector_store_idx %arg8[%get3A_59], %broadcast_in_dim3A_5 {add = true} : memref<10240xf32, #tpu.memory_space<vmem>>[vector<16xi32>], vector<16xf32>,
      %get3A_60 = arith.index_cast %mul3A_57 : i32 to index
      %get3A_61 = tpu.vector_load %arg7[%get3A_60] {strides = array<i32>} : memref<10000xi32, #tpu.memory_space<vmem>>, vector<16xi32>,
      tpu.vector_store_idx %arg9[%get3A_61], %broadcast_in_dim3A_5 {add = true} : memref<10240xf32, #tpu.memory_space<vmem>>[vector<16xi32>], vector<16xf32>,
    }
    %scan3A_10 = arith.constant 125 : i32
    %run_scoped3A = arith.constant 0 : i32
    "tpu.region"() ({
      %run_scoped3A_12 = tpu.sem_alloc : memref<!tpu.dma_semaphore, #tpu.memory_space<semaphore_mem>>
      %dma_start3A = arith.constant 0 : i32
      %dma_start3A_13 = tpu.memref_slice %arg5[%add3A, %run_scoped3A, %dma_start3A] : memref<32x2x10240xf32, #tpu.memory_space<hbm>> -> memref<1x1x10240xf32, #tpu.memory_space<hbm>>
      %dma_start3A_14 = tpu.memref_squeeze %dma_start3A_13 : memref<1x1x10240xf32, #tpu.memory_space<hbm>> -> memref<10240xf32, #tpu.memory_space<hbm>>
      %dma_start3A_15 = arith.constant 0 : i32
      %dma_start3A_16 = tpu.memref_slice %arg5[%add3A, %run_scoped3A, %dma_start3A_15] : memref<32x2x10240xf32, #tpu.memory_space<hbm>> -> memref<1x1x10240xf32, #tpu.memory_space<hbm>>
      %dma_start3A_17 = tpu.memref_squeeze %dma_start3A_16 : memref<1x1x10240xf32, #tpu.memory_space<hbm>> -> memref<10240xf32, #tpu.memory_space<hbm>>
      tpu.enqueue_dma source(%arg8 : memref<10240xf32, #tpu.memory_space<vmem>>) target(%dma_start3A_17 : memref<10240xf32, #tpu.memory_space<hbm>>) target_semaphore(%run_scoped3A_12 : memref<!tpu.dma_semaphore, #tpu.memory_space<semaphore_mem>>)
      %dma_wait3A = arith.constant 0 : i32
      %dma_wait3A_18 = tpu.memref_slice %arg5[%add3A, %run_scoped3A, %dma_wait3A] : memref<32x2x10240xf32, #tpu.memory_space<hbm>> -> memref<1x1x10240xf32, #tpu.memory_space<hbm>>
      %dma_wait3A_19 = tpu.memref_squeeze %dma_wait3A_18 : memref<1x1x10240xf32, #tpu.memory_space<hbm>> -> memref<10240xf32, #tpu.memory_space<hbm>>
      %dma_wait3A_20 = arith.constant 0 : i32
      %dma_wait3A_21 = tpu.memref_slice %arg5[%add3A, %run_scoped3A, %dma_wait3A_20] : memref<32x2x10240xf32, #tpu.memory_space<hbm>> -> memref<1x1x10240xf32, #tpu.memory_space<hbm>>
      %dma_wait3A_22 = tpu.memref_squeeze %dma_wait3A_21 : memref<1x1x10240xf32, #tpu.memory_space<hbm>> -> memref<10240xf32, #tpu.memory_space<hbm>>
      tpu.wait_dma2 semaphore(%run_scoped3A_12 : memref<!tpu.dma_semaphore, #tpu.memory_space<semaphore_mem>>) src(%arg8 : memref<10240xf32, #tpu.memory_space<vmem>>) dst(%dma_wait3A_22 : memref<10240xf32, #tpu.memory_space<hbm>>)
      tpu.yield
    }) : () -> ()
    %run_scoped3A_11 = arith.constant 1 : i32
    "tpu.region"() ({
      %run_scoped3A_12 = tpu.sem_alloc : memref<!tpu.dma_semaphore, #tpu.memory_space<semaphore_mem>>
      %dma_start3A = arith.constant 0 : i32
      %dma_start3A_13 = tpu.memref_slice %arg5[%add3A, %run_scoped3A_11, %dma_start3A] : memref<32x2x10240xf32, #tpu.memory_space<hbm>> -> memref<1x1x10240xf32, #tpu.memory_space<hbm>>
      %dma_start3A_14 = tpu.memref_squeeze %dma_start3A_13 : memref<1x1x10240xf32, #tpu.memory_space<hbm>> -> memref<10240xf32, #tpu.memory_space<hbm>>
      %dma_start3A_15 = arith.constant 0 : i32
      %dma_start3A_16 = tpu.memref_slice %arg5[%add3A, %run_scoped3A_11, %dma_start3A_15] : memref<32x2x10240xf32, #tpu.memory_space<hbm>> -> memref<1x1x10240xf32, #tpu.memory_space<hbm>>
      %dma_start3A_17 = tpu.memref_squeeze %dma_start3A_16 : memref<1x1x10240xf32, #tpu.memory_space<hbm>> -> memref<10240xf32, #tpu.memory_space<hbm>>
      tpu.enqueue_dma source(%arg9 : memref<10240xf32, #tpu.memory_space<vmem>>) target(%dma_start3A_17 : memref<10240xf32, #tpu.memory_space<hbm>>) target_semaphore(%run_scoped3A_12 : memref<!tpu.dma_semaphore, #tpu.memory_space<semaphore_mem>>)
      %dma_wait3A = arith.constant 0 : i32
      %dma_wait3A_18 = tpu.memref_slice %arg5[%add3A, %run_scoped3A_11, %dma_wait3A] : memref<32x2x10240xf32, #tpu.memory_space<hbm>> -> memref<1x1x10240xf32, #tpu.memory_space<hbm>>
      %dma_wait3A_19 = tpu.memref_squeeze %dma_wait3A_18 : memref<1x1x10240xf32, #tpu.memory_space<hbm>> -> memref<10240xf32, #tpu.memory_space<hbm>>
      %dma_wait3A_20 = arith.constant 0 : i32
      %dma_wait3A_21 = tpu.memref_slice %arg5[%add3A, %run_scoped3A_11, %dma_wait3A_20] : memref<32x2x10240xf32, #tpu.memory_space<hbm>> -> memref<1x1x10240xf32, #tpu.memory_space<hbm>>
      %dma_wait3A_22 = tpu.memref_squeeze %dma_wait3A_21 : memref<1x1x10240xf32, #tpu.memory_space<hbm>> -> memref<10240xf32, #tpu.memory_space<hbm>>
      tpu.wait_dma2 semaphore(%run_scoped3A_12 : memref<!tpu.dma_semaphore, #tpu.memory_space<semaphore_mem>>) src(%arg9 : memref<10240xf32, #tpu.memory_space<vmem>>) dst(%dma_wait3A_22 : memref<10240xf32, #tpu.memory_space<hbm>>)
      tpu.yield
    }) : () -> ()
    return
  }
}

#map = affine_map<(d0, d1) -> (0, 0)>
#map1 = affine_map<(d0, d1) -> (0, 0, 0, 0)>
#map2 = affine_map<(d0, d1) -> (0, 0, 0)>
module attributes {stable_mosaic.version = 14 : i64} {
  func.func @_prop_body(%arg0: i32, %arg1: i32, %arg2: memref<10000x128xf32, #tpu.memory_space<hbm>>, %arg3: memref<32x5x25x80xi32, #tpu.memory_space<hbm>>, %arg4: memref<32x5x25x80xi32, #tpu.memory_space<hbm>>, %arg5: memref<640x128xf32, #tpu.memory_space<hbm>>, %arg6: memref<2x10240x128xf32, #tpu.memory_space<hbm>>, %arg7: memref<25x80xi32, #tpu.memory_space<vmem>>, %arg8: memref<25x80xi32, #tpu.memory_space<vmem>>, %arg9: memref<80x128xf32, #tpu.memory_space<vmem>>, %arg10: memref<80x128xf32, #tpu.memory_space<vmem>>, %arg11: memref<80x128xf32, #tpu.memory_space<vmem>>, %arg12: memref<80x128xf32, #tpu.memory_space<vmem>>, %arg13: memref<10240x128xf32, #tpu.memory_space<vmem_shared>>, %arg14: memref<!tpu.dma_semaphore, #tpu.memory_space<semaphore_mem>>, %arg15: memref<!tpu.dma_semaphore, #tpu.memory_space<semaphore_mem>>, %arg16: memref<!tpu.dma_semaphore, #tpu.memory_space<semaphore_mem>>, %arg17: memref<!tpu.dma_semaphore, #tpu.memory_space<semaphore_mem>>, %arg18: memref<!tpu.dma_semaphore, #tpu.memory_space<semaphore_mem>>, %arg19: memref<!tpu.dma_semaphore, #tpu.memory_space<semaphore_mem>>, %arg20: memref<!tpu.dma_semaphore, #tpu.memory_space<semaphore_mem>>, %arg21: memref<!tpu.dma_semaphore, #tpu.memory_space<semaphore_mem>>) attributes {dimension_semantics = [#tpu.dimension_semantics<core_parallel>, #tpu.dimension_semantics<subcore_parallel>], iteration_bounds = array<i64: 2, 16>, scalar_prefetch = 0 : i64, scratch_operands = 15 : i64, tpu.core_type = #tpu.core_type<sc_vector_subcore>, window_params = [{transform_indices = #map}, {transform_indices = #map1}, {transform_indices = #map1}, {transform_indices = #map}, {transform_indices = #map2}]} {
    %mul3A = arith.constant 2 : i32
    %mul3A_0 = arith.muli %arg1, %mul3A : i32
    %add3A = arith.addi %mul3A_0, %arg0 : i32
    %mul3A_1 = arith.constant 640 : i32
    %mul3A_2 = arith.muli %arg1, %mul3A_1 : i32
    "tpu.region"() ({
      %run_scoped3A = tpu.sem_alloc : memref<!tpu.dma_semaphore, #tpu.memory_space<semaphore_mem>>
      %dma_start3A = arith.constant 0 : i32
      %dma_start3A_13 = tpu.memref_slice %arg13[%mul3A_2, %dma_start3A] : memref<10240x128xf32, #tpu.memory_space<vmem_shared>> -> memref<640x128xf32, #tpu.memory_space<vmem_shared>>
      tpu.enqueue_dma source(%arg5 : memref<640x128xf32, #tpu.memory_space<hbm>>) target(%dma_start3A_13 : memref<640x128xf32, #tpu.memory_space<vmem_shared>>) target_semaphore(%run_scoped3A : memref<!tpu.dma_semaphore, #tpu.memory_space<semaphore_mem>>)
      %dma_wait3A = arith.constant 0 : i32
      %dma_wait3A_14 = tpu.memref_slice %arg13[%mul3A_2, %dma_wait3A] : memref<10240x128xf32, #tpu.memory_space<vmem_shared>> -> memref<640x128xf32, #tpu.memory_space<vmem_shared>>
      tpu.wait_dma2 semaphore(%run_scoped3A : memref<!tpu.dma_semaphore, #tpu.memory_space<semaphore_mem>>) src(%arg5 : memref<640x128xf32, #tpu.memory_space<hbm>>) dst(%dma_wait3A_14 : memref<640x128xf32, #tpu.memory_space<vmem_shared>>)
      tpu.yield
    }) : () -> ()
    %barrier3A = arith.constant 0 : index
    tpu.barrier barrier_id(%barrier3A)
    %scan3A = arith.constant 0 : i32
    %scan3A_3 = arith.constant 0 : i32
    %scan3A_4 = arith.constant 5 : i32
    %scan3A_5 = arith.addi %scan3A_3, %scan3A_4 : i32
    %scan3A_6 = arith.constant 1 : i32
    scf.for %scan3A_13 = %scan3A_3 to %scan3A_5 step %scan3A_6  : i32 {
      "tpu.region"() ({
        %run_scoped3A = tpu.sem_alloc : memref<!tpu.dma_semaphore, #tpu.memory_space<semaphore_mem>>
        %dma_start3A_81 = arith.constant 0 : i32
        %dma_start3A_82 = arith.constant 0 : i32
        %dma_start3A_83 = tpu.memref_slice %arg3[%add3A, %scan3A_13, %dma_start3A_81, %dma_start3A_82] : memref<32x5x25x80xi32, #tpu.memory_space<hbm>> -> memref<1x1x25x80xi32, #tpu.memory_space<hbm>>
        %dma_start3A_84 = tpu.memref_squeeze %dma_start3A_83 : memref<1x1x25x80xi32, #tpu.memory_space<hbm>> -> memref<25x80xi32, #tpu.memory_space<hbm>>
        %dma_start3A_85 = arith.constant 0 : i32
        %dma_start3A_86 = arith.constant 0 : i32
        %dma_start3A_87 = tpu.memref_slice %arg3[%add3A, %scan3A_13, %dma_start3A_85, %dma_start3A_86] : memref<32x5x25x80xi32, #tpu.memory_space<hbm>> -> memref<1x1x25x80xi32, #tpu.memory_space<hbm>>
        %dma_start3A_88 = tpu.memref_squeeze %dma_start3A_87 : memref<1x1x25x80xi32, #tpu.memory_space<hbm>> -> memref<25x80xi32, #tpu.memory_space<hbm>>
        tpu.enqueue_dma source(%dma_start3A_88 : memref<25x80xi32, #tpu.memory_space<hbm>>) target(%arg7 : memref<25x80xi32, #tpu.memory_space<vmem>>) target_semaphore(%run_scoped3A : memref<!tpu.dma_semaphore, #tpu.memory_space<semaphore_mem>>)
        %dma_wait3A_89 = arith.constant 0 : i32
        %dma_wait3A_90 = arith.constant 0 : i32
        %dma_wait3A_91 = tpu.memref_slice %arg3[%add3A, %scan3A_13, %dma_wait3A_89, %dma_wait3A_90] : memref<32x5x25x80xi32, #tpu.memory_space<hbm>> -> memref<1x1x25x80xi32, #tpu.memory_space<hbm>>
        %dma_wait3A_92 = tpu.memref_squeeze %dma_wait3A_91 : memref<1x1x25x80xi32, #tpu.memory_space<hbm>> -> memref<25x80xi32, #tpu.memory_space<hbm>>
        %dma_wait3A_93 = arith.constant 0 : i32
        %dma_wait3A_94 = arith.constant 0 : i32
        %dma_wait3A_95 = tpu.memref_slice %arg3[%add3A, %scan3A_13, %dma_wait3A_93, %dma_wait3A_94] : memref<32x5x25x80xi32, #tpu.memory_space<hbm>> -> memref<1x1x25x80xi32, #tpu.memory_space<hbm>>
        %dma_wait3A_96 = tpu.memref_squeeze %dma_wait3A_95 : memref<1x1x25x80xi32, #tpu.memory_space<hbm>> -> memref<25x80xi32, #tpu.memory_space<hbm>>
        tpu.wait_dma2 semaphore(%run_scoped3A : memref<!tpu.dma_semaphore, #tpu.memory_space<semaphore_mem>>) src(%dma_wait3A_96 : memref<25x80xi32, #tpu.memory_space<hbm>>) dst(%arg7 : memref<25x80xi32, #tpu.memory_space<vmem>>)
        tpu.yield
      }) : () -> ()
      "tpu.region"() ({
        %run_scoped3A = tpu.sem_alloc : memref<!tpu.dma_semaphore, #tpu.memory_space<semaphore_mem>>
        %dma_start3A_81 = arith.constant 0 : i32
        %dma_start3A_82 = arith.constant 0 : i32
        %dma_start3A_83 = tpu.memref_slice %arg4[%add3A, %scan3A_13, %dma_start3A_81, %dma_start3A_82] : memref<32x5x25x80xi32, #tpu.memory_space<hbm>> -> memref<1x1x25x80xi32, #tpu.memory_space<hbm>>
        %dma_start3A_84 = tpu.memref_squeeze %dma_start3A_83 : memref<1x1x25x80xi32, #tpu.memory_space<hbm>> -> memref<25x80xi32, #tpu.memory_space<hbm>>
        %dma_start3A_85 = arith.constant 0 : i32
        %dma_start3A_86 = arith.constant 0 : i32
        %dma_start3A_87 = tpu.memref_slice %arg4[%add3A, %scan3A_13, %dma_start3A_85, %dma_start3A_86] : memref<32x5x25x80xi32, #tpu.memory_space<hbm>> -> memref<1x1x25x80xi32, #tpu.memory_space<hbm>>
        %dma_start3A_88 = tpu.memref_squeeze %dma_start3A_87 : memref<1x1x25x80xi32, #tpu.memory_space<hbm>> -> memref<25x80xi32, #tpu.memory_space<hbm>>
        tpu.enqueue_dma source(%dma_start3A_88 : memref<25x80xi32, #tpu.memory_space<hbm>>) target(%arg8 : memref<25x80xi32, #tpu.memory_space<vmem>>) target_semaphore(%run_scoped3A : memref<!tpu.dma_semaphore, #tpu.memory_space<semaphore_mem>>)
        %dma_wait3A_89 = arith.constant 0 : i32
        %dma_wait3A_90 = arith.constant 0 : i32
        %dma_wait3A_91 = tpu.memref_slice %arg4[%add3A, %scan3A_13, %dma_wait3A_89, %dma_wait3A_90] : memref<32x5x25x80xi32, #tpu.memory_space<hbm>> -> memref<1x1x25x80xi32, #tpu.memory_space<hbm>>
        %dma_wait3A_92 = tpu.memref_squeeze %dma_wait3A_91 : memref<1x1x25x80xi32, #tpu.memory_space<hbm>> -> memref<25x80xi32, #tpu.memory_space<hbm>>
        %dma_wait3A_93 = arith.constant 0 : i32
        %dma_wait3A_94 = arith.constant 0 : i32
        %dma_wait3A_95 = tpu.memref_slice %arg4[%add3A, %scan3A_13, %dma_wait3A_93, %dma_wait3A_94] : memref<32x5x25x80xi32, #tpu.memory_space<hbm>> -> memref<1x1x25x80xi32, #tpu.memory_space<hbm>>
        %dma_wait3A_96 = tpu.memref_squeeze %dma_wait3A_95 : memref<1x1x25x80xi32, #tpu.memory_space<hbm>> -> memref<25x80xi32, #tpu.memory_space<hbm>>
        tpu.wait_dma2 semaphore(%run_scoped3A : memref<!tpu.dma_semaphore, #tpu.memory_space<semaphore_mem>>) src(%dma_wait3A_96 : memref<25x80xi32, #tpu.memory_space<hbm>>) dst(%arg8 : memref<25x80xi32, #tpu.memory_space<vmem>>)
        tpu.yield
      }) : () -> ()
      %dma_start3A = arith.constant 0 : i32
      %dma_start3A_14 = arith.constant 0 : i32
      %dma_start3A_15 = tpu.memref_slice %arg7[%dma_start3A, %dma_start3A_14] : memref<25x80xi32, #tpu.memory_space<vmem>> -> memref<1x80xi32, #tpu.memory_space<vmem>>
      %dma_start3A_16 = tpu.memref_squeeze %dma_start3A_15 : memref<1x80xi32, #tpu.memory_space<vmem>> -> memref<80xi32, #tpu.memory_space<vmem>>
      %dma_start3A_17 = arith.constant 0 : i32
      %dma_start3A_18 = arith.constant 0 : i32
      %dma_start3A_19 = tpu.memref_slice %arg2[%dma_start3A_17, %dma_start3A_18] : memref<10000x128xf32, #tpu.memory_space<hbm>> -> memref<10000x128xf32, #tpu.memory_space<hbm>>
      tpu.enqueue_indirect_dma source(%dma_start3A_19 : memref<10000x128xf32, #tpu.memory_space<hbm>>) target(%arg9 : memref<80x128xf32, #tpu.memory_space<vmem>>) offsets(%dma_start3A_16 : memref<80xi32, #tpu.memory_space<vmem>>) semaphore(%arg14 : memref<!tpu.dma_semaphore, #tpu.memory_space<semaphore_mem>>)
      %dma_start3A_20 = arith.constant 1 : i32
      %dma_start3A_21 = arith.constant 0 : i32
      %dma_start3A_22 = tpu.memref_slice %arg7[%dma_start3A_20, %dma_start3A_21] : memref<25x80xi32, #tpu.memory_space<vmem>> -> memref<1x80xi32, #tpu.memory_space<vmem>>
      %dma_start3A_23 = tpu.memref_squeeze %dma_start3A_22 : memref<1x80xi32, #tpu.memory_space<vmem>> -> memref<80xi32, #tpu.memory_space<vmem>>
      %dma_start3A_24 = arith.constant 0 : i32
      %dma_start3A_25 = arith.constant 0 : i32
      %dma_start3A_26 = tpu.memref_slice %arg2[%dma_start3A_24, %dma_start3A_25] : memref<10000x128xf32, #tpu.memory_space<hbm>> -> memref<10000x128xf32, #tpu.memory_space<hbm>>
      tpu.enqueue_indirect_dma source(%dma_start3A_26 : memref<10000x128xf32, #tpu.memory_space<hbm>>) target(%arg10 : memref<80x128xf32, #tpu.memory_space<vmem>>) offsets(%dma_start3A_23 : memref<80xi32, #tpu.memory_space<vmem>>) semaphore(%arg15 : memref<!tpu.dma_semaphore, #tpu.memory_space<semaphore_mem>>)
      %dma_start3A_27 = arith.constant 2 : i32
      %dma_start3A_28 = arith.constant 0 : i32
      %dma_start3A_29 = tpu.memref_slice %arg7[%dma_start3A_27, %dma_start3A_28] : memref<25x80xi32, #tpu.memory_space<vmem>> -> memref<1x80xi32, #tpu.memory_space<vmem>>
      %dma_start3A_30 = tpu.memref_squeeze %dma_start3A_29 : memref<1x80xi32, #tpu.memory_space<vmem>> -> memref<80xi32, #tpu.memory_space<vmem>>
      %dma_start3A_31 = arith.constant 0 : i32
      %dma_start3A_32 = arith.constant 0 : i32
      %dma_start3A_33 = tpu.memref_slice %arg2[%dma_start3A_31, %dma_start3A_32] : memref<10000x128xf32, #tpu.memory_space<hbm>> -> memref<10000x128xf32, #tpu.memory_space<hbm>>
      tpu.enqueue_indirect_dma source(%dma_start3A_33 : memref<10000x128xf32, #tpu.memory_space<hbm>>) target(%arg11 : memref<80x128xf32, #tpu.memory_space<vmem>>) offsets(%dma_start3A_30 : memref<80xi32, #tpu.memory_space<vmem>>) semaphore(%arg16 : memref<!tpu.dma_semaphore, #tpu.memory_space<semaphore_mem>>)
      %scan3A_34 = arith.constant 0 : i32
      %scan3A_35 = arith.constant 0 : i32
      %scan3A_36 = arith.constant 6 : i32
      %scan3A_37 = arith.addi %scan3A_35, %scan3A_36 : i32
      %scan3A_38 = arith.constant 1 : i32
      scf.for %scan3A_81 = %scan3A_35 to %scan3A_37 step %scan3A_38  : i32 {
        %mul3A_82 = arith.constant 4 : i32
        %mul3A_83 = arith.muli %mul3A_82, %scan3A_81 : i32
        %add3A_84 = arith.constant 0 : i32
        %add3A_85 = arith.addi %mul3A_83, %add3A_84 : i32
        %dma_wait3A_86 = arith.constant 0 : i32
        %dma_wait3A_87 = tpu.memref_slice %arg7[%add3A_85, %dma_wait3A_86] : memref<25x80xi32, #tpu.memory_space<vmem>> -> memref<1x80xi32, #tpu.memory_space<vmem>>
        %dma_wait3A_88 = tpu.memref_squeeze %dma_wait3A_87 : memref<1x80xi32, #tpu.memory_space<vmem>> -> memref<80xi32, #tpu.memory_space<vmem>>
        %dma_wait3A_89 = arith.constant 0 : i32
        %dma_wait3A_90 = arith.constant 0 : i32
        %dma_wait3A_91 = tpu.memref_slice %arg2[%dma_wait3A_89, %dma_wait3A_90] : memref<10000x128xf32, #tpu.memory_space<hbm>> -> memref<10000x128xf32, #tpu.memory_space<hbm>>
        tpu.wait_indirect_dma semaphore(%arg14 : memref<!tpu.dma_semaphore, #tpu.memory_space<semaphore_mem>>) src(%dma_wait3A_91 : memref<10000x128xf32, #tpu.memory_space<hbm>>) dst(%arg9 : memref<80x128xf32, #tpu.memory_space<vmem>>)
        %dma_start3A_92 = arith.constant 0 : i32
        %dma_start3A_93 = tpu.memref_slice %arg8[%add3A_85, %dma_start3A_92] : memref<25x80xi32, #tpu.memory_space<vmem>> -> memref<1x80xi32, #tpu.memory_space<vmem>>
        %dma_start3A_94 = tpu.memref_squeeze %dma_start3A_93 : memref<1x80xi32, #tpu.memory_space<vmem>> -> memref<80xi32, #tpu.memory_space<vmem>>
        %dma_start3A_95 = arith.constant 0 : i32
        %dma_start3A_96 = arith.constant 0 : i32
        %dma_start3A_97 = tpu.memref_slice %arg13[%dma_start3A_95, %dma_start3A_96] : memref<10240x128xf32, #tpu.memory_space<vmem_shared>> -> memref<10240x128xf32, #tpu.memory_space<vmem_shared>>
        tpu.enqueue_indirect_dma source(%arg9 : memref<80x128xf32, #tpu.memory_space<vmem>>) target(%dma_start3A_97 : memref<10240x128xf32, #tpu.memory_space<vmem_shared>>) offsets(%dma_start3A_94 : memref<80xi32, #tpu.memory_space<vmem>>) semaphore(%arg18 : memref<!tpu.dma_semaphore, #tpu.memory_space<semaphore_mem>>) {add = true}
        %add3A_98 = arith.constant 3 : i32
        %add3A_99 = arith.addi %add3A_85, %add3A_98 : i32
        %lt3A = arith.constant 25 : i32
        %lt3A_100 = arith.cmpi slt, %add3A_99, %lt3A : i32
        %convert_element_type3A = arith.extui %lt3A_100 : i1 to i32
        %cond3A = arith.constant 0 : i32
        %cond3A_101 = arith.cmpi ne, %convert_element_type3A, %cond3A : i32
        scf.if %cond3A_101 {
          %ge3A = arith.constant 1 : i32
          %ge3A_171 = arith.cmpi sge, %add3A_85, %ge3A : i32
          %convert_element_type3A_172 = arith.extui %ge3A_171 : i1 to i32
          %cond3A_173 = arith.constant 0 : i32
          %cond3A_174 = arith.cmpi ne, %convert_element_type3A_172, %cond3A_173 : i32
          scf.if %cond3A_174 {
            %sub3A = arith.constant 1 : i32
            %sub3A_183 = arith.subi %add3A_85, %sub3A : i32
            %dma_wait3A_184 = arith.constant 0 : i32
            %dma_wait3A_185 = tpu.memref_slice %arg8[%sub3A_183, %dma_wait3A_184] : memref<25x80xi32, #tpu.memory_space<vmem>> -> memref<1x80xi32, #tpu.memory_space<vmem>>
            %dma_wait3A_186 = tpu.memref_squeeze %dma_wait3A_185 : memref<1x80xi32, #tpu.memory_space<vmem>> -> memref<80xi32, #tpu.memory_space<vmem>>
            %dma_wait3A_187 = arith.constant 0 : i32
            %dma_wait3A_188 = arith.constant 0 : i32
            %dma_wait3A_189 = tpu.memref_slice %arg13[%dma_wait3A_187, %dma_wait3A_188] : memref<10240x128xf32, #tpu.memory_space<vmem_shared>> -> memref<10240x128xf32, #tpu.memory_space<vmem_shared>>
            tpu.wait_indirect_dma semaphore(%arg21 : memref<!tpu.dma_semaphore, #tpu.memory_space<semaphore_mem>>) src(%arg12 : memref<80x128xf32, #tpu.memory_space<vmem>>) dst(%dma_wait3A_189 : memref<10240x128xf32, #tpu.memory_space<vmem_shared>>)
          } else {
          }
          %add3A_175 = arith.constant 3 : i32
          %add3A_176 = arith.addi %add3A_85, %add3A_175 : i32
          %dma_start3A_177 = arith.constant 0 : i32
          %dma_start3A_178 = tpu.memref_slice %arg7[%add3A_176, %dma_start3A_177] : memref<25x80xi32, #tpu.memory_space<vmem>> -> memref<1x80xi32, #tpu.memory_space<vmem>>
          %dma_start3A_179 = tpu.memref_squeeze %dma_start3A_178 : memref<1x80xi32, #tpu.memory_space<vmem>> -> memref<80xi32, #tpu.memory_space<vmem>>
          %dma_start3A_180 = arith.constant 0 : i32
          %dma_start3A_181 = arith.constant 0 : i32
          %dma_start3A_182 = tpu.memref_slice %arg2[%dma_start3A_180, %dma_start3A_181] : memref<10000x128xf32, #tpu.memory_space<hbm>> -> memref<10000x128xf32, #tpu.memory_space<hbm>>
          tpu.enqueue_indirect_dma source(%dma_start3A_182 : memref<10000x128xf32, #tpu.memory_space<hbm>>) target(%arg12 : memref<80x128xf32, #tpu.memory_space<vmem>>) offsets(%dma_start3A_179 : memref<80xi32, #tpu.memory_space<vmem>>) semaphore(%arg17 : memref<!tpu.dma_semaphore, #tpu.memory_space<semaphore_mem>>)
        } else {
        }
        %mul3A_102 = arith.constant 4 : i32
        %mul3A_103 = arith.muli %mul3A_102, %scan3A_81 : i32
        %add3A_104 = arith.constant 1 : i32
        %add3A_105 = arith.addi %mul3A_103, %add3A_104 : i32
        %dma_wait3A_106 = arith.constant 0 : i32
        %dma_wait3A_107 = tpu.memref_slice %arg7[%add3A_105, %dma_wait3A_106] : memref<25x80xi32, #tpu.memory_space<vmem>> -> memref<1x80xi32, #tpu.memory_space<vmem>>
        %dma_wait3A_108 = tpu.memref_squeeze %dma_wait3A_107 : memref<1x80xi32, #tpu.memory_space<vmem>> -> memref<80xi32, #tpu.memory_space<vmem>>
        %dma_wait3A_109 = arith.constant 0 : i32
        %dma_wait3A_110 = arith.constant 0 : i32
        %dma_wait3A_111 = tpu.memref_slice %arg2[%dma_wait3A_109, %dma_wait3A_110] : memref<10000x128xf32, #tpu.memory_space<hbm>> -> memref<10000x128xf32, #tpu.memory_space<hbm>>
        tpu.wait_indirect_dma semaphore(%arg15 : memref<!tpu.dma_semaphore, #tpu.memory_space<semaphore_mem>>) src(%dma_wait3A_111 : memref<10000x128xf32, #tpu.memory_space<hbm>>) dst(%arg10 : memref<80x128xf32, #tpu.memory_space<vmem>>)
        %dma_start3A_112 = arith.constant 0 : i32
        %dma_start3A_113 = tpu.memref_slice %arg8[%add3A_105, %dma_start3A_112] : memref<25x80xi32, #tpu.memory_space<vmem>> -> memref<1x80xi32, #tpu.memory_space<vmem>>
        %dma_start3A_114 = tpu.memref_squeeze %dma_start3A_113 : memref<1x80xi32, #tpu.memory_space<vmem>> -> memref<80xi32, #tpu.memory_space<vmem>>
        %dma_start3A_115 = arith.constant 0 : i32
        %dma_start3A_116 = arith.constant 0 : i32
        %dma_start3A_117 = tpu.memref_slice %arg13[%dma_start3A_115, %dma_start3A_116] : memref<10240x128xf32, #tpu.memory_space<vmem_shared>> -> memref<10240x128xf32, #tpu.memory_space<vmem_shared>>
        tpu.enqueue_indirect_dma source(%arg10 : memref<80x128xf32, #tpu.memory_space<vmem>>) target(%dma_start3A_117 : memref<10240x128xf32, #tpu.memory_space<vmem_shared>>) offsets(%dma_start3A_114 : memref<80xi32, #tpu.memory_space<vmem>>) semaphore(%arg19 : memref<!tpu.dma_semaphore, #tpu.memory_space<semaphore_mem>>) {add = true}
        %add3A_118 = arith.constant 3 : i32
        %add3A_119 = arith.addi %add3A_105, %add3A_118 : i32
        %lt3A_120 = arith.constant 25 : i32
        %lt3A_121 = arith.cmpi slt, %add3A_119, %lt3A_120 : i32
        %convert_element_type3A_122 = arith.extui %lt3A_121 : i1 to i32
        %cond3A_123 = arith.constant 0 : i32
        %cond3A_124 = arith.cmpi ne, %convert_element_type3A_122, %cond3A_123 : i32
        scf.if %cond3A_124 {
          %ge3A = arith.constant 1 : i32
          %ge3A_171 = arith.cmpi sge, %add3A_105, %ge3A : i32
          %convert_element_type3A_172 = arith.extui %ge3A_171 : i1 to i32
          %cond3A_173 = arith.constant 0 : i32
          %cond3A_174 = arith.cmpi ne, %convert_element_type3A_172, %cond3A_173 : i32
          scf.if %cond3A_174 {
            %sub3A = arith.constant 1 : i32
            %sub3A_183 = arith.subi %add3A_105, %sub3A : i32
            %dma_wait3A_184 = arith.constant 0 : i32
            %dma_wait3A_185 = tpu.memref_slice %arg8[%sub3A_183, %dma_wait3A_184] : memref<25x80xi32, #tpu.memory_space<vmem>> -> memref<1x80xi32, #tpu.memory_space<vmem>>
            %dma_wait3A_186 = tpu.memref_squeeze %dma_wait3A_185 : memref<1x80xi32, #tpu.memory_space<vmem>> -> memref<80xi32, #tpu.memory_space<vmem>>
            %dma_wait3A_187 = arith.constant 0 : i32
            %dma_wait3A_188 = arith.constant 0 : i32
            %dma_wait3A_189 = tpu.memref_slice %arg13[%dma_wait3A_187, %dma_wait3A_188] : memref<10240x128xf32, #tpu.memory_space<vmem_shared>> -> memref<10240x128xf32, #tpu.memory_space<vmem_shared>>
            tpu.wait_indirect_dma semaphore(%arg18 : memref<!tpu.dma_semaphore, #tpu.memory_space<semaphore_mem>>) src(%arg9 : memref<80x128xf32, #tpu.memory_space<vmem>>) dst(%dma_wait3A_189 : memref<10240x128xf32, #tpu.memory_space<vmem_shared>>)
          } else {
          }
          %add3A_175 = arith.constant 3 : i32
          %add3A_176 = arith.addi %add3A_105, %add3A_175 : i32
          %dma_start3A_177 = arith.constant 0 : i32
          %dma_start3A_178 = tpu.memref_slice %arg7[%add3A_176, %dma_start3A_177] : memref<25x80xi32, #tpu.memory_space<vmem>> -> memref<1x80xi32, #tpu.memory_space<vmem>>
          %dma_start3A_179 = tpu.memref_squeeze %dma_start3A_178 : memref<1x80xi32, #tpu.memory_space<vmem>> -> memref<80xi32, #tpu.memory_space<vmem>>
          %dma_start3A_180 = arith.constant 0 : i32
          %dma_start3A_181 = arith.constant 0 : i32
          %dma_start3A_182 = tpu.memref_slice %arg2[%dma_start3A_180, %dma_start3A_181] : memref<10000x128xf32, #tpu.memory_space<hbm>> -> memref<10000x128xf32, #tpu.memory_space<hbm>>
          tpu.enqueue_indirect_dma source(%dma_start3A_182 : memref<10000x128xf32, #tpu.memory_space<hbm>>) target(%arg9 : memref<80x128xf32, #tpu.memory_space<vmem>>) offsets(%dma_start3A_179 : memref<80xi32, #tpu.memory_space<vmem>>) semaphore(%arg14 : memref<!tpu.dma_semaphore, #tpu.memory_space<semaphore_mem>>)
        } else {
        }
        %mul3A_125 = arith.constant 4 : i32
        %mul3A_126 = arith.muli %mul3A_125, %scan3A_81 : i32
        %add3A_127 = arith.constant 2 : i32
        %add3A_128 = arith.addi %mul3A_126, %add3A_127 : i32
        %dma_wait3A_129 = arith.constant 0 : i32
        %dma_wait3A_130 = tpu.memref_slice %arg7[%add3A_128, %dma_wait3A_129] : memref<25x80xi32, #tpu.memory_space<vmem>> -> memref<1x80xi32, #tpu.memory_space<vmem>>
        %dma_wait3A_131 = tpu.memref_squeeze %dma_wait3A_130 : memref<1x80xi32, #tpu.memory_space<vmem>> -> memref<80xi32, #tpu.memory_space<vmem>>
        %dma_wait3A_132 = arith.constant 0 : i32
        %dma_wait3A_133 = arith.constant 0 : i32
        %dma_wait3A_134 = tpu.memref_slice %arg2[%dma_wait3A_132, %dma_wait3A_133] : memref<10000x128xf32, #tpu.memory_space<hbm>> -> memref<10000x128xf32, #tpu.memory_space<hbm>>
        tpu.wait_indirect_dma semaphore(%arg16 : memref<!tpu.dma_semaphore, #tpu.memory_space<semaphore_mem>>) src(%dma_wait3A_134 : memref<10000x128xf32, #tpu.memory_space<hbm>>) dst(%arg11 : memref<80x128xf32, #tpu.memory_space<vmem>>)
        %dma_start3A_135 = arith.constant 0 : i32
        %dma_start3A_136 = tpu.memref_slice %arg8[%add3A_128, %dma_start3A_135] : memref<25x80xi32, #tpu.memory_space<vmem>> -> memref<1x80xi32, #tpu.memory_space<vmem>>
        %dma_start3A_137 = tpu.memref_squeeze %dma_start3A_136 : memref<1x80xi32, #tpu.memory_space<vmem>> -> memref<80xi32, #tpu.memory_space<vmem>>
        %dma_start3A_138 = arith.constant 0 : i32
        %dma_start3A_139 = arith.constant 0 : i32
        %dma_start3A_140 = tpu.memref_slice %arg13[%dma_start3A_138, %dma_start3A_139] : memref<10240x128xf32, #tpu.memory_space<vmem_shared>> -> memref<10240x128xf32, #tpu.memory_space<vmem_shared>>
        tpu.enqueue_indirect_dma source(%arg11 : memref<80x128xf32, #tpu.memory_space<vmem>>) target(%dma_start3A_140 : memref<10240x128xf32, #tpu.memory_space<vmem_shared>>) offsets(%dma_start3A_137 : memref<80xi32, #tpu.memory_space<vmem>>) semaphore(%arg20 : memref<!tpu.dma_semaphore, #tpu.memory_space<semaphore_mem>>) {add = true}
        %add3A_141 = arith.constant 3 : i32
        %add3A_142 = arith.addi %add3A_128, %add3A_141 : i32
        %lt3A_143 = arith.constant 25 : i32
        %lt3A_144 = arith.cmpi slt, %add3A_142, %lt3A_143 : i32
        %convert_element_type3A_145 = arith.extui %lt3A_144 : i1 to i32
        %cond3A_146 = arith.constant 0 : i32
        %cond3A_147 = arith.cmpi ne, %convert_element_type3A_145, %cond3A_146 : i32
        scf.if %cond3A_147 {
          %ge3A = arith.constant 1 : i32
          %ge3A_171 = arith.cmpi sge, %add3A_128, %ge3A : i32
          %convert_element_type3A_172 = arith.extui %ge3A_171 : i1 to i32
          %cond3A_173 = arith.constant 0 : i32
          %cond3A_174 = arith.cmpi ne, %convert_element_type3A_172, %cond3A_173 : i32
          scf.if %cond3A_174 {
            %sub3A = arith.constant 1 : i32
            %sub3A_183 = arith.subi %add3A_128, %sub3A : i32
            %dma_wait3A_184 = arith.constant 0 : i32
            %dma_wait3A_185 = tpu.memref_slice %arg8[%sub3A_183, %dma_wait3A_184] : memref<25x80xi32, #tpu.memory_space<vmem>> -> memref<1x80xi32, #tpu.memory_space<vmem>>
            %dma_wait3A_186 = tpu.memref_squeeze %dma_wait3A_185 : memref<1x80xi32, #tpu.memory_space<vmem>> -> memref<80xi32, #tpu.memory_space<vmem>>
            %dma_wait3A_187 = arith.constant 0 : i32
            %dma_wait3A_188 = arith.constant 0 : i32
            %dma_wait3A_189 = tpu.memref_slice %arg13[%dma_wait3A_187, %dma_wait3A_188] : memref<10240x128xf32, #tpu.memory_space<vmem_shared>> -> memref<10240x128xf32, #tpu.memory_space<vmem_shared>>
            tpu.wait_indirect_dma semaphore(%arg19 : memref<!tpu.dma_semaphore, #tpu.memory_space<semaphore_mem>>) src(%arg10 : memref<80x128xf32, #tpu.memory_space<vmem>>) dst(%dma_wait3A_189 : memref<10240x128xf32, #tpu.memory_space<vmem_shared>>)
          } else {
          }
          %add3A_175 = arith.constant 3 : i32
          %add3A_176 = arith.addi %add3A_128, %add3A_175 : i32
          %dma_start3A_177 = arith.constant 0 : i32
          %dma_start3A_178 = tpu.memref_slice %arg7[%add3A_176, %dma_start3A_177] : memref<25x80xi32, #tpu.memory_space<vmem>> -> memref<1x80xi32, #tpu.memory_space<vmem>>
          %dma_start3A_179 = tpu.memref_squeeze %dma_start3A_178 : memref<1x80xi32, #tpu.memory_space<vmem>> -> memref<80xi32, #tpu.memory_space<vmem>>
          %dma_start3A_180 = arith.constant 0 : i32
          %dma_start3A_181 = arith.constant 0 : i32
          %dma_start3A_182 = tpu.memref_slice %arg2[%dma_start3A_180, %dma_start3A_181] : memref<10000x128xf32, #tpu.memory_space<hbm>> -> memref<10000x128xf32, #tpu.memory_space<hbm>>
          tpu.enqueue_indirect_dma source(%dma_start3A_182 : memref<10000x128xf32, #tpu.memory_space<hbm>>) target(%arg10 : memref<80x128xf32, #tpu.memory_space<vmem>>) offsets(%dma_start3A_179 : memref<80xi32, #tpu.memory_space<vmem>>) semaphore(%arg15 : memref<!tpu.dma_semaphore, #tpu.memory_space<semaphore_mem>>)
        } else {
        }
        %mul3A_148 = arith.constant 4 : i32
        %mul3A_149 = arith.muli %mul3A_148, %scan3A_81 : i32
        %add3A_150 = arith.constant 3 : i32
        %add3A_151 = arith.addi %mul3A_149, %add3A_150 : i32
        %dma_wait3A_152 = arith.constant 0 : i32
        %dma_wait3A_153 = tpu.memref_slice %arg7[%add3A_151, %dma_wait3A_152] : memref<25x80xi32, #tpu.memory_space<vmem>> -> memref<1x80xi32, #tpu.memory_space<vmem>>
        %dma_wait3A_154 = tpu.memref_squeeze %dma_wait3A_153 : memref<1x80xi32, #tpu.memory_space<vmem>> -> memref<80xi32, #tpu.memory_space<vmem>>
        %dma_wait3A_155 = arith.constant 0 : i32
        %dma_wait3A_156 = arith.constant 0 : i32
        %dma_wait3A_157 = tpu.memref_slice %arg2[%dma_wait3A_155, %dma_wait3A_156] : memref<10000x128xf32, #tpu.memory_space<hbm>> -> memref<10000x128xf32, #tpu.memory_space<hbm>>
        tpu.wait_indirect_dma semaphore(%arg17 : memref<!tpu.dma_semaphore, #tpu.memory_space<semaphore_mem>>) src(%dma_wait3A_157 : memref<10000x128xf32, #tpu.memory_space<hbm>>) dst(%arg12 : memref<80x128xf32, #tpu.memory_space<vmem>>)
        %dma_start3A_158 = arith.constant 0 : i32
        %dma_start3A_159 = tpu.memref_slice %arg8[%add3A_151, %dma_start3A_158] : memref<25x80xi32, #tpu.memory_space<vmem>> -> memref<1x80xi32, #tpu.memory_space<vmem>>
        %dma_start3A_160 = tpu.memref_squeeze %dma_start3A_159 : memref<1x80xi32, #tpu.memory_space<vmem>> -> memref<80xi32, #tpu.memory_space<vmem>>
        %dma_start3A_161 = arith.constant 0 : i32
        %dma_start3A_162 = arith.constant 0 : i32
        %dma_start3A_163 = tpu.memref_slice %arg13[%dma_start3A_161, %dma_start3A_162] : memref<10240x128xf32, #tpu.memory_space<vmem_shared>> -> memref<10240x128xf32, #tpu.memory_space<vmem_shared>>
        tpu.enqueue_indirect_dma source(%arg12 : memref<80x128xf32, #tpu.memory_space<vmem>>) target(%dma_start3A_163 : memref<10240x128xf32, #tpu.memory_space<vmem_shared>>) offsets(%dma_start3A_160 : memref<80xi32, #tpu.memory_space<vmem>>) semaphore(%arg21 : memref<!tpu.dma_semaphore, #tpu.memory_space<semaphore_mem>>) {add = true}
        %add3A_164 = arith.constant 3 : i32
        %add3A_165 = arith.addi %add3A_151, %add3A_164 : i32
        %lt3A_166 = arith.constant 25 : i32
        %lt3A_167 = arith.cmpi slt, %add3A_165, %lt3A_166 : i32
        %convert_element_type3A_168 = arith.extui %lt3A_167 : i1 to i32
        %cond3A_169 = arith.constant 0 : i32
        %cond3A_170 = arith.cmpi ne, %convert_element_type3A_168, %cond3A_169 : i32
        scf.if %cond3A_170 {
          %ge3A = arith.constant 1 : i32
          %ge3A_171 = arith.cmpi sge, %add3A_151, %ge3A : i32
          %convert_element_type3A_172 = arith.extui %ge3A_171 : i1 to i32
          %cond3A_173 = arith.constant 0 : i32
          %cond3A_174 = arith.cmpi ne, %convert_element_type3A_172, %cond3A_173 : i32
          scf.if %cond3A_174 {
            %sub3A = arith.constant 1 : i32
            %sub3A_183 = arith.subi %add3A_151, %sub3A : i32
            %dma_wait3A_184 = arith.constant 0 : i32
            %dma_wait3A_185 = tpu.memref_slice %arg8[%sub3A_183, %dma_wait3A_184] : memref<25x80xi32, #tpu.memory_space<vmem>> -> memref<1x80xi32, #tpu.memory_space<vmem>>
            %dma_wait3A_186 = tpu.memref_squeeze %dma_wait3A_185 : memref<1x80xi32, #tpu.memory_space<vmem>> -> memref<80xi32, #tpu.memory_space<vmem>>
            %dma_wait3A_187 = arith.constant 0 : i32
            %dma_wait3A_188 = arith.constant 0 : i32
            %dma_wait3A_189 = tpu.memref_slice %arg13[%dma_wait3A_187, %dma_wait3A_188] : memref<10240x128xf32, #tpu.memory_space<vmem_shared>> -> memref<10240x128xf32, #tpu.memory_space<vmem_shared>>
            tpu.wait_indirect_dma semaphore(%arg20 : memref<!tpu.dma_semaphore, #tpu.memory_space<semaphore_mem>>) src(%arg11 : memref<80x128xf32, #tpu.memory_space<vmem>>) dst(%dma_wait3A_189 : memref<10240x128xf32, #tpu.memory_space<vmem_shared>>)
          } else {
          }
          %add3A_175 = arith.constant 3 : i32
          %add3A_176 = arith.addi %add3A_151, %add3A_175 : i32
          %dma_start3A_177 = arith.constant 0 : i32
          %dma_start3A_178 = tpu.memref_slice %arg7[%add3A_176, %dma_start3A_177] : memref<25x80xi32, #tpu.memory_space<vmem>> -> memref<1x80xi32, #tpu.memory_space<vmem>>
          %dma_start3A_179 = tpu.memref_squeeze %dma_start3A_178 : memref<1x80xi32, #tpu.memory_space<vmem>> -> memref<80xi32, #tpu.memory_space<vmem>>
          %dma_start3A_180 = arith.constant 0 : i32
          %dma_start3A_181 = arith.constant 0 : i32
          %dma_start3A_182 = tpu.memref_slice %arg2[%dma_start3A_180, %dma_start3A_181] : memref<10000x128xf32, #tpu.memory_space<hbm>> -> memref<10000x128xf32, #tpu.memory_space<hbm>>
          tpu.enqueue_indirect_dma source(%dma_start3A_182 : memref<10000x128xf32, #tpu.memory_space<hbm>>) target(%arg11 : memref<80x128xf32, #tpu.memory_space<vmem>>) offsets(%dma_start3A_179 : memref<80xi32, #tpu.memory_space<vmem>>) semaphore(%arg16 : memref<!tpu.dma_semaphore, #tpu.memory_space<semaphore_mem>>)
        } else {
        }
      }
      %scan3A_39 = arith.constant 6 : i32
      %dma_wait3A = arith.constant 24 : i32
      %dma_wait3A_40 = arith.constant 0 : i32
      %dma_wait3A_41 = tpu.memref_slice %arg7[%dma_wait3A, %dma_wait3A_40] : memref<25x80xi32, #tpu.memory_space<vmem>> -> memref<1x80xi32, #tpu.memory_space<vmem>>
      %dma_wait3A_42 = tpu.memref_squeeze %dma_wait3A_41 : memref<1x80xi32, #tpu.memory_space<vmem>> -> memref<80xi32, #tpu.memory_space<vmem>>
      %dma_wait3A_43 = arith.constant 0 : i32
      %dma_wait3A_44 = arith.constant 0 : i32
      %dma_wait3A_45 = tpu.memref_slice %arg2[%dma_wait3A_43, %dma_wait3A_44] : memref<10000x128xf32, #tpu.memory_space<hbm>> -> memref<10000x128xf32, #tpu.memory_space<hbm>>
      tpu.wait_indirect_dma semaphore(%arg14 : memref<!tpu.dma_semaphore, #tpu.memory_space<semaphore_mem>>) src(%dma_wait3A_45 : memref<10000x128xf32, #tpu.memory_space<hbm>>) dst(%arg9 : memref<80x128xf32, #tpu.memory_space<vmem>>)
      %dma_start3A_46 = arith.constant 24 : i32
      %dma_start3A_47 = arith.constant 0 : i32
      %dma_start3A_48 = tpu.memref_slice %arg8[%dma_start3A_46, %dma_start3A_47] : memref<25x80xi32, #tpu.memory_space<vmem>> -> memref<1x80xi32, #tpu.memory_space<vmem>>
      %dma_start3A_49 = tpu.memref_squeeze %dma_start3A_48 : memref<1x80xi32, #tpu.memory_space<vmem>> -> memref<80xi32, #tpu.memory_space<vmem>>
      %dma_start3A_50 = arith.constant 0 : i32
      %dma_start3A_51 = arith.constant 0 : i32
      %dma_start3A_52 = tpu.memref_slice %arg13[%dma_start3A_50, %dma_start3A_51] : memref<10240x128xf32, #tpu.memory_space<vmem_shared>> -> memref<10240x128xf32, #tpu.memory_space<vmem_shared>>
      tpu.enqueue_indirect_dma source(%arg9 : memref<80x128xf32, #tpu.memory_space<vmem>>) target(%dma_start3A_52 : memref<10240x128xf32, #tpu.memory_space<vmem_shared>>) offsets(%dma_start3A_49 : memref<80xi32, #tpu.memory_space<vmem>>) semaphore(%arg18 : memref<!tpu.dma_semaphore, #tpu.memory_space<semaphore_mem>>) {add = true}
      %dma_wait3A_53 = arith.constant 21 : i32
      %dma_wait3A_54 = arith.constant 0 : i32
      %dma_wait3A_55 = tpu.memref_slice %arg8[%dma_wait3A_53, %dma_wait3A_54] : memref<25x80xi32, #tpu.memory_space<vmem>> -> memref<1x80xi32, #tpu.memory_space<vmem>>
      %dma_wait3A_56 = tpu.memref_squeeze %dma_wait3A_55 : memref<1x80xi32, #tpu.memory_space<vmem>> -> memref<80xi32, #tpu.memory_space<vmem>>
      %dma_wait3A_57 = arith.constant 0 : i32
      %dma_wait3A_58 = arith.constant 0 : i32
      %dma_wait3A_59 = tpu.memref_slice %arg13[%dma_wait3A_57, %dma_wait3A_58] : memref<10240x128xf32, #tpu.memory_space<vmem_shared>> -> memref<10240x128xf32, #tpu.memory_space<vmem_shared>>
      tpu.wait_indirect_dma semaphore(%arg19 : memref<!tpu.dma_semaphore, #tpu.memory_space<semaphore_mem>>) src(%arg10 : memref<80x128xf32, #tpu.memory_space<vmem>>) dst(%dma_wait3A_59 : memref<10240x128xf32, #tpu.memory_space<vmem_shared>>)
      %dma_wait3A_60 = arith.constant 22 : i32
      %dma_wait3A_61 = arith.constant 0 : i32
      %dma_wait3A_62 = tpu.memref_slice %arg8[%dma_wait3A_60, %dma_wait3A_61] : memref<25x80xi32, #tpu.memory_space<vmem>> -> memref<1x80xi32, #tpu.memory_space<vmem>>
      %dma_wait3A_63 = tpu.memref_squeeze %dma_wait3A_62 : memref<1x80xi32, #tpu.memory_space<vmem>> -> memref<80xi32, #tpu.memory_space<vmem>>
      %dma_wait3A_64 = arith.constant 0 : i32
      %dma_wait3A_65 = arith.constant 0 : i32
      %dma_wait3A_66 = tpu.memref_slice %arg13[%dma_wait3A_64, %dma_wait3A_65] : memref<10240x128xf32, #tpu.memory_space<vmem_shared>> -> memref<10240x128xf32, #tpu.memory_space<vmem_shared>>
      tpu.wait_indirect_dma semaphore(%arg20 : memref<!tpu.dma_semaphore, #tpu.memory_space<semaphore_mem>>) src(%arg11 : memref<80x128xf32, #tpu.memory_space<vmem>>) dst(%dma_wait3A_66 : memref<10240x128xf32, #tpu.memory_space<vmem_shared>>)
      %dma_wait3A_67 = arith.constant 23 : i32
      %dma_wait3A_68 = arith.constant 0 : i32
      %dma_wait3A_69 = tpu.memref_slice %arg8[%dma_wait3A_67, %dma_wait3A_68] : memref<25x80xi32, #tpu.memory_space<vmem>> -> memref<1x80xi32, #tpu.memory_space<vmem>>
      %dma_wait3A_70 = tpu.memref_squeeze %dma_wait3A_69 : memref<1x80xi32, #tpu.memory_space<vmem>> -> memref<80xi32, #tpu.memory_space<vmem>>
      %dma_wait3A_71 = arith.constant 0 : i32
      %dma_wait3A_72 = arith.constant 0 : i32
      %dma_wait3A_73 = tpu.memref_slice %arg13[%dma_wait3A_71, %dma_wait3A_72] : memref<10240x128xf32, #tpu.memory_space<vmem_shared>> -> memref<10240x128xf32, #tpu.memory_space<vmem_shared>>
      tpu.wait_indirect_dma semaphore(%arg21 : memref<!tpu.dma_semaphore, #tpu.memory_space<semaphore_mem>>) src(%arg12 : memref<80x128xf32, #tpu.memory_space<vmem>>) dst(%dma_wait3A_73 : memref<10240x128xf32, #tpu.memory_space<vmem_shared>>)
      %dma_wait3A_74 = arith.constant 24 : i32
      %dma_wait3A_75 = arith.constant 0 : i32
      %dma_wait3A_76 = tpu.memref_slice %arg8[%dma_wait3A_74, %dma_wait3A_75] : memref<25x80xi32, #tpu.memory_space<vmem>> -> memref<1x80xi32, #tpu.memory_space<vmem>>
      %dma_wait3A_77 = tpu.memref_squeeze %dma_wait3A_76 : memref<1x80xi32, #tpu.memory_space<vmem>> -> memref<80xi32, #tpu.memory_space<vmem>>
      %dma_wait3A_78 = arith.constant 0 : i32
      %dma_wait3A_79 = arith.constant 0 : i32
      %dma_wait3A_80 = tpu.memref_slice %arg13[%dma_wait3A_78, %dma_wait3A_79] : memref<10240x128xf32, #tpu.memory_space<vmem_shared>> -> memref<10240x128xf32, #tpu.memory_space<vmem_shared>>
      tpu.wait_indirect_dma semaphore(%arg18 : memref<!tpu.dma_semaphore, #tpu.memory_space<semaphore_mem>>) src(%arg9 : memref<80x128xf32, #tpu.memory_space<vmem>>) dst(%dma_wait3A_80 : memref<10240x128xf32, #tpu.memory_space<vmem_shared>>)
    }
    %scan3A_7 = arith.constant 5 : i32
    %barrier3A_8 = arith.constant 0 : index
    tpu.barrier barrier_id(%barrier3A_8)
    %mul3A_9 = arith.constant 640 : i32
    %mul3A_10 = arith.muli %arg1, %mul3A_9 : i32
    %mul3A_11 = arith.constant 640 : i32
    %mul3A_12 = arith.muli %arg1, %mul3A_11 : i32
    "tpu.region"() ({
      %run_scoped3A = tpu.sem_alloc : memref<!tpu.dma_semaphore, #tpu.memory_space<semaphore_mem>>
      %dma_start3A = arith.constant 0 : i32
      %dma_start3A_13 = tpu.memref_slice %arg6[%arg0, %mul3A_12, %dma_start3A] : memref<2x10240x128xf32, #tpu.memory_space<hbm>> -> memref<1x640x128xf32, #tpu.memory_space<hbm>>
      %dma_start3A_14 = tpu.memref_squeeze %dma_start3A_13 : memref<1x640x128xf32, #tpu.memory_space<hbm>> -> memref<640x128xf32, #tpu.memory_space<hbm>>
      %dma_start3A_15 = arith.constant 0 : i32
      %dma_start3A_16 = tpu.memref_slice %arg13[%mul3A_10, %dma_start3A_15] : memref<10240x128xf32, #tpu.memory_space<vmem_shared>> -> memref<640x128xf32, #tpu.memory_space<vmem_shared>>
      tpu.enqueue_dma source(%dma_start3A_16 : memref<640x128xf32, #tpu.memory_space<vmem_shared>>) target(%dma_start3A_14 : memref<640x128xf32, #tpu.memory_space<hbm>>) target_semaphore(%run_scoped3A : memref<!tpu.dma_semaphore, #tpu.memory_space<semaphore_mem>>)
      %dma_wait3A = arith.constant 0 : i32
      %dma_wait3A_17 = tpu.memref_slice %arg6[%arg0, %mul3A_12, %dma_wait3A] : memref<2x10240x128xf32, #tpu.memory_space<hbm>> -> memref<1x640x128xf32, #tpu.memory_space<hbm>>
      %dma_wait3A_18 = tpu.memref_squeeze %dma_wait3A_17 : memref<1x640x128xf32, #tpu.memory_space<hbm>> -> memref<640x128xf32, #tpu.memory_space<hbm>>
      %dma_wait3A_19 = arith.constant 0 : i32
      %dma_wait3A_20 = tpu.memref_slice %arg13[%mul3A_10, %dma_wait3A_19] : memref<10240x128xf32, #tpu.memory_space<vmem_shared>> -> memref<640x128xf32, #tpu.memory_space<vmem_shared>>
      tpu.wait_dma2 semaphore(%run_scoped3A : memref<!tpu.dma_semaphore, #tpu.memory_space<semaphore_mem>>) src(%dma_wait3A_20 : memref<640x128xf32, #tpu.memory_space<vmem_shared>>) dst(%dma_wait3A_18 : memref<640x128xf32, #tpu.memory_space<hbm>>)
      tpu.yield
    }) : () -> ()
    return
  }
}

module attributes {stable_mosaic.version = 14 : i64} {
  func.func @_tc1_body(%arg0: memref<32x2x10240xf32, #tpu.memory_space<vmem>>, %arg1: memref<10000x128xf32, #tpu.memory_space<vmem>>, %arg2: memref<128x128xf32, #tpu.memory_space<vmem>>, %arg3: memref<10000x128xf32, #tpu.memory_space<vmem>>, %arg4: memref<10000x1xf32, #tpu.memory_space<vmem>>, %arg5: memref<10000x1xf32, #tpu.memory_space<vmem>>) attributes {dimension_semantics = [], scalar_prefetch = 0 : i64, scratch_operands = 0 : i64, tpu.core_type = #tpu.core_type<tc>} {
    %get3A = arith.constant 0 : index
    %get3A_0 = arith.constant 0 : index
    %get3A_1 = arith.constant 0 : index
    %get3A_2 = vector.load %arg0[%get3A, %get3A_0, %get3A_1] : memref<32x2x10240xf32, #tpu.memory_space<vmem>>, vector<32x2x10240xf32>
    %reduce_sum3A = arith.constant dense<0.000000e+00> : vector<2x10240xf32>
    %reduce_sum3A_3 = vector.multi_reduction <add>, %get3A_2, %reduce_sum3A [0] : vector<32x2x10240xf32> to vector<2x10240xf32>
    %slice3A = vector.extract_strided_slice %reduce_sum3A_3 {offsets = [0, 0], sizes = [1, 10240], strides = [1, 1]} : vector<2x10240xf32> to vector<1x10240xf32>
    %squeeze3A = vector.shape_cast %slice3A : vector<1x10240xf32> to vector<10240xf32>
    %slice3A_4 = vector.extract_strided_slice %squeeze3A {offsets = [0], sizes = [10000], strides = [1]} : vector<10240xf32> to vector<10000xf32>
    %broadcast_in_dim3A = vector.shape_cast %slice3A_4 : vector<10000xf32> to vector<10000x1xf32>
    %slice3A_5 = vector.extract_strided_slice %reduce_sum3A_3 {offsets = [1, 0], sizes = [1, 10240], strides = [1, 1]} : vector<2x10240xf32> to vector<1x10240xf32>
    %squeeze3A_6 = vector.shape_cast %slice3A_5 : vector<1x10240xf32> to vector<10240xf32>
    %slice3A_7 = vector.extract_strided_slice %squeeze3A_6 {offsets = [0], sizes = [10000], strides = [1]} : vector<10240xf32> to vector<10000xf32>
    %broadcast_in_dim3A_8 = vector.shape_cast %slice3A_7 : vector<10000xf32> to vector<10000x1xf32>
    %gt3A = arith.constant 0.000000e+00 : f32
    %gt3A_9 = vector.broadcast %gt3A : f32 to vector<10000x1xf32>
    %gt3A_10 = arith.cmpf ogt, %broadcast_in_dim3A, %gt3A_9 : vector<10000x1xf32>
    %max3A = arith.constant 1.000000e+00 : f32
    %max3A_11 = vector.broadcast %max3A : f32 to vector<10000x1xf32>
    %max3A_12 = arith.maximumf %broadcast_in_dim3A, %max3A_11 : vector<10000x1xf32>
    %rsqrt3A = math.rsqrt %max3A_12 : vector<10000x1xf32>
    %jit3A = arith.constant 0.000000e+00 : f32
    %broadcast_in_dim3A_13 = vector.broadcast %jit3A : f32 to vector<10000x1xf32>
    %select_n3A = arith.select %gt3A_10, %rsqrt3A, %broadcast_in_dim3A_13 : vector<10000x1xi1>, vector<10000x1xf32>
    %gt3A_14 = arith.constant 0.000000e+00 : f32
    %gt3A_15 = vector.broadcast %gt3A_14 : f32 to vector<10000x1xf32>
    %gt3A_16 = arith.cmpf ogt, %broadcast_in_dim3A_8, %gt3A_15 : vector<10000x1xf32>
    %max3A_17 = arith.constant 1.000000e+00 : f32
    %max3A_18 = vector.broadcast %max3A_17 : f32 to vector<10000x1xf32>
    %max3A_19 = arith.maximumf %broadcast_in_dim3A_8, %max3A_18 : vector<10000x1xf32>
    %rsqrt3A_20 = math.rsqrt %max3A_19 : vector<10000x1xf32>
    %jit3A_21 = arith.constant 0.000000e+00 : f32
    %broadcast_in_dim3A_22 = vector.broadcast %jit3A_21 : f32 to vector<10000x1xf32>
    %select_n3A_23 = arith.select %gt3A_16, %rsqrt3A_20, %broadcast_in_dim3A_22 : vector<10000x1xi1>, vector<10000x1xf32>
    %swap3A = arith.constant 0 : index
    %swap3A_24 = arith.constant 0 : index
    %swap3A_25 = vector.load %arg4[%swap3A, %swap3A_24] : memref<10000x1xf32, #tpu.memory_space<vmem>>, vector<10000x1xf32>
    tpu.vector_store %arg4[%swap3A, %swap3A_24], %select_n3A {strides = array<i32>} : memref<10000x1xf32, #tpu.memory_space<vmem>>, vector<10000x1xf32>,
    %swap3A_26 = arith.constant 0 : index
    %swap3A_27 = arith.constant 0 : index
    %swap3A_28 = vector.load %arg5[%swap3A_26, %swap3A_27] : memref<10000x1xf32, #tpu.memory_space<vmem>>, vector<10000x1xf32>
    tpu.vector_store %arg5[%swap3A_26, %swap3A_27], %select_n3A_23 {strides = array<i32>} : memref<10000x1xf32, #tpu.memory_space<vmem>>, vector<10000x1xf32>,
    %get3A_29 = arith.constant 0 : index
    %get3A_30 = arith.constant 0 : index
    %get3A_31 = vector.load %arg1[%get3A_29, %get3A_30] : memref<10000x128xf32, #tpu.memory_space<vmem>>, vector<10000x128xf32>
    %get3A_32 = arith.constant 0 : index
    %get3A_33 = arith.constant 0 : index
    %get3A_34 = vector.load %arg2[%get3A_32, %get3A_33] : memref<128x128xf32, #tpu.memory_space<vmem>>, vector<128x128xf32>
    %dot_general3A = arith.constant dense<0.000000e+00> : vector<10000x128xf32>
    %dot_general3A_35 = tpu.matmul %get3A_31, %get3A_34, %dot_general3A {dimension_numbers = #tpu.dot_dimension_numbers<[1], [0], [0], [1], [0, 0, 1, 1], [], []>, transpose_lhs_hint = false} : vector<10000x128xf32>, vector<128x128xf32>, vector<10000x128xf32> -> vector<10000x128xf32>
    %mul3A = vector.broadcast %select_n3A : vector<10000x1xf32> to vector<10000x128xf32>
    %mul3A_36 = arith.mulf %dot_general3A_35, %mul3A : vector<10000x128xf32>
    %swap3A_37 = arith.constant 0 : index
    %swap3A_38 = arith.constant 0 : index
    %swap3A_39 = vector.load %arg3[%swap3A_37, %swap3A_38] : memref<10000x128xf32, #tpu.memory_space<vmem>>, vector<10000x128xf32>
    tpu.vector_store %arg3[%swap3A_37, %swap3A_38], %mul3A_36 {strides = array<i32>} : memref<10000x128xf32, #tpu.memory_space<vmem>>, vector<10000x128xf32>,
    return
  }
}

module attributes {stable_mosaic.version = 14 : i64} {
  func.func @_tc2_body(%arg0: memref<2x10240x128xf32, #tpu.memory_space<vmem>>, %arg1: memref<10000x1xf32, #tpu.memory_space<vmem>>, %arg2: memref<10000x1xf32, #tpu.memory_space<vmem>>, %arg3: memref<1x128xf32, #tpu.memory_space<vmem>>, %arg4: memref<10000x128xf32, #tpu.memory_space<vmem>>) attributes {dimension_semantics = [], scalar_prefetch = 0 : i64, scratch_operands = 0 : i64, tpu.core_type = #tpu.core_type<tc>} {
    %get3A = arith.constant 0 : index
    %get3A_0 = arith.constant 0 : index
    %get3A_1 = arith.constant 0 : index
    %get3A_2 = vector.load %arg0[%get3A, %get3A_0, %get3A_1] : memref<2x10240x128xf32, #tpu.memory_space<vmem>>, vector<1x10000x128xf32>
    %get3A_3 = vector.shape_cast %get3A_2 : vector<1x10000x128xf32> to vector<10000x128xf32>
    %get3A_4 = arith.constant 1 : index
    %get3A_5 = arith.constant 0 : index
    %get3A_6 = arith.constant 0 : index
    %get3A_7 = vector.load %arg0[%get3A_4, %get3A_5, %get3A_6] : memref<2x10240x128xf32, #tpu.memory_space<vmem>>, vector<1x10000x128xf32>
    %get3A_8 = vector.shape_cast %get3A_7 : vector<1x10000x128xf32> to vector<10000x128xf32>
    %add3A = arith.addf %get3A_3, %get3A_8 : vector<10000x128xf32>
    %get3A_9 = arith.constant 0 : index
    %get3A_10 = arith.constant 0 : index
    %get3A_11 = vector.load %arg1[%get3A_9, %get3A_10] : memref<10000x1xf32, #tpu.memory_space<vmem>>, vector<10000x1xf32>
    %mul3A = vector.broadcast %get3A_11 : vector<10000x1xf32> to vector<10000x128xf32>
    %mul3A_12 = arith.mulf %add3A, %mul3A : vector<10000x128xf32>
    %get3A_13 = arith.constant 0 : index
    %get3A_14 = arith.constant 0 : index
    %get3A_15 = vector.load %arg3[%get3A_13, %get3A_14] : memref<1x128xf32, #tpu.memory_space<vmem>>, vector<1x128xf32>
    %add3A_16 = vector.broadcast %get3A_15 : vector<1x128xf32> to vector<10000x128xf32>
    %add3A_17 = arith.addf %mul3A_12, %add3A_16 : vector<10000x128xf32>
    %max3A = arith.constant 0.000000e+00 : f32
    %max3A_18 = vector.broadcast %max3A : f32 to vector<10000x128xf32>
    %max3A_19 = arith.maximumf %add3A_17, %max3A_18 : vector<10000x128xf32>
    %get3A_20 = arith.constant 0 : index
    %get3A_21 = arith.constant 0 : index
    %get3A_22 = vector.load %arg2[%get3A_20, %get3A_21] : memref<10000x1xf32, #tpu.memory_space<vmem>>, vector<10000x1xf32>
    %mul3A_23 = vector.broadcast %get3A_22 : vector<10000x1xf32> to vector<10000x128xf32>
    %mul3A_24 = arith.mulf %max3A_19, %mul3A_23 : vector<10000x128xf32>
    %swap3A = arith.constant 0 : index
    %swap3A_25 = arith.constant 0 : index
    %swap3A_26 = vector.load %arg4[%swap3A, %swap3A_25] : memref<10000x128xf32, #tpu.memory_space<vmem>>, vector<10000x128xf32>
    tpu.vector_store %arg4[%swap3A, %swap3A_25], %mul3A_24 {strides = array<i32>} : memref<10000x128xf32, #tpu.memory_space<vmem>>, vector<10000x128xf32>,
    return
  }
}

module attributes {stable_mosaic.version = 14 : i64} {
  func.func @_tc3_body(%arg0: memref<2x10240x128xf32, #tpu.memory_space<vmem>>, %arg1: memref<10000x1xf32, #tpu.memory_space<vmem>>, %arg2: memref<128x64xf32, #tpu.memory_space<vmem>>, %arg3: memref<1x64xf32, #tpu.memory_space<vmem>>, %arg4: memref<128x64xf32, #tpu.memory_space<vmem>>, %arg5: memref<1x64xf32, #tpu.memory_space<vmem>>, %arg6: memref<10000x64xf32, #tpu.memory_space<vmem>>, %arg7: memref<10000x64xf32, #tpu.memory_space<vmem>>) attributes {dimension_semantics = [], scalar_prefetch = 0 : i64, scratch_operands = 0 : i64, tpu.core_type = #tpu.core_type<tc>} {
    %get3A = arith.constant 0 : index
    %get3A_0 = arith.constant 0 : index
    %get3A_1 = arith.constant 0 : index
    %get3A_2 = vector.load %arg0[%get3A, %get3A_0, %get3A_1] : memref<2x10240x128xf32, #tpu.memory_space<vmem>>, vector<1x10000x128xf32>
    %get3A_3 = vector.shape_cast %get3A_2 : vector<1x10000x128xf32> to vector<10000x128xf32>
    %get3A_4 = arith.constant 1 : index
    %get3A_5 = arith.constant 0 : index
    %get3A_6 = arith.constant 0 : index
    %get3A_7 = vector.load %arg0[%get3A_4, %get3A_5, %get3A_6] : memref<2x10240x128xf32, #tpu.memory_space<vmem>>, vector<1x10000x128xf32>
    %get3A_8 = vector.shape_cast %get3A_7 : vector<1x10000x128xf32> to vector<10000x128xf32>
    %add3A = arith.addf %get3A_3, %get3A_8 : vector<10000x128xf32>
    %get3A_9 = arith.constant 0 : index
    %get3A_10 = arith.constant 0 : index
    %get3A_11 = vector.load %arg1[%get3A_9, %get3A_10] : memref<10000x1xf32, #tpu.memory_space<vmem>>, vector<10000x1xf32>
    %mul3A = vector.broadcast %get3A_11 : vector<10000x1xf32> to vector<10000x128xf32>
    %mul3A_12 = arith.mulf %add3A, %mul3A : vector<10000x128xf32>
    %get3A_13 = arith.constant 0 : index
    %get3A_14 = arith.constant 0 : index
    %get3A_15 = vector.load %arg2[%get3A_13, %get3A_14] : memref<128x64xf32, #tpu.memory_space<vmem>>, vector<128x64xf32>
    %dot_general3A = arith.constant dense<0.000000e+00> : vector<10000x64xf32>
    %dot_general3A_16 = tpu.matmul %mul3A_12, %get3A_15, %dot_general3A {dimension_numbers = #tpu.dot_dimension_numbers<[1], [0], [0], [1], [0, 0, 1, 1], [], []>, transpose_lhs_hint = false} : vector<10000x128xf32>, vector<128x64xf32>, vector<10000x64xf32> -> vector<10000x64xf32>
    %get3A_17 = arith.constant 0 : index
    %get3A_18 = arith.constant 0 : index
    %get3A_19 = vector.load %arg3[%get3A_17, %get3A_18] : memref<1x64xf32, #tpu.memory_space<vmem>>, vector<1x64xf32>
    %add3A_20 = vector.broadcast %get3A_19 : vector<1x64xf32> to vector<10000x64xf32>
    %add3A_21 = arith.addf %dot_general3A_16, %add3A_20 : vector<10000x64xf32>
    %max3A = arith.constant 0.000000e+00 : f32
    %max3A_22 = vector.broadcast %max3A : f32 to vector<10000x64xf32>
    %max3A_23 = arith.maximumf %add3A_21, %max3A_22 : vector<10000x64xf32>
    %swap3A = arith.constant 0 : index
    %swap3A_24 = arith.constant 0 : index
    %swap3A_25 = vector.load %arg6[%swap3A, %swap3A_24] : memref<10000x64xf32, #tpu.memory_space<vmem>>, vector<10000x64xf32>
    tpu.vector_store %arg6[%swap3A, %swap3A_24], %max3A_23 {strides = array<i32>} : memref<10000x64xf32, #tpu.memory_space<vmem>>, vector<10000x64xf32>,
    %get3A_26 = arith.constant 0 : index
    %get3A_27 = arith.constant 0 : index
    %get3A_28 = vector.load %arg4[%get3A_26, %get3A_27] : memref<128x64xf32, #tpu.memory_space<vmem>>, vector<128x64xf32>
    %dot_general3A_29 = arith.constant dense<0.000000e+00> : vector<10000x64xf32>
    %dot_general3A_30 = tpu.matmul %mul3A_12, %get3A_28, %dot_general3A_29 {dimension_numbers = #tpu.dot_dimension_numbers<[1], [0], [0], [1], [0, 0, 1, 1], [], []>, transpose_lhs_hint = false} : vector<10000x128xf32>, vector<128x64xf32>, vector<10000x64xf32> -> vector<10000x64xf32>
    %get3A_31 = arith.constant 0 : index
    %get3A_32 = arith.constant 0 : index
    %get3A_33 = vector.load %arg5[%get3A_31, %get3A_32] : memref<1x64xf32, #tpu.memory_space<vmem>>, vector<1x64xf32>
    %add3A_34 = vector.broadcast %get3A_33 : vector<1x64xf32> to vector<10000x64xf32>
    %add3A_35 = arith.addf %dot_general3A_30, %add3A_34 : vector<10000x64xf32>
    %max3A_36 = arith.constant 0.000000e+00 : f32
    %max3A_37 = vector.broadcast %max3A_36 : f32 to vector<10000x64xf32>
    %max3A_38 = arith.maximumf %add3A_35, %max3A_37 : vector<10000x64xf32>
    %swap3A_39 = arith.constant 0 : index
    %swap3A_40 = arith.constant 0 : index
    %swap3A_41 = vector.load %arg7[%swap3A_39, %swap3A_40] : memref<10000x64xf32, #tpu.memory_space<vmem>>, vector<10000x64xf32>
    tpu.vector_store %arg7[%swap3A_39, %swap3A_40], %max3A_38 {strides = array<i32>} : memref<10000x64xf32, #tpu.memory_space<vmem>>, vector<10000x64xf32>,
    return
  }
}

</mosaic_0001>

<sc_bundles>
// kernel: kernel.11.cloned.1.call-start
scs
__scs_entry_jumppad:
0x0: {  	(pc) =	sbr.rel $0x88, $3  }
0x1: {  	(tag) =	ssettag $0x0;
	lr =	simm.s32 $0x1  }
0x2: {  	[smem:$0x3F99] =	sst lr;
	_ =	strace $0xD0000000  }
0x3: {  	_ = 	snop  }
0x4: {  	_ = 	snop  }
0x5: {  	_ = 	snop  }
0x6: {  	_ = 	snop  }
0x7: {  	_ = 	snop  }
__scs_overlays_trampoline_lowered:
0x8: {  	[smem:$0x3FA8] =	sst s0  }
0x9: {  	[smem:$0x3FA9] =	sst s1  }
0xa: {  	[smem:$0x3FAA] =	sst s2  }
0xb: {  	[smem:$0x3FAB] =	sst s3  }
0xc: {  	[smem:$0x3FAC] =	sst s4  }
0xd: {  	[smem:$0x3FAD] =	sst s5  }
0xe: {  	[smem:$0x3FAE] =	sst s6  }
0xf: {  	[smem:$0x3FAF] =	sst s7  }
0x10: {  	[smem:$0x3FB0] =	sst s8  }
0x11: {  	[smem:$0x3FB1] =	sst s9;
	s0 =	simm.s32 @!p0 $0x0  }
0x12: {  	s1 =	sld [smem:$0x3F97];
	s0 =	simm.s32 @p0 $0x1  }
0x13: {  	[smem:$0x3FB2] =	sst s0;
	s0 =	simm.s32 @!p1 $0x0  }
0x14: {  	s2 =	sld [smem:$0x3F96];
	s0 =	simm.s32 @p1 $0x1  }
0x15: {  	[smem:$0x3FB3] =	sst s0;
	s0 =	simm.s32 @!p2 $0x0  }
0x16: {  	s3 =	sld [smem:$0x3FDB];
	s0 =	simm.s32 @p2 $0x1  }
0x17: {  	s4 =	simm.s32 $0x1BF5;
	[smem:$0x3FB5] =	sst s0  }
0x18: {  	s0 =	sld [smem:$0x3F98];
	_ =	swait.ge [sflag:s4], $0x0  }
0x19: {  	s7 =	sld [smem:$0x3F99]  }
0x1a: {  	s8 =	sadd.s32 $0xFFFFE003, lr  }
0x1b: {  	s9 =	sadd.s32 $0xFFFFFEF7, lr;
	s5 =	simm.s32 $0xFFFFFFFF;
	p2 =	slt.u32 s8, $0xFFFFF086  }
0x1c: {  	p1 =	slt.u32 s9, $0xF7A;
	s5 =	simm.s32 @!p2 $0x0  }
0x1d: {  	s5 =	simm.s32 @p1 $0x1;
	p0 =	seq.s32 s7, s2  }
0x1e: {  	s7 =	smul.u32 @!p0 $0xF7A, s2;
	p2 =	seq.s32 @!p0 s5, $0x0  }
0x1f: {  	s9 =	smul.u32 $0xF7A, s1;
	s8 =	simm.s32 @!p0 $0x1BF5;
	p2 =	por !p2, p0  }
0x20: {  	[sflag:s8] =	ssyncset.s32 @!p0 $0xFFFFF086;
	s6 =	sadd.s32 @!p0 s3, s7;
	s7 =	simm.s32 @!p0 $0x108  }
0x21: {  	s3 =	sadd.s32 s3, s9;
	s6 =	sadd.s32 @!p0 $0x88, s6;
	s7 =	simm.s32 @p2 $0x1082  }
0x22: {  	[simem:s7], [sflag:s8] =	dma.local @!p0 [hbm:s6], $0xF7A  }
0x23: {  	s9 =	sor.u32 $0xD0000000, s2;
	s6 =	simm.s32 $0x108;
	_ =	swait.ge @!p0 [sflag:s8], $0x0  }
0x24: {  	s3 =	sadd.s32 $0x88, s3;
	s6 =	simm.s32 @!p1 $0x1082;
	[sflag:s4] =	ssyncset.s32 $0xFFFFF086  }
0x25: {  	[simem:s6], [sflag:s4] =	dma.local [hbm:s3], $0xF7A  }
0x26: {  	[smem:$0x3F99] =	sst s1;
	(tag) =	ssettag s2;
	_ =	strace s9  }
0x27: {  	s1 =	sld [smem:$0x3FA9]  }
0x28: {  	s2 =	sld [smem:$0x3FAA]  }
0x29: {  	s4 =	sld [smem:$0x3FAC]  }
0x2a: {  	p0 =	seq.s32 s5, $0x0;
	s5 =	sld [smem:$0x3FAD]  }
0x2b: {  	s6 =	sld [smem:$0x3FAE]  }
0x2c: {  	s7 =	sld [smem:$0x3FAF]  }
0x2d: {  	s3 =	simm.s32 $0x108;
	s8 =	sld [smem:$0x3FB0]  }
0x2e: {  	s3 =	simm.s32 @!p0 $0x1082;
	s9 =	sld [smem:$0x3FB1]  }
0x2f: {  	lr =	sadd.s32 s0, s3;
	s0 =	sld [smem:$0x3FA8]  }
0x30: {  	s3 =	sld [smem:$0x3FAB]  }
0x31: {  	[smem:$0x3FB4] =	sst s10  }
0x32: {  	s10 =	sld [smem:$0x3FB2];
	_ =	sdelay $0x3  }
0x33: {  	p0 =	seq.s32 s10, $0x1;
	s10 =	sld [smem:$0x3FB4];
	_ =	sdelay $0x3  }
0x34: {  	[smem:$0x3FB4] =	sst s10  }
0x35: {  	s10 =	sld [smem:$0x3FB3];
	_ =	sdelay $0x3  }
0x36: {  	p1 =	seq.s32 s10, $0x1;
	s10 =	sld [smem:$0x3FB4];
	_ =	sdelay $0x3  }
0x37: {  	[smem:$0x3FB4] =	sst s10  }
0x38: {  	s10 =	sld [smem:$0x3FB5]  }
0x39: {  	_ = 	snop;
	(pc) =	sbr.ind lr, $3  }
0x3a: {  	_ = 	snop  }
0x3b: {  	_ = 	snop  }
0x3c: {  	p2 =	seq.s32 s10, $0x1;
	s10 =	sld [smem:$0x3FB4]  }
0x3d: {  	_ =	shalt  }
0x3e: {  	_ =	shalt  }
0x3f: {  	_ =	shalt  }
0x40: {  	_ =	shalt  }
0x41: {  	_ =	shalt  }
0x42: {  	_ =	shalt  }
0x43: {  	_ =	shalt  }
0x44: {  	_ =	shalt  }
0x45: {  	_ =	shalt  }
0x46: {  	_ =	shalt  }
0x47: {  	_ =	shalt  }
0x48: {  	_ =	shalt  }
0x49: {  	_ =	shalt  }
0x4a: {  	_ =	shalt  }
0x4b: {  	_ =	shalt  }
0x4c: {  	_ =	shalt  }
0x4d: {  	_ =	shalt  }
0x4e: {  	_ =	shalt  }
0x4f: {  	_ =	shalt  }
0x50: {  	_ =	shalt  }
0x51: {  	_ =	shalt  }
0x52: {  	_ =	shalt  }
0x53: {  	_ =	shalt  }
0x54: {  	_ =	shalt  }
0x55: {  	_ =	shalt  }
0x56: {  	_ =	shalt  }
0x57: {  	_ =	shalt  }
0x58: {  	_ =	shalt  }
0x59: {  	_ =	shalt  }
0x5a: {  	_ =	shalt  }
0x5b: {  	_ =	shalt  }
0x5c: {  	_ =	shalt  }
0x5d: {  	_ =	shalt  }
0x5e: {  	_ =	shalt  }
0x5f: {  	_ =	shalt  }
0x60: {  	_ =	shalt  }
0x61: {  	_ =	shalt  }
0x62: {  	_ =	shalt  }
0x63: {  	_ =	shalt  }
0x64: {  	_ =	shalt  }
0x65: {  	_ =	shalt  }
0x66: {  	_ =	shalt  }
0x67: {  	_ =	shalt  }
0x68: {  	_ =	shalt  }
0x69: {  	_ =	shalt  }
0x6a: {  	_ =	shalt  }
0x6b: {  	_ =	shalt  }
0x6c: {  	_ =	shalt  }
0x6d: {  	_ =	shalt  }
0x6e: {  	_ =	shalt  }
0x6f: {  	_ =	shalt  }
0x70: {  	_ =	shalt  }
0x71: {  	_ =	shalt  }
0x72: {  	_ =	shalt  }
0x73: {  	_ =	shalt  }
0x74: {  	_ =	shalt  }
0x75: {  	_ =	shalt  }
0x76: {  	_ =	shalt  }
0x77: {  	_ =	shalt  }
0x78: {  	_ =	shalt  }
0x79: {  	_ =	shalt  }
0x7a: {  	_ =	shalt  }
0x7b: {  	_ =	shalt  }
0x7c: {  	_ =	shalt  }
0x7d: {  	_ =	shalt  }
0x7e: {  	_ =	shalt  }
0x7f: {  	_ =	shalt  }
0x80: {  	_ =	shalt  }
0x81: {  	_ =	shalt  }
0x82: {  	_ =	shalt  }
0x83: {  	_ =	shalt  }
0x84: {  	_ =	shalt  }
0x85: {  	_ =	shalt  }
0x86: {  	_ =	shalt  }
0x87: {  	_ =	shalt  }
.Lfunc_end0:
.L_simem_size_0:
called_computation.1_lowered:
.L_overlay_start_0:
0x88: {  	s2 =	sld [smem:$0x3FD9]  }
0x89: {  	s3 =	sld [smem:$0x3FFE];
	_ =	sdelay $0x1  }
0x8a: {  	s1 =	srdreg.scid  }
0x8b: {  	s0 =	sand.u32 $0x1, s1  }
0x8c: {  	s14 =	sshll.u32 s0, $0xA;
	s2 =	sadd.s32 s3, s2  }
0x8d: {  	s2 =	sadd.s32 s2, s14  }
0x8e: {  	[smem:$0x3FC0] =	sst s2  }
0x8f: {  	_ = 	snop  }
0x90: {  	s2 =	sld [smem:$0x3FD0];
	_ =	sdelay $0x2  }
0x91: {  	s15 =	simm.s32 $0xA;
	s4 =	simm.s32 $0x10  }
0x92: {  	[smem:s4], [sflag:s15] =	dma.local [hbm:s2], $0x1  }
0x93: {  	_ =	swait.eq [sflag:s15], $0x1  }
0x94: {  	[sflag:s15] =	ssyncset.done $0x0  }
0x95: {  	[sflag:s15] =	ssyncadd.s32 $0xFFFFFFFF  }
0x96: {  	s16 =	sld [smem:$0x11];
	(tm) =	ssettm $0x1  }
0x97: {  	s17 =	sld [smem:$0x3FFB];
	_ =	sdelay $0x3  }
0x98: {  	_ =	strace s17  }
0x99: {  	s3 =	sld [smem:$0x3FFC];
	_ =	sdelay $0x3  }
0x9a: {  	_ =	strace s3  }
0x9b: {  	s3 =	sld [smem:$0x3FFD];
	_ =	sdelay $0x3  }
0x9c: {  	_ =	strace s3  }
0x9d: {  	_ =	strace $0x8FFFFFFF  }
0x9e: {  	s18 =	sld [smem:$0x3FDB];
	_ =	sdelay $0x1  }
0x9f: {  	s19 =	simm.s32 $_scs_section_size  }
0xa0: {  	s5 =	simm.s32 $_size__tile_overlayer_lowered;
	s6 =	simm.s32 $_tile_overlayer_lowered  }
0xa1: {  	s22 =	simm.s32 $0x1BFF;
	s21 =	sshll.u32 s6, $0x1;
	s3 =	sadd.s32 s19, s18  }
0xa2: {  	s7 =	simm.s32 $0x0;
	s20 =	sshll.u32 s5, $0x1;
	s5 =	sadd.s32 s21, s3  }
0xa3: {  	[timem:s7], [sflag:s22] =	dma.local [hbm:s5], s20  }
0xa4: {  	_ =	swait.ge [sflag:s22], s20  }
0xa5: {  	s4 =	ssub.s32 $0x0, s20;
	[sflag:s22] =	ssyncset.done $0x0  }
0xa6: {  	[sflag:s22] =	ssyncadd.s32 s4;
	_ =	sdelay $0x1  }
0xa7: {  	s23 =	simm.s32 $0x1B8B  }
0xa8: {  	_ =	swait.ge [sflag:s23], $0x1  }
0xa9: {  	[sflag:s23] =	ssyncset.done $0x0  }
0xaa: {  	s25 =	simm.s32 $0x1B8E;
	s24 =	sld [smem:$0x3FFE];
	[sflag:s23] =	ssyncadd.s32 $0xFFFFFFFF  }
0xab: {  	s26 =	simm.s32 $execute0_lowered;
	[smem:$0x3FD2] =	sst s25  }
0xac: {  	s5 =	sshll.u32 s26, $0x1;
	_ =	strace $0x80000049;
	[dreg:$0x1] =	wrdreg $0xFFFFFFFF  }
0xad: {  	s28 =	simm.s32 $_size_execute0_lowered;
	s3 =	sadd.s32 s3, s5;
	[dreg:$0x0] =	wrdreg $0x0  }
0xae: {  	s5 =	sshll.u32 s28, $0x1;
	[dreg:$0x2] =	wrdreg s3  }
0xaf: {  	[dreg:$0x3] =	wrdreg s5  }
0xb0: {  	[dreg:$0x4] =	wrdreg $0xC0  }
0xb1: {  	_ =	task [dreg:s7], $0x5FFFF  }
0xb2: {  	[dreg:$0x1] =	wrdreg $0xFFFFFFFF  }
0xb3: {  	[dreg:$0x0] =	wrdreg $0x60  }
0xb4: {  	[dreg:$0x2] =	wrdreg s24  }
0xb5: {  	[dreg:$0x3] =	wrdreg s16  }
0xb6: {  	[dreg:$0x4] =	wrdreg $0xC0000  }
0xb7: {  	[dreg:$0x5] =	wrdreg $0x9  }
0xb8: {  	_ =	task.clear_ibuf [dreg:s7], $0x6FFFF;
	_ =	strace $0x90000049  }
0xb9: {  	s29 =	simm.s32 $0x9;
	_ =	strace $0x8000004B  }
0xba: {  	_ =	swait.ge [sflag:s29], $0x1  }
0xbb: {  	[sflag:s29] =	ssyncadd.s32 $0xFFFFFFFF  }
0xbc: {  	_ =	strace $0x9000004B  }
0xbd: {  	_ =	sfence  }
0xbe: {  	s30 =	sld [smem:$0x0];
	_ =	sdelay $0x2  }
0xbf: {  	s31 =	sshll.u32 s1, $0xD;
	s1 =	sshrl.u32 s1, $0x2  }
0xc0: {  	s3 =	sand.u32 $0x4000, s31;
	s1 =	sadd.s32 s1, s30  }
0xc1: {  	s0 =	sor.u32 s3, s0;
	s1 =	sshll.u32 s1, $0x11  }
0xc2: {  	s0 =	sor.u32 s1, s0  }
0xc3: {  	s0 =	sadd.s32 $0x8F2B, s0  }
0xc4: {  	[sflag:s0] =	ssyncadd.remote.s32 $0x1  }
0xc5: {  	_ =	sfence.sel $0xFFFF  }
0xc6: {  	[dreg:$0x0] =	wrdreg $0xFFFFFFFF;
	(pc) =	sbr.abs _section_cstart, $3  }
0xc7: {  	[dreg:$0x1] =	wrdreg $0xFFFFFFFF  }
0xc8: {  	_ =	task.clear_ibuf [dreg:s7], $0x2FFFF;
	_ =	strace $0x9FFFFFFF  }
0xc9: {  	(tm) =	ssettm $0x7FFFFFFF  }
tec
execute0_lowered:
.L_overlay_start_1:
0x0: {  	(tag) =	ssettag $0x1  }
0x1: {  	s0 =	srdreg.scid;
	s8 =	stileid.u32  }
0x2: {  	s0 =	sand.u32 $0x1, s0;
	s1 =	smul.u32 $0xA000, s8  }
0x3: {  	s4 =	smul.u32 $0x5000, s0  }
0x4: {  	s2 =	rddreg [dreg:$0x0]  }
0x5: {  	s3 =	rddreg [dreg:$0x2];
	s1 =	sadd.s32 s4, s1;
	s4 =	simm.s32 $0x0  }
0x6: {  	s24 =	simm.s32 $0x80;
	[smem:$0x7FF] =	sst s4  }
0x7: {  	s25 =	simm.s32 $0x100;
	_ =	strace $0x8000004A;
	[dreg:$0x6] =	wrdreg s24  }
0x8: {  	s26 =	simm.s32 $0x180;
	[dreg:$0x7] =	wrdreg s25  }
0x9: {  	s6 =	simm.s32 $0x200;
	[dreg:$0x8] =	wrdreg s26  }
0xa: {  	s7 =	simm.s32 $0x1100;
	[dreg:$0xa] =	wrdreg s6  }
0xb: {  	s9 =	simm.s32 $0x280;
	[dreg:$0xb] =	wrdreg s7  }
0xc: {  	s10 =	simm.s32 $0x1180;
	[dreg:$0xc] =	wrdreg s9  }
0xd: {  	s11 =	simm.s32 $0x300;
	[dreg:$0xd] =	wrdreg s10  }
0xe: {  	s12 =	simm.s32 $0x1200;
	[dreg:$0xe] =	wrdreg s11  }
0xf: {  	s13 =	simm.s32 $0x380;
	[dreg:$0xf] =	wrdreg s12  }
0x10: {  	s14 =	simm.s32 $0x1280;
	s15 =	simm.s32 $0x400;
	[dreg:$0x10] =	wrdreg s13  }
0x11: {  	s16 =	simm.s32 $0x1300;
	s17 =	simm.s32 $0x480;
	[dreg:$0x11] =	wrdreg s14  }
0x12: {  	s19 =	simm.s32 $0x1380;
	s21 =	simm.s32 $0x500;
	[dreg:$0x12] =	wrdreg s15  }
0x13: {  	s22 =	simm.s32 $0x1400;
	s28 =	simm.s32 $0x1A00;
	[dreg:$0x13] =	wrdreg s16  }
0x14: {  	s29 =	simm.s32 $0xB80;
	s20 =	smul.u32 $0x50000, s8;
	[dreg:$0x14] =	wrdreg s17  }
0x15: {  	s30 =	simm.s32 $0x1A80;
	s31 =	simm.s32 $0xC00;
	[dreg:$0x15] =	wrdreg s19  }
0x16: {  	s23 =	sshrl.u32 s20, $0x2;
	s1 =	sshrl.u32 s1, $0x3;
	[dreg:$0x16] =	wrdreg s21  }
0x17: {  	s20 =	simm.s32 $0x900;
	s1 =	sadd.s32 s1, s2;
	[dreg:$0x17] =	wrdreg s22  }
0x18: {  	s6 =	smul.u32 $0x140000, s0;
	s24 =	simm.s32 $0x580;
	[smem:$0x7F5] =	sst s20  }
0x19: {  	s7 =	smul.u32 $0x14000, s8;
	s25 =	simm.s32 $0x1480;
	[dreg:$0x18] =	wrdreg s24  }
0x1a: {  	s26 =	sshll.u32 s8, $0x6;
	s8 =	simm.s32 $0x600;
	[dreg:$0x19] =	wrdreg s25  }
0x1b: {  	s0 =	ssub.s32 $0x2, s0;
	s9 =	simm.s32 $0x1500;
	[dreg:$0x1a] =	wrdreg s8  }
0x1c: {  	s10 =	simm.s32 $0x680;
	s11 =	simm.s32 $0x1580;
	[dreg:$0x1b] =	wrdreg s9  }
0x1d: {  	s12 =	simm.s32 $0x700;
	s13 =	simm.s32 $0x1600;
	[dreg:$0x1c] =	wrdreg s10  }
0x1e: {  	s14 =	simm.s32 $0x780;
	s15 =	simm.s32 $0x1680;
	[dreg:$0x1d] =	wrdreg s11  }
0x1f: {  	s16 =	simm.s32 $0x800;
	s17 =	simm.s32 $0x1700;
	[dreg:$0x1e] =	wrdreg s12  }
0x20: {  	s19 =	simm.s32 $0x1780;
	s21 =	simm.s32 $0x1800;
	[dreg:$0x1f] =	wrdreg s13  }
0x21: {  	s22 =	simm.s32 $0x980;
	s20 =	simm.s32 $0x3;
	[smem:$0x7EF] =	sst s14  }
0x22: {  	s5 =	sadd.s32 $0x2A400, s1;
	s1 =	sadd.s32 $0x16400, s1;
	[smem:$0x7F0] =	sst s15  }
0x23: {  	s18 =	sshrl.u32 s0, $0x1;
	s10 =	simm.s32 $0x9;
	[smem:$0x7F1] =	sst s16  }
0x24: {  	s11 =	simm.s32 $0x1000;
	s12 =	simm.s32 $0x50;
	[smem:$0x7F2] =	sst s17  }
0x25: {  	s13 =	simm.s32 $0x2000;
	s14 =	simm.s32 $0x4800;
	[smem:$0x7F4] =	sst s19  }
0x26: {  	s15 =	simm.s32 $0x7000;
	s16 =	simm.s32 $0x1;
	[smem:$0x7F6] =	sst s21  }
0x27: {  	s17 =	simm.s32 $0x9800;
	s19 =	simm.s32 $0x5;
	[smem:$0x7F7] =	sst s22  }
0x28: {  	s21 =	simm.s32 $0x6;
	s24 =	simm.s32 $0xA00;
	s22 =	simm.s32 $0x4  }
0x29: {  	s25 =	simm.s32 $0x1900;
	s9 =	simm.s32 $0x0;
	[dreg:$0x4] =	wrdreg s5  }
0x2a: {  	[dreg:$0x5] =	wrdreg s1;
	s5 =	simm.s32 $0x1080;
	s6 =	sadd.s32 s7, s6  }
0x2b: {  	s0 =	ssub.s32 s0, s18;
	s7 =	sor.u32 $0x1C09, s26;
	[smem:$0x7F9] =	sst s24  }
0x2c: {  	s18 =	simm.s32 $0x880;
	[smem:$0x7FA] =	sst s25;
	s26 =	simm.s32 $0xA80  }
0x2d: {  	s24 =	simm.s32 $0x8;
	s25 =	simm.s32 $0x1980;
	[dreg:$0x9] =	wrdreg s5  }
0x2e: {  	s1 =	simm.s32 $0x1B00;
	s5 =	sadd.s32 $0x3E400, s2;
	[smem:$0x7F3] =	sst s18  }
0x2f: {  	s6 =	sshrl.u32 s6, $0x3;
	s0 =	smax.u32 s0, $0x1;
	[smem:$0x7FB] =	sst s26  }
0x30: {  	s18 =	simm.s32 $0x2;
	[smem:$0x7FC] =	sst s7;
	s2 =	sadd.s32 s6, s2  }
0x31: {  	s6 =	sadd.s32 s23, s3;
	[smem:$0x7EE] =	sst s0;
	s23 =	simm.s32 $0x1880  }
0x32: {  	s26 =	simm.s32 $0xB00;
	s2 =	sadd.s32 $0x65600, s2;
	[smem:$0x7F8] =	sst s23  }
0x33: {  	s0 =	simm.s32 $0x1B80;
	s8 =	sshrl.u32 s6, $0x3;
	[smem:$0x7ED] =	sst s2  }
0x34: {  	s23 =	simm.s32 $0x7;
	s2 =	simm.s32 $0x1C00;
	[smem:$0x7FD] =	sst s8  }
.LBB2_1:
0x35: {  	[smem:$0x7EC] =	sst s9  }
0x36: {  	s6 =	rddreg [dreg:$0x1]  }
0x37: {  	[spmem:s8], [sflag:s7] =	dma.local [hbm:s6], $0x2800  }
0x38: {  	_ =	swait.ge [sflag:s10], $0x2800  }
0x39: {  	[sflag:s10] =	ssyncset.done $0x0  }
0x3a: {  	[sflag:s10] =	ssyncadd.s32 $0xFFFFD800  }
0x3b: {  	[bflag:$0x0] =	sbarrier.arrive $0xFFFF  }
0x3c: {  	s7 =	rddreg [dreg:$0x5]  }
0x3d: {  	s6 =	sadd.s32 $0x0, s7  }
0x3e: {  	[tilespmem:s4], [sflag:$0x9] =	stream.linear.gather [hbm4b:s6+s4], $0xC80, $0x38;
	v63 =	vld [tilespmem:$0x0]  }
0x3f: {  	_ =	swait.ge [sflag:s10], $0xC80  }
0x40: {  	s8 =	rddreg [dreg:$0x4];
	[sflag:s10] =	ssyncset.done $0x0  }
0x41: {  	[sflag:s10] =	ssyncadd.s32 $0xFFFFF380;
	s6 =	sadd.s32 $0x0, s8  }
0x42: {  	[tilespmem:s11], [sflag:$0x9] =	stream.linear.gather [hbm4b:s6+s4], $0xC80, $0x38;
	v63 =	vld [tilespmem:$0x0]  }
0x43: {  	_ =	swait.ge [sflag:s10], $0xC80  }
0x44: {  	[sflag:s10] =	ssyncset.done $0x0  }
0x45: {  	[sflag:s10] =	ssyncadd.s32 $0xFFFFF380  }
0x46: {  	[tilespmem:s13], [sflag:$0x1] =	stream.indirect.gather [hbm4b:s5+s12], $0x80, s4, s12, $0xb8;
	v63 =	vld [tilespmem:$0x0]  }
0x47: {  	s9 =	rddreg [dreg:$0x6]  }
0x48: {  	[tilespmem:s14], [sflag:$0x2] =	stream.indirect.gather [hbm4b:s5+s12], $0x80, s9, s12, $0xb8;
	v63 =	vld [tilespmem:$0x0]  }
0x49: {  	s7 =	rddreg [dreg:$0x7]  }
0x4a: {  	[tilespmem:s15], [sflag:$0x3] =	stream.indirect.gather [hbm4b:s5+s12], $0x80, s7, s12, $0xb8;
	v63 =	vld [tilespmem:$0x0]  }
0x4b: {  	_ =	swait.ge [sflag:s16], $0x2800  }
0x4c: {  	[sflag:s16] =	ssyncset.done $0x0  }
0x4d: {  	[sflag:s16] =	ssyncadd.s32 $0xFFFFD800  }
0x4e: {  	[spmem:s3] =	stream.indirect.scatter.add.f32 [tilespmem:s13], [sflag:$0x5], $0x80, s11, s12, $0xb8;
	v63 =	vld [tilespmem:$0x0]  }
0x4f: {  	s9 =	rddreg [dreg:$0x8]  }
0x50: {  	[tilespmem:s17], [sflag:$0x4] =	stream.indirect.gather [hbm4b:s5+s12], $0x80, s9, s12, $0xb8;
	v63 =	vld [tilespmem:$0x0]  }
0x51: {  	_ =	swait.ge [sflag:s18], $0x2800  }
0x52: {  	[sflag:s18] =	ssyncset.done $0x0  }
0x53: {  	s7 =	rddreg [dreg:$0x9];
	[sflag:s18] =	ssyncadd.s32 $0xFFFFD800  }
0x54: {  	[spmem:s3] =	stream.indirect.scatter.add.f32 [tilespmem:s14], [sflag:$0x6], $0x80, s7, s12, $0xb8;
	v63 =	vld [tilespmem:$0x0]  }
0x55: {  	_ =	swait.ge [sflag:s19], $0x2800  }
0x56: {  	[sflag:s19] =	ssyncset.done $0x0  }
0x57: {  	s8 =	rddreg [dreg:$0xa];
	[sflag:s19] =	ssyncadd.s32 $0xFFFFD800  }
0x58: {  	[tilespmem:s13], [sflag:$0x1] =	stream.indirect.gather [hbm4b:s5+s12], $0x80, s8, s12, $0xb8;
	v63 =	vld [tilespmem:$0x0]  }
0x59: {  	_ =	swait.ge [sflag:s20], $0x2800  }
0x5a: {  	[sflag:s20] =	ssyncset.done $0x0  }
0x5b: {  	s9 =	rddreg [dreg:$0xb];
	[sflag:s20] =	ssyncadd.s32 $0xFFFFD800  }
0x5c: {  	[spmem:s3] =	stream.indirect.scatter.add.f32 [tilespmem:s15], [sflag:$0x7], $0x80, s9, s12, $0xb8;
	v63 =	vld [tilespmem:$0x0]  }
0x5d: {  	_ =	swait.ge [sflag:s21], $0x2800  }
0x5e: {  	[sflag:s21] =	ssyncset.done $0x0  }
0x5f: {  	s7 =	rddreg [dreg:$0xc];
	[sflag:s21] =	ssyncadd.s32 $0xFFFFD800  }
0x60: {  	[tilespmem:s14], [sflag:$0x2] =	stream.indirect.gather [hbm4b:s5+s12], $0x80, s7, s12, $0xb8;
	v63 =	vld [tilespmem:$0x0]  }
0x61: {  	_ =	swait.ge [sflag:s22], $0x2800  }
0x62: {  	[sflag:s22] =	ssyncset.done $0x0  }
0x63: {  	s8 =	rddreg [dreg:$0xd];
	[sflag:s22] =	ssyncadd.s32 $0xFFFFD800  }
0x64: {  	[spmem:s3] =	stream.indirect.scatter.add.f32 [tilespmem:s17], [sflag:$0x8], $0x80, s8, s12, $0xb8;
	v63 =	vld [tilespmem:$0x0]  }
0x65: {  	_ =	swait.ge [sflag:s23], $0x2800  }
0x66: {  	[sflag:s23] =	ssyncset.done $0x0  }
0x67: {  	s9 =	rddreg [dreg:$0xe];
	[sflag:s23] =	ssyncadd.s32 $0xFFFFD800  }
0x68: {  	[tilespmem:s15], [sflag:$0x3] =	stream.indirect.gather [hbm4b:s5+s12], $0x80, s9, s12, $0xb8;
	v63 =	vld [tilespmem:$0x0]  }
0x69: {  	_ =	swait.ge [sflag:s16], $0x2800  }
0x6a: {  	[sflag:s16] =	ssyncset.done $0x0  }
0x6b: {  	s7 =	rddreg [dreg:$0xf];
	[sflag:s16] =	ssyncadd.s32 $0xFFFFD800  }
0x6c: {  	[spmem:s3] =	stream.indirect.scatter.add.f32 [tilespmem:s13], [sflag:$0x5], $0x80, s7, s12, $0xb8;
	v63 =	vld [tilespmem:$0x0]  }
0x6d: {  	_ =	swait.ge [sflag:s24], $0x2800  }
0x6e: {  	[sflag:s24] =	ssyncset.done $0x0  }
0x6f: {  	s8 =	rddreg [dreg:$0x10];
	[sflag:s24] =	ssyncadd.s32 $0xFFFFD800  }
0x70: {  	[tilespmem:s17], [sflag:$0x4] =	stream.indirect.gather [hbm4b:s5+s12], $0x80, s8, s12, $0xb8;
	v63 =	vld [tilespmem:$0x0]  }
0x71: {  	_ =	swait.ge [sflag:s18], $0x2800  }
0x72: {  	[sflag:s18] =	ssyncset.done $0x0  }
0x73: {  	s9 =	rddreg [dreg:$0x11];
	[sflag:s18] =	ssyncadd.s32 $0xFFFFD800  }
0x74: {  	[spmem:s3] =	stream.indirect.scatter.add.f32 [tilespmem:s14], [sflag:$0x6], $0x80, s9, s12, $0xb8;
	v63 =	vld [tilespmem:$0x0]  }
0x75: {  	_ =	swait.ge [sflag:s19], $0x2800  }
0x76: {  	[sflag:s19] =	ssyncset.done $0x0  }
0x77: {  	s7 =	rddreg [dreg:$0x12];
	[sflag:s19] =	ssyncadd.s32 $0xFFFFD800  }
0x78: {  	[tilespmem:s13], [sflag:$0x1] =	stream.indirect.gather [hbm4b:s5+s12], $0x80, s7, s12, $0xb8;
	v63 =	vld [tilespmem:$0x0]  }
0x79: {  	_ =	swait.ge [sflag:s20], $0x2800  }
0x7a: {  	[sflag:s20] =	ssyncset.done $0x0  }
0x7b: {  	s8 =	rddreg [dreg:$0x13];
	[sflag:s20] =	ssyncadd.s32 $0xFFFFD800  }
0x7c: {  	[spmem:s3] =	stream.indirect.scatter.add.f32 [tilespmem:s15], [sflag:$0x7], $0x80, s8, s12, $0xb8;
	v63 =	vld [tilespmem:$0x0]  }
0x7d: {  	_ =	swait.ge [sflag:s21], $0x2800  }
0x7e: {  	[sflag:s21] =	ssyncset.done $0x0  }
0x7f: {  	s9 =	rddreg [dreg:$0x14];
	[sflag:s21] =	ssyncadd.s32 $0xFFFFD800  }
0x80: {  	[tilespmem:s14], [sflag:$0x2] =	stream.indirect.gather [hbm4b:s5+s12], $0x80, s9, s12, $0xb8;
	v63 =	vld [tilespmem:$0x0]  }
0x81: {  	_ =	swait.ge [sflag:s22], $0x2800  }
0x82: {  	[sflag:s22] =	ssyncset.done $0x0  }
0x83: {  	s7 =	rddreg [dreg:$0x15];
	[sflag:s22] =	ssyncadd.s32 $0xFFFFD800  }
0x84: {  	[spmem:s3] =	stream.indirect.scatter.add.f32 [tilespmem:s17], [sflag:$0x8], $0x80, s7, s12, $0xb8;
	v63 =	vld [tilespmem:$0x0]  }
0x85: {  	_ =	swait.ge [sflag:s23], $0x2800  }
0x86: {  	[sflag:s23] =	ssyncset.done $0x0  }
0x87: {  	s8 =	rddreg [dreg:$0x16];
	[sflag:s23] =	ssyncadd.s32 $0xFFFFD800  }
0x88: {  	[tilespmem:s15], [sflag:$0x3] =	stream.indirect.gather [hbm4b:s5+s12], $0x80, s8, s12, $0xb8;
	v63 =	vld [tilespmem:$0x0]  }
0x89: {  	_ =	swait.ge [sflag:s16], $0x2800  }
0x8a: {  	[sflag:s16] =	ssyncset.done $0x0  }
0x8b: {  	s9 =	rddreg [dreg:$0x17];
	[sflag:s16] =	ssyncadd.s32 $0xFFFFD800  }
0x8c: {  	[spmem:s3] =	stream.indirect.scatter.add.f32 [tilespmem:s13], [sflag:$0x5], $0x80, s9, s12, $0xb8;
	v63 =	vld [tilespmem:$0x0]  }
0x8d: {  	_ =	swait.ge [sflag:s24], $0x2800  }
0x8e: {  	[sflag:s24] =	ssyncset.done $0x0  }
0x8f: {  	s7 =	rddreg [dreg:$0x18];
	[sflag:s24] =	ssyncadd.s32 $0xFFFFD800  }
0x90: {  	[tilespmem:s17], [sflag:$0x4] =	stream.indirect.gather [hbm4b:s5+s12], $0x80, s7, s12, $0xb8;
	v63 =	vld [tilespmem:$0x0]  }
0x91: {  	_ =	swait.ge [sflag:s18], $0x2800  }
0x92: {  	[sflag:s18] =	ssyncset.done $0x0  }
0x93: {  	s8 =	rddreg [dreg:$0x19];
	[sflag:s18] =	ssyncadd.s32 $0xFFFFD800  }
0x94: {  	[spmem:s3] =	stream.indirect.scatter.add.f32 [tilespmem:s14], [sflag:$0x6], $0x80, s8, s12, $0xb8;
	v63 =	vld [tilespmem:$0x0]  }
0x95: {  	_ =	swait.ge [sflag:s19], $0x2800  }
0x96: {  	[sflag:s19] =	ssyncset.done $0x0  }
0x97: {  	s9 =	rddreg [dreg:$0x1a];
	[sflag:s19] =	ssyncadd.s32 $0xFFFFD800  }
0x98: {  	[tilespmem:s13], [sflag:$0x1] =	stream.indirect.gather [hbm4b:s5+s12], $0x80, s9, s12, $0xb8;
	v63 =	vld [tilespmem:$0x0]  }
0x99: {  	_ =	swait.ge [sflag:s20], $0x2800  }
0x9a: {  	[sflag:s20] =	ssyncset.done $0x0  }
0x9b: {  	s7 =	rddreg [dreg:$0x1b];
	[sflag:s20] =	ssyncadd.s32 $0xFFFFD800  }
0x9c: {  	[spmem:s3] =	stream.indirect.scatter.add.f32 [tilespmem:s15], [sflag:$0x7], $0x80, s7, s12, $0xb8;
	v63 =	vld [tilespmem:$0x0]  }
0x9d: {  	_ =	swait.ge [sflag:s21], $0x2800  }
0x9e: {  	[sflag:s21] =	ssyncset.done $0x0  }
0x9f: {  	s8 =	rddreg [dreg:$0x1c];
	[sflag:s21] =	ssyncadd.s32 $0xFFFFD800  }
0xa0: {  	[tilespmem:s14], [sflag:$0x2] =	stream.indirect.gather [hbm4b:s5+s12], $0x80, s8, s12, $0xb8;
	v63 =	vld [tilespmem:$0x0]  }
0xa1: {  	_ =	swait.ge [sflag:s22], $0x2800  }
0xa2: {  	[sflag:s22] =	ssyncset.done $0x0  }
0xa3: {  	s9 =	rddreg [dreg:$0x1d];
	[sflag:s22] =	ssyncadd.s32 $0xFFFFD800  }
0xa4: {  	[spmem:s3] =	stream.indirect.scatter.add.f32 [tilespmem:s17], [sflag:$0x8], $0x80, s9, s12, $0xb8;
	v63 =	vld [tilespmem:$0x0]  }
0xa5: {  	_ =	swait.ge [sflag:s23], $0x2800  }
0xa6: {  	[sflag:s23] =	ssyncset.done $0x0  }
0xa7: {  	s7 =	rddreg [dreg:$0x1e];
	[sflag:s23] =	ssyncadd.s32 $0xFFFFD800  }
0xa8: {  	[tilespmem:s15], [sflag:$0x3] =	stream.indirect.gather [hbm4b:s5+s12], $0x80, s7, s12, $0xb8;
	v63 =	vld [tilespmem:$0x0]  }
0xa9: {  	_ =	swait.ge [sflag:s16], $0x2800  }
0xaa: {  	[sflag:s16] =	ssyncset.done $0x0  }
0xab: {  	s8 =	rddreg [dreg:$0x1f];
	[sflag:s16] =	ssyncadd.s32 $0xFFFFD800  }
0xac: {  	[spmem:s3] =	stream.indirect.scatter.add.f32 [tilespmem:s13], [sflag:$0x5], $0x80, s8, s12, $0xb8;
	v63 =	vld [tilespmem:$0x0]  }
0xad: {  	_ =	swait.ge [sflag:s24], $0x2800  }
0xae: {  	s9 =	sld [smem:$0x7EF]  }
0xaf: {  	[sflag:s24] =	ssyncset.done $0x0  }
0xb0: {  	[sflag:s24] =	ssyncadd.s32 $0xFFFFD800  }
0xb1: {  	[tilespmem:s17], [sflag:$0x4] =	stream.indirect.gather [hbm4b:s5+s12], $0x80, s9, s12, $0xb8;
	v63 =	vld [tilespmem:$0x0]  }
0xb2: {  	_ =	swait.ge [sflag:s18], $0x2800  }
0xb3: {  	s7 =	sld [smem:$0x7F0]  }
0xb4: {  	[sflag:s18] =	ssyncset.done $0x0  }
0xb5: {  	[sflag:s18] =	ssyncadd.s32 $0xFFFFD800  }
0xb6: {  	[spmem:s3] =	stream.indirect.scatter.add.f32 [tilespmem:s14], [sflag:$0x6], $0x80, s7, s12, $0xb8;
	v63 =	vld [tilespmem:$0x0]  }
0xb7: {  	_ =	swait.ge [sflag:s19], $0x2800  }
0xb8: {  	s8 =	sld [smem:$0x7F1]  }
0xb9: {  	[sflag:s19] =	ssyncset.done $0x0  }
0xba: {  	[sflag:s19] =	ssyncadd.s32 $0xFFFFD800  }
0xbb: {  	[tilespmem:s13], [sflag:$0x1] =	stream.indirect.gather [hbm4b:s5+s12], $0x80, s8, s12, $0xb8;
	v63 =	vld [tilespmem:$0x0]  }
0xbc: {  	_ =	swait.ge [sflag:s20], $0x2800  }
0xbd: {  	s9 =	sld [smem:$0x7F2]  }
0xbe: {  	[sflag:s20] =	ssyncset.done $0x0  }
0xbf: {  	[sflag:s20] =	ssyncadd.s32 $0xFFFFD800  }
0xc0: {  	[spmem:s3] =	stream.indirect.scatter.add.f32 [tilespmem:s15], [sflag:$0x7], $0x80, s9, s12, $0xb8;
	v63 =	vld [tilespmem:$0x0]  }
0xc1: {  	_ =	swait.ge [sflag:s21], $0x2800  }
0xc2: {  	s7 =	sld [smem:$0x7F3]  }
0xc3: {  	[sflag:s21] =	ssyncset.done $0x0  }
0xc4: {  	[sflag:s21] =	ssyncadd.s32 $0xFFFFD800  }
0xc5: {  	[tilespmem:s14], [sflag:$0x2] =	stream.indirect.gather [hbm4b:s5+s12], $0x80, s7, s12, $0xb8;
	v63 =	vld [tilespmem:$0x0]  }
0xc6: {  	_ =	swait.ge [sflag:s22], $0x2800  }
0xc7: {  	s8 =	sld [smem:$0x7F4]  }
0xc8: {  	[sflag:s22] =	ssyncset.done $0x0  }
0xc9: {  	[sflag:s22] =	ssyncadd.s32 $0xFFFFD800  }
0xca: {  	[spmem:s3] =	stream.indirect.scatter.add.f32 [tilespmem:s17], [sflag:$0x8], $0x80, s8, s12, $0xb8;
	v63 =	vld [tilespmem:$0x0]  }
0xcb: {  	_ =	swait.ge [sflag:s23], $0x2800  }
0xcc: {  	s9 =	sld [smem:$0x7F5]  }
0xcd: {  	[sflag:s23] =	ssyncset.done $0x0  }
0xce: {  	[sflag:s23] =	ssyncadd.s32 $0xFFFFD800  }
0xcf: {  	[tilespmem:s15], [sflag:$0x3] =	stream.indirect.gather [hbm4b:s5+s12], $0x80, s9, s12, $0xb8;
	v63 =	vld [tilespmem:$0x0]  }
0xd0: {  	_ =	swait.ge [sflag:s16], $0x2800  }
0xd1: {  	s7 =	sld [smem:$0x7F6]  }
0xd2: {  	[sflag:s16] =	ssyncset.done $0x0  }
0xd3: {  	[sflag:s16] =	ssyncadd.s32 $0xFFFFD800  }
0xd4: {  	[spmem:s3] =	stream.indirect.scatter.add.f32 [tilespmem:s13], [sflag:$0x5], $0x80, s7, s12, $0xb8;
	v63 =	vld [tilespmem:$0x0]  }
0xd5: {  	_ =	swait.ge [sflag:s24], $0x2800  }
0xd6: {  	s8 =	sld [smem:$0x7F7]  }
0xd7: {  	[sflag:s24] =	ssyncset.done $0x0  }
0xd8: {  	[sflag:s24] =	ssyncadd.s32 $0xFFFFD800  }
0xd9: {  	[tilespmem:s17], [sflag:$0x4] =	stream.indirect.gather [hbm4b:s5+s12], $0x80, s8, s12, $0xb8;
	v63 =	vld [tilespmem:$0x0]  }
0xda: {  	_ =	swait.ge [sflag:s18], $0x2800  }
0xdb: {  	s9 =	sld [smem:$0x7F8]  }
0xdc: {  	[sflag:s18] =	ssyncset.done $0x0  }
0xdd: {  	[sflag:s18] =	ssyncadd.s32 $0xFFFFD800  }
0xde: {  	[spmem:s3] =	stream.indirect.scatter.add.f32 [tilespmem:s14], [sflag:$0x6], $0x80, s9, s12, $0xb8;
	v63 =	vld [tilespmem:$0x0]  }
0xdf: {  	_ =	swait.ge [sflag:s19], $0x2800  }
0xe0: {  	s7 =	sld [smem:$0x7F9]  }
0xe1: {  	[sflag:s19] =	ssyncset.done $0x0  }
0xe2: {  	[sflag:s19] =	ssyncadd.s32 $0xFFFFD800  }
0xe3: {  	[tilespmem:s13], [sflag:$0x1] =	stream.indirect.gather [hbm4b:s5+s12], $0x80, s7, s12, $0xb8;
	v63 =	vld [tilespmem:$0x0]  }
0xe4: {  	_ =	swait.ge [sflag:s20], $0x2800  }
0xe5: {  	s8 =	sld [smem:$0x7FA]  }
0xe6: {  	[sflag:s20] =	ssyncset.done $0x0  }
0xe7: {  	[sflag:s20] =	ssyncadd.s32 $0xFFFFD800  }
0xe8: {  	[spmem:s3] =	stream.indirect.scatter.add.f32 [tilespmem:s15], [sflag:$0x7], $0x80, s8, s12, $0xb8;
	v63 =	vld [tilespmem:$0x0]  }
0xe9: {  	_ =	swait.ge [sflag:s21], $0x2800  }
0xea: {  	s9 =	sld [smem:$0x7FB]  }
0xeb: {  	[sflag:s21] =	ssyncset.done $0x0  }
0xec: {  	[sflag:s21] =	ssyncadd.s32 $0xFFFFD800  }
0xed: {  	[tilespmem:s14], [sflag:$0x2] =	stream.indirect.gather [hbm4b:s5+s12], $0x80, s9, s12, $0xb8;
	v63 =	vld [tilespmem:$0x0]  }
0xee: {  	_ =	swait.ge [sflag:s22], $0x2800  }
0xef: {  	[sflag:s22] =	ssyncset.done $0x0  }
0xf0: {  	[sflag:s22] =	ssyncadd.s32 $0xFFFFD800  }
0xf1: {  	[spmem:s3] =	stream.indirect.scatter.add.f32 [tilespmem:s17], [sflag:$0x8], $0x80, s25, s12, $0xb8;
	v63 =	vld [tilespmem:$0x0]  }
0xf2: {  	_ =	swait.ge [sflag:s23], $0x2800  }
0xf3: {  	[sflag:s23] =	ssyncset.done $0x0  }
0xf4: {  	[sflag:s23] =	ssyncadd.s32 $0xFFFFD800  }
0xf5: {  	[tilespmem:s15], [sflag:$0x3] =	stream.indirect.gather [hbm4b:s5+s12], $0x80, s26, s12, $0xb8;
	v63 =	vld [tilespmem:$0x0]  }
0xf6: {  	_ =	swait.ge [sflag:s16], $0x2800  }
0xf7: {  	[sflag:s16] =	ssyncset.done $0x0  }
0xf8: {  	[sflag:s16] =	ssyncadd.s32 $0xFFFFD800  }
0xf9: {  	[spmem:s3] =	stream.indirect.scatter.add.f32 [tilespmem:s13], [sflag:$0x5], $0x80, s28, s12, $0xb8;
	v63 =	vld [tilespmem:$0x0]  }
0xfa: {  	_ =	swait.ge [sflag:s24], $0x2800  }
0xfb: {  	[sflag:s24] =	ssyncset.done $0x0  }
0xfc: {  	[sflag:s24] =	ssyncadd.s32 $0xFFFFD800  }
0xfd: {  	[tilespmem:s17], [sflag:$0x4] =	stream.indirect.gather [hbm4b:s5+s12], $0x80, s29, s12, $0xb8;
	v63 =	vld [tilespmem:$0x0]  }
0xfe: {  	_ =	swait.ge [sflag:s18], $0x2800  }
0xff: {  	[sflag:s18] =	ssyncset.done $0x0  }
0x100: {  	[sflag:s18] =	ssyncadd.s32 $0xFFFFD800  }
0x101: {  	[spmem:s3] =	stream.indirect.scatter.add.f32 [tilespmem:s14], [sflag:$0x6], $0x80, s30, s12, $0xb8;
	v63 =	vld [tilespmem:$0x0]  }
0x102: {  	_ =	swait.ge [sflag:s19], $0x2800  }
0x103: {  	[sflag:s19] =	ssyncset.done $0x0  }
0x104: {  	[sflag:s19] =	ssyncadd.s32 $0xFFFFD800  }
0x105: {  	[tilespmem:s13], [sflag:$0x1] =	stream.indirect.gather [hbm4b:s5+s12], $0x80, s31, s12, $0xb8;
	v63 =	vld [tilespmem:$0x0]  }
0x106: {  	_ =	swait.ge [sflag:s20], $0x2800  }
0x107: {  	[sflag:s20] =	ssyncset.done $0x0  }
0x108: {  	[sflag:s20] =	ssyncadd.s32 $0xFFFFD800  }
0x109: {  	[spmem:s3] =	stream.indirect.scatter.add.f32 [tilespmem:s15], [sflag:$0x7], $0x80, s1, s12, $0xb8;
	v63 =	vld [tilespmem:$0x0]  }
0x10a: {  	_ =	swait.ge [sflag:s22], $0x2800  }
0x10b: {  	[sflag:s22] =	ssyncset.done $0x0  }
0x10c: {  	[sflag:s22] =	ssyncadd.s32 $0xFFFFD800  }
0x10d: {  	[spmem:s3] =	stream.indirect.scatter.add.f32 [tilespmem:s17], [sflag:$0x8], $0x80, s0, s12, $0xb8;
	v63 =	vld [tilespmem:$0x0]  }
0x10e: {  	_ =	swait.ge [sflag:s16], $0x2800  }
0x10f: {  	[sflag:s16] =	ssyncset.done $0x0  }
0x110: {  	[sflag:s16] =	ssyncadd.s32 $0xFFFFD800  }
0x111: {  	[spmem:s3] =	stream.indirect.scatter.add.f32 [tilespmem:s13], [sflag:$0x5], $0x80, s2, s12, $0xb8;
	v63 =	vld [tilespmem:$0x0]  }
0x112: {  	_ =	swait.ge [sflag:s21], $0x2800  }
0x113: {  	[sflag:s21] =	ssyncset.done $0x0  }
0x114: {  	[sflag:s21] =	ssyncadd.s32 $0xFFFFD800  }
0x115: {  	_ =	swait.ge [sflag:s23], $0x2800  }
0x116: {  	[sflag:s23] =	ssyncset.done $0x0  }
0x117: {  	[sflag:s23] =	ssyncadd.s32 $0xFFFFD800  }
0x118: {  	_ =	swait.ge [sflag:s24], $0x2800  }
0x119: {  	[sflag:s24] =	ssyncset.done $0x0  }
0x11a: {  	[sflag:s24] =	ssyncadd.s32 $0xFFFFD800  }
0x11b: {  	s6 =	simm.s32 $0x400;
	_ =	swait.ge [sflag:s19], $0x2800  }
0x11c: {  	s8 =	simm.s32 $0x200;
	s9 =	rddreg [dreg:$0x5];
	[sflag:s19] =	ssyncset.done $0x0  }
.LBB2_2:
0x11d: {  	[sflag:s19] =	ssyncadd.s32 $0xFFFFD800;
	s9 =	sadd.s32 s8, s9  }
0x11e: {  	[tilespmem:s4], [sflag:$0x9] =	stream.linear.gather [hbm4b:s9+s4], $0xC80, $0x38;
	v63 =	vld [tilespmem:$0x0]  }
0x11f: {  	_ =	swait.ge [sflag:s10], $0xC80  }
0x120: {  	s9 =	rddreg [dreg:$0x4];
	[sflag:s10] =	ssyncset.done $0x0  }
0x121: {  	[sflag:s10] =	ssyncadd.s32 $0xFFFFF380;
	s9 =	sadd.s32 s8, s9  }
0x122: {  	[tilespmem:s11], [sflag:$0x9] =	stream.linear.gather [hbm4b:s9+s4], $0xC80, $0x38;
	v63 =	vld [tilespmem:$0x0]  }
0x123: {  	_ =	swait.ge [sflag:s10], $0xC80  }
0x124: {  	[sflag:s10] =	ssyncset.done $0x0  }
0x125: {  	s7 =	smov.u32 s6;
	[sflag:s10] =	ssyncadd.s32 $0xFFFFF380  }
0x126: {  	[tilespmem:s13], [sflag:$0x1] =	stream.indirect.gather [hbm4b:s5+s12], $0x80, s4, s12, $0xb8;
	v63 =	vld [tilespmem:$0x0]  }
0x127: {  	s8 =	smov.u32 s7;
	s7 =	rddreg [dreg:$0x6]  }
0x128: {  	[tilespmem:s14], [sflag:$0x2] =	stream.indirect.gather [hbm4b:s5+s12], $0x80, s7, s12, $0xb8;
	v63 =	vld [tilespmem:$0x0]  }
0x129: {  	s9 =	rddreg [dreg:$0x7]  }
0x12a: {  	[tilespmem:s15], [sflag:$0x3] =	stream.indirect.gather [hbm4b:s5+s12], $0x80, s9, s12, $0xb8;
	v63 =	vld [tilespmem:$0x0]  }
0x12b: {  	_ =	swait.ge [sflag:s16], $0x2800  }
0x12c: {  	[sflag:s16] =	ssyncset.done $0x0  }
0x12d: {  	[sflag:s16] =	ssyncadd.s32 $0xFFFFD800  }
0x12e: {  	[spmem:s3] =	stream.indirect.scatter.add.f32 [tilespmem:s13], [sflag:$0x5], $0x80, s11, s12, $0xb8;
	v63 =	vld [tilespmem:$0x0]  }
0x12f: {  	s9 =	rddreg [dreg:$0x8]  }
0x130: {  	[tilespmem:s17], [sflag:$0x4] =	stream.indirect.gather [hbm4b:s5+s12], $0x80, s9, s12, $0xb8;
	v63 =	vld [tilespmem:$0x0]  }
0x131: {  	_ =	swait.ge [sflag:s18], $0x2800  }
0x132: {  	[sflag:s18] =	ssyncset.done $0x0  }
0x133: {  	s9 =	rddreg [dreg:$0x9];
	[sflag:s18] =	ssyncadd.s32 $0xFFFFD800  }
0x134: {  	[spmem:s3] =	stream.indirect.scatter.add.f32 [tilespmem:s14], [sflag:$0x6], $0x80, s9, s12, $0xb8;
	v63 =	vld [tilespmem:$0x0]  }
0x135: {  	_ =	swait.ge [sflag:s19], $0x2800  }
0x136: {  	[sflag:s19] =	ssyncset.done $0x0  }
0x137: {  	s9 =	rddreg [dreg:$0xa];
	[sflag:s19] =	ssyncadd.s32 $0xFFFFD800  }
0x138: {  	[tilespmem:s13], [sflag:$0x1] =	stream.indirect.gather [hbm4b:s5+s12], $0x80, s9, s12, $0xb8;
	v63 =	vld [tilespmem:$0x0]  }
0x139: {  	_ =	swait.ge [sflag:s20], $0x2800  }
0x13a: {  	[sflag:s20] =	ssyncset.done $0x0  }
0x13b: {  	s9 =	rddreg [dreg:$0xb];
	[sflag:s20] =	ssyncadd.s32 $0xFFFFD800  }
0x13c: {  	[spmem:s3] =	stream.indirect.scatter.add.f32 [tilespmem:s15], [sflag:$0x7], $0x80, s9, s12, $0xb8;
	v63 =	vld [tilespmem:$0x0]  }
0x13d: {  	_ =	swait.ge [sflag:s21], $0x2800  }
0x13e: {  	[sflag:s21] =	ssyncset.done $0x0  }
0x13f: {  	s9 =	rddreg [dreg:$0xc];
	[sflag:s21] =	ssyncadd.s32 $0xFFFFD800  }
0x140: {  	[tilespmem:s14], [sflag:$0x2] =	stream.indirect.gather [hbm4b:s5+s12], $0x80, s9, s12, $0xb8;
	v63 =	vld [tilespmem:$0x0]  }
0x141: {  	_ =	swait.ge [sflag:s22], $0x2800  }
0x142: {  	[sflag:s22] =	ssyncset.done $0x0  }
0x143: {  	s9 =	rddreg [dreg:$0xd];
	[sflag:s22] =	ssyncadd.s32 $0xFFFFD800  }
0x144: {  	[spmem:s3] =	stream.indirect.scatter.add.f32 [tilespmem:s17], [sflag:$0x8], $0x80, s9, s12, $0xb8;
	v63 =	vld [tilespmem:$0x0]  }
0x145: {  	_ =	swait.ge [sflag:s23], $0x2800  }
0x146: {  	[sflag:s23] =	ssyncset.done $0x0  }
0x147: {  	s9 =	rddreg [dreg:$0xe];
	[sflag:s23] =	ssyncadd.s32 $0xFFFFD800  }
0x148: {  	[tilespmem:s15], [sflag:$0x3] =	stream.indirect.gather [hbm4b:s5+s12], $0x80, s9, s12, $0xb8;
	v63 =	vld [tilespmem:$0x0]  }
0x149: {  	_ =	swait.ge [sflag:s16], $0x2800  }
0x14a: {  	[sflag:s16] =	ssyncset.done $0x0  }
0x14b: {  	s9 =	rddreg [dreg:$0xf];
	[sflag:s16] =	ssyncadd.s32 $0xFFFFD800  }
0x14c: {  	[spmem:s3] =	stream.indirect.scatter.add.f32 [tilespmem:s13], [sflag:$0x5], $0x80, s9, s12, $0xb8;
	v63 =	vld [tilespmem:$0x0]  }
0x14d: {  	_ =	swait.ge [sflag:s24], $0x2800  }
0x14e: {  	[sflag:s24] =	ssyncset.done $0x0  }
0x14f: {  	s9 =	rddreg [dreg:$0x10];
	[sflag:s24] =	ssyncadd.s32 $0xFFFFD800  }
0x150: {  	[tilespmem:s17], [sflag:$0x4] =	stream.indirect.gather [hbm4b:s5+s12], $0x80, s9, s12, $0xb8;
	v63 =	vld [tilespmem:$0x0]  }
0x151: {  	_ =	swait.ge [sflag:s18], $0x2800  }
0x152: {  	[sflag:s18] =	ssyncset.done $0x0  }
0x153: {  	s9 =	rddreg [dreg:$0x11];
	[sflag:s18] =	ssyncadd.s32 $0xFFFFD800  }
0x154: {  	[spmem:s3] =	stream.indirect.scatter.add.f32 [tilespmem:s14], [sflag:$0x6], $0x80, s9, s12, $0xb8;
	v63 =	vld [tilespmem:$0x0]  }
0x155: {  	_ =	swait.ge [sflag:s19], $0x2800  }
0x156: {  	[sflag:s19] =	ssyncset.done $0x0  }
0x157: {  	s9 =	rddreg [dreg:$0x12];
	[sflag:s19] =	ssyncadd.s32 $0xFFFFD800  }
0x158: {  	[tilespmem:s13], [sflag:$0x1] =	stream.indirect.gather [hbm4b:s5+s12], $0x80, s9, s12, $0xb8;
	v63 =	vld [tilespmem:$0x0]  }
0x159: {  	_ =	swait.ge [sflag:s20], $0x2800  }
0x15a: {  	[sflag:s20] =	ssyncset.done $0x0  }
0x15b: {  	s9 =	rddreg [dreg:$0x13];
	[sflag:s20] =	ssyncadd.s32 $0xFFFFD800  }
0x15c: {  	[spmem:s3] =	stream.indirect.scatter.add.f32 [tilespmem:s15], [sflag:$0x7], $0x80, s9, s12, $0xb8;
	v63 =	vld [tilespmem:$0x0]  }
0x15d: {  	_ =	swait.ge [sflag:s21], $0x2800  }
0x15e: {  	[sflag:s21] =	ssyncset.done $0x0  }
0x15f: {  	s9 =	rddreg [dreg:$0x14];
	[sflag:s21] =	ssyncadd.s32 $0xFFFFD800  }
0x160: {  	[tilespmem:s14], [sflag:$0x2] =	stream.indirect.gather [hbm4b:s5+s12], $0x80, s9, s12, $0xb8;
	v63 =	vld [tilespmem:$0x0]  }
0x161: {  	_ =	swait.ge [sflag:s22], $0x2800  }
0x162: {  	[sflag:s22] =	ssyncset.done $0x0  }
0x163: {  	s9 =	rddreg [dreg:$0x15];
	[sflag:s22] =	ssyncadd.s32 $0xFFFFD800  }
0x164: {  	[spmem:s3] =	stream.indirect.scatter.add.f32 [tilespmem:s17], [sflag:$0x8], $0x80, s9, s12, $0xb8;
	v63 =	vld [tilespmem:$0x0]  }
0x165: {  	_ =	swait.ge [sflag:s23], $0x2800  }
0x166: {  	[sflag:s23] =	ssyncset.done $0x0  }
0x167: {  	s9 =	rddreg [dreg:$0x16];
	[sflag:s23] =	ssyncadd.s32 $0xFFFFD800  }
0x168: {  	[tilespmem:s15], [sflag:$0x3] =	stream.indirect.gather [hbm4b:s5+s12], $0x80, s9, s12, $0xb8;
	v63 =	vld [tilespmem:$0x0]  }
0x169: {  	_ =	swait.ge [sflag:s16], $0x2800  }
0x16a: {  	[sflag:s16] =	ssyncset.done $0x0  }
0x16b: {  	s9 =	rddreg [dreg:$0x17];
	[sflag:s16] =	ssyncadd.s32 $0xFFFFD800  }
0x16c: {  	[spmem:s3] =	stream.indirect.scatter.add.f32 [tilespmem:s13], [sflag:$0x5], $0x80, s9, s12, $0xb8;
	v63 =	vld [tilespmem:$0x0]  }
0x16d: {  	_ =	swait.ge [sflag:s24], $0x2800  }
0x16e: {  	[sflag:s24] =	ssyncset.done $0x0  }
0x16f: {  	s9 =	rddreg [dreg:$0x18];
	[sflag:s24] =	ssyncadd.s32 $0xFFFFD800  }
0x170: {  	[tilespmem:s17], [sflag:$0x4] =	stream.indirect.gather [hbm4b:s5+s12], $0x80, s9, s12, $0xb8;
	v63 =	vld [tilespmem:$0x0]  }
0x171: {  	_ =	swait.ge [sflag:s18], $0x2800  }
0x172: {  	[sflag:s18] =	ssyncset.done $0x0  }
0x173: {  	s9 =	rddreg [dreg:$0x19];
	[sflag:s18] =	ssyncadd.s32 $0xFFFFD800  }
0x174: {  	[spmem:s3] =	stream.indirect.scatter.add.f32 [tilespmem:s14], [sflag:$0x6], $0x80, s9, s12, $0xb8;
	v63 =	vld [tilespmem:$0x0]  }
0x175: {  	_ =	swait.ge [sflag:s19], $0x2800  }
0x176: {  	[sflag:s19] =	ssyncset.done $0x0  }
0x177: {  	s9 =	rddreg [dreg:$0x1a];
	[sflag:s19] =	ssyncadd.s32 $0xFFFFD800  }
0x178: {  	[tilespmem:s13], [sflag:$0x1] =	stream.indirect.gather [hbm4b:s5+s12], $0x80, s9, s12, $0xb8;
	v63 =	vld [tilespmem:$0x0]  }
0x179: {  	_ =	swait.ge [sflag:s20], $0x2800  }
0x17a: {  	[sflag:s20] =	ssyncset.done $0x0  }
0x17b: {  	s9 =	rddreg [dreg:$0x1b];
	[sflag:s20] =	ssyncadd.s32 $0xFFFFD800  }
0x17c: {  	[spmem:s3] =	stream.indirect.scatter.add.f32 [tilespmem:s15], [sflag:$0x7], $0x80, s9, s12, $0xb8;
	v63 =	vld [tilespmem:$0x0]  }
0x17d: {  	_ =	swait.ge [sflag:s21], $0x2800  }
0x17e: {  	[sflag:s21] =	ssyncset.done $0x0  }
0x17f: {  	s9 =	rddreg [dreg:$0x1c];
	[sflag:s21] =	ssyncadd.s32 $0xFFFFD800  }
0x180: {  	[tilespmem:s14], [sflag:$0x2] =	stream.indirect.gather [hbm4b:s5+s12], $0x80, s9, s12, $0xb8;
	v63 =	vld [tilespmem:$0x0]  }
0x181: {  	_ =	swait.ge [sflag:s22], $0x2800  }
0x182: {  	[sflag:s22] =	ssyncset.done $0x0  }
0x183: {  	s9 =	rddreg [dreg:$0x1d];
	[sflag:s22] =	ssyncadd.s32 $0xFFFFD800  }
0x184: {  	[spmem:s3] =	stream.indirect.scatter.add.f32 [tilespmem:s17], [sflag:$0x8], $0x80, s9, s12, $0xb8;
	v63 =	vld [tilespmem:$0x0]  }
0x185: {  	_ =	swait.ge [sflag:s23], $0x2800  }
0x186: {  	[sflag:s23] =	ssyncset.done $0x0  }
0x187: {  	s9 =	rddreg [dreg:$0x1e];
	[sflag:s23] =	ssyncadd.s32 $0xFFFFD800  }
0x188: {  	[tilespmem:s15], [sflag:$0x3] =	stream.indirect.gather [hbm4b:s5+s12], $0x80, s9, s12, $0xb8;
	v63 =	vld [tilespmem:$0x0]  }
0x189: {  	_ =	swait.ge [sflag:s16], $0x2800  }
0x18a: {  	[sflag:s16] =	ssyncset.done $0x0  }
0x18b: {  	s9 =	rddreg [dreg:$0x1f];
	[sflag:s16] =	ssyncadd.s32 $0xFFFFD800  }
0x18c: {  	[spmem:s3] =	stream.indirect.scatter.add.f32 [tilespmem:s13], [sflag:$0x5], $0x80, s9, s12, $0xb8;
	v63 =	vld [tilespmem:$0x0]  }
0x18d: {  	_ =	swait.ge [sflag:s24], $0x2800  }
0x18e: {  	s9 =	sld [smem:$0x7EF]  }
0x18f: {  	[sflag:s24] =	ssyncset.done $0x0  }
0x190: {  	[sflag:s24] =	ssyncadd.s32 $0xFFFFD800  }
0x191: {  	[tilespmem:s17], [sflag:$0x4] =	stream.indirect.gather [hbm4b:s5+s12], $0x80, s9, s12, $0xb8;
	v63 =	vld [tilespmem:$0x0]  }
0x192: {  	_ =	swait.ge [sflag:s18], $0x2800  }
0x193: {  	s9 =	sld [smem:$0x7F0]  }
0x194: {  	[sflag:s18] =	ssyncset.done $0x0  }
0x195: {  	[sflag:s18] =	ssyncadd.s32 $0xFFFFD800  }
0x196: {  	[spmem:s3] =	stream.indirect.scatter.add.f32 [tilespmem:s14], [sflag:$0x6], $0x80, s9, s12, $0xb8;
	v63 =	vld [tilespmem:$0x0]  }
0x197: {  	_ =	swait.ge [sflag:s19], $0x2800  }
0x198: {  	s9 =	sld [smem:$0x7F1]  }
0x199: {  	[sflag:s19] =	ssyncset.done $0x0  }
0x19a: {  	[sflag:s19] =	ssyncadd.s32 $0xFFFFD800  }
0x19b: {  	[tilespmem:s13], [sflag:$0x1] =	stream.indirect.gather [hbm4b:s5+s12], $0x80, s9, s12, $0xb8;
	v63 =	vld [tilespmem:$0x0]  }
0x19c: {  	_ =	swait.ge [sflag:s20], $0x2800  }
0x19d: {  	s9 =	sld [smem:$0x7F2]  }
0x19e: {  	[sflag:s20] =	ssyncset.done $0x0  }
0x19f: {  	[sflag:s20] =	ssyncadd.s32 $0xFFFFD800  }
0x1a0: {  	[spmem:s3] =	stream.indirect.scatter.add.f32 [tilespmem:s15], [sflag:$0x7], $0x80, s9, s12, $0xb8;
	v63 =	vld [tilespmem:$0x0]  }
0x1a1: {  	_ =	swait.ge [sflag:s21], $0x2800  }
0x1a2: {  	s9 =	sld [smem:$0x7F3]  }
0x1a3: {  	[sflag:s21] =	ssyncset.done $0x0  }
0x1a4: {  	[sflag:s21] =	ssyncadd.s32 $0xFFFFD800  }
0x1a5: {  	[tilespmem:s14], [sflag:$0x2] =	stream.indirect.gather [hbm4b:s5+s12], $0x80, s9, s12, $0xb8;
	v63 =	vld [tilespmem:$0x0]  }
0x1a6: {  	_ =	swait.ge [sflag:s22], $0x2800  }
0x1a7: {  	s9 =	sld [smem:$0x7F4]  }
0x1a8: {  	[sflag:s22] =	ssyncset.done $0x0  }
0x1a9: {  	[sflag:s22] =	ssyncadd.s32 $0xFFFFD800  }
0x1aa: {  	[spmem:s3] =	stream.indirect.scatter.add.f32 [tilespmem:s17], [sflag:$0x8], $0x80, s9, s12, $0xb8;
	v63 =	vld [tilespmem:$0x0]  }
0x1ab: {  	_ =	swait.ge [sflag:s23], $0x2800  }
0x1ac: {  	s9 =	sld [smem:$0x7F5]  }
0x1ad: {  	[sflag:s23] =	ssyncset.done $0x0  }
0x1ae: {  	[sflag:s23] =	ssyncadd.s32 $0xFFFFD800  }
0x1af: {  	[tilespmem:s15], [sflag:$0x3] =	stream.indirect.gather [hbm4b:s5+s12], $0x80, s9, s12, $0xb8;
	v63 =	vld [tilespmem:$0x0]  }
0x1b0: {  	_ =	swait.ge [sflag:s16], $0x2800  }
0x1b1: {  	s9 =	sld [smem:$0x7F6]  }
0x1b2: {  	[sflag:s16] =	ssyncset.done $0x0  }
0x1b3: {  	[sflag:s16] =	ssyncadd.s32 $0xFFFFD800  }
0x1b4: {  	[spmem:s3] =	stream.indirect.scatter.add.f32 [tilespmem:s13], [sflag:$0x5], $0x80, s9, s12, $0xb8;
	v63 =	vld [tilespmem:$0x0]  }
0x1b5: {  	_ =	swait.ge [sflag:s24], $0x2800  }
0x1b6: {  	s9 =	sld [smem:$0x7F7]  }
0x1b7: {  	[sflag:s24] =	ssyncset.done $0x0  }
0x1b8: {  	[sflag:s24] =	ssyncadd.s32 $0xFFFFD800  }
0x1b9: {  	[tilespmem:s17], [sflag:$0x4] =	stream.indirect.gather [hbm4b:s5+s12], $0x80, s9, s12, $0xb8;
	v63 =	vld [tilespmem:$0x0]  }
0x1ba: {  	_ =	swait.ge [sflag:s18], $0x2800  }
0x1bb: {  	s9 =	sld [smem:$0x7F8]  }
0x1bc: {  	[sflag:s18] =	ssyncset.done $0x0  }
0x1bd: {  	[sflag:s18] =	ssyncadd.s32 $0xFFFFD800  }
0x1be: {  	[spmem:s3] =	stream.indirect.scatter.add.f32 [tilespmem:s14], [sflag:$0x6], $0x80, s9, s12, $0xb8;
	v63 =	vld [tilespmem:$0x0]  }
0x1bf: {  	_ =	swait.ge [sflag:s19], $0x2800  }
0x1c0: {  	s9 =	sld [smem:$0x7F9]  }
0x1c1: {  	[sflag:s19] =	ssyncset.done $0x0  }
0x1c2: {  	[sflag:s19] =	ssyncadd.s32 $0xFFFFD800  }
0x1c3: {  	[tilespmem:s13], [sflag:$0x1] =	stream.indirect.gather [hbm4b:s5+s12], $0x80, s9, s12, $0xb8;
	v63 =	vld [tilespmem:$0x0]  }
0x1c4: {  	_ =	swait.ge [sflag:s20], $0x2800  }
0x1c5: {  	s9 =	sld [smem:$0x7FA]  }
0x1c6: {  	[sflag:s20] =	ssyncset.done $0x0  }
0x1c7: {  	[sflag:s20] =	ssyncadd.s32 $0xFFFFD800  }
0x1c8: {  	[spmem:s3] =	stream.indirect.scatter.add.f32 [tilespmem:s15], [sflag:$0x7], $0x80, s9, s12, $0xb8;
	v63 =	vld [tilespmem:$0x0]  }
0x1c9: {  	_ =	swait.ge [sflag:s21], $0x2800  }
0x1ca: {  	s9 =	sld [smem:$0x7FB]  }
0x1cb: {  	[sflag:s21] =	ssyncset.done $0x0  }
0x1cc: {  	[sflag:s21] =	ssyncadd.s32 $0xFFFFD800  }
0x1cd: {  	[tilespmem:s14], [sflag:$0x2] =	stream.indirect.gather [hbm4b:s5+s12], $0x80, s9, s12, $0xb8;
	v63 =	vld [tilespmem:$0x0]  }
0x1ce: {  	_ =	swait.ge [sflag:s22], $0x2800  }
0x1cf: {  	[sflag:s22] =	ssyncset.done $0x0  }
0x1d0: {  	[sflag:s22] =	ssyncadd.s32 $0xFFFFD800  }
0x1d1: {  	[spmem:s3] =	stream.indirect.scatter.add.f32 [tilespmem:s17], [sflag:$0x8], $0x80, s25, s12, $0xb8;
	v63 =	vld [tilespmem:$0x0]  }
0x1d2: {  	_ =	swait.ge [sflag:s23], $0x2800  }
0x1d3: {  	[sflag:s23] =	ssyncset.done $0x0  }
0x1d4: {  	[sflag:s23] =	ssyncadd.s32 $0xFFFFD800  }
0x1d5: {  	[tilespmem:s15], [sflag:$0x3] =	stream.indirect.gather [hbm4b:s5+s12], $0x80, s26, s12, $0xb8;
	v63 =	vld [tilespmem:$0x0]  }
0x1d6: {  	_ =	swait.ge [sflag:s16], $0x2800  }
0x1d7: {  	[sflag:s16] =	ssyncset.done $0x0  }
0x1d8: {  	[sflag:s16] =	ssyncadd.s32 $0xFFFFD800  }
0x1d9: {  	[spmem:s3] =	stream.indirect.scatter.add.f32 [tilespmem:s13], [sflag:$0x5], $0x80, s28, s12, $0xb8;
	v63 =	vld [tilespmem:$0x0]  }
0x1da: {  	_ =	swait.ge [sflag:s24], $0x2800  }
0x1db: {  	[sflag:s24] =	ssyncset.done $0x0  }
0x1dc: {  	[sflag:s24] =	ssyncadd.s32 $0xFFFFD800  }
0x1dd: {  	[tilespmem:s17], [sflag:$0x4] =	stream.indirect.gather [hbm4b:s5+s12], $0x80, s29, s12, $0xb8;
	v63 =	vld [tilespmem:$0x0]  }
0x1de: {  	_ =	swait.ge [sflag:s18], $0x2800  }
0x1df: {  	[sflag:s18] =	ssyncset.done $0x0  }
0x1e0: {  	[sflag:s18] =	ssyncadd.s32 $0xFFFFD800  }
0x1e1: {  	[spmem:s3] =	stream.indirect.scatter.add.f32 [tilespmem:s14], [sflag:$0x6], $0x80, s30, s12, $0xb8;
	v63 =	vld [tilespmem:$0x0]  }
0x1e2: {  	_ =	swait.ge [sflag:s19], $0x2800  }
0x1e3: {  	[sflag:s19] =	ssyncset.done $0x0  }
0x1e4: {  	[sflag:s19] =	ssyncadd.s32 $0xFFFFD800  }
0x1e5: {  	[tilespmem:s13], [sflag:$0x1] =	stream.indirect.gather [hbm4b:s5+s12], $0x80, s31, s12, $0xb8;
	v63 =	vld [tilespmem:$0x0]  }
0x1e6: {  	_ =	swait.ge [sflag:s20], $0x2800  }
0x1e7: {  	[sflag:s20] =	ssyncset.done $0x0  }
0x1e8: {  	[sflag:s20] =	ssyncadd.s32 $0xFFFFD800  }
0x1e9: {  	[spmem:s3] =	stream.indirect.scatter.add.f32 [tilespmem:s15], [sflag:$0x7], $0x80, s1, s12, $0xb8;
	v63 =	vld [tilespmem:$0x0]  }
0x1ea: {  	_ =	swait.ge [sflag:s22], $0x2800  }
0x1eb: {  	[sflag:s22] =	ssyncset.done $0x0  }
0x1ec: {  	[sflag:s22] =	ssyncadd.s32 $0xFFFFD800  }
0x1ed: {  	[spmem:s3] =	stream.indirect.scatter.add.f32 [tilespmem:s17], [sflag:$0x8], $0x80, s0, s12, $0xb8;
	v63 =	vld [tilespmem:$0x0]  }
0x1ee: {  	_ =	swait.ge [sflag:s16], $0x2800  }
0x1ef: {  	[sflag:s16] =	ssyncset.done $0x0  }
0x1f0: {  	[sflag:s16] =	ssyncadd.s32 $0xFFFFD800  }
0x1f1: {  	[spmem:s3] =	stream.indirect.scatter.add.f32 [tilespmem:s13], [sflag:$0x5], $0x80, s2, s12, $0xb8;
	v63 =	vld [tilespmem:$0x0]  }
0x1f2: {  	_ =	swait.ge [sflag:s21], $0x2800  }
0x1f3: {  	[sflag:s21] =	ssyncset.done $0x0  }
0x1f4: {  	[sflag:s21] =	ssyncadd.s32 $0xFFFFD800  }
0x1f5: {  	_ =	swait.ge [sflag:s23], $0x2800  }
0x1f6: {  	[sflag:s23] =	ssyncset.done $0x0  }
0x1f7: {  	p0 =	sne.s32 s6, $0x800;
	[sflag:s23] =	ssyncadd.s32 $0xFFFFD800  }
.Ltmp0:
0x1f8: {  	_ =	swait.ge [sflag:s24], $0x2800;
	(pc) =	sbr.rel @p0 .LBB2_2-.Ltmp0, $4  }
0x1f9: {  	[sflag:s24] =	ssyncset.done $0x0  }
0x1fa: {  	[sflag:s24] =	ssyncadd.s32 $0xFFFFD800  }
0x1fb: {  	_ =	swait.ge [sflag:s19], $0x2800  }
0x1fc: {  	s6 =	sadd.s32 $0x200, s6;
	s9 =	rddreg [dreg:$0x5];
	[sflag:s19] =	ssyncset.done $0x0  }
0x1fd: {  	[sflag:s19] =	ssyncadd.s32 $0xFFFFD800;
	s6 =	sadd.s32 s8, s9  }
0x1fe: {  	[tilespmem:s4], [sflag:$0x9] =	stream.linear.gather [hbm4b:s6+s4], $0xC80, $0x38;
	v63 =	vld [tilespmem:$0x0]  }
0x1ff: {  	_ =	swait.ge [sflag:s10], $0xC80  }
0x200: {  	s7 =	rddreg [dreg:$0x4];
	[sflag:s10] =	ssyncset.done $0x0  }
0x201: {  	[sflag:s10] =	ssyncadd.s32 $0xFFFFF380;
	s6 =	sadd.s32 s8, s7  }
0x202: {  	[tilespmem:s11], [sflag:$0x9] =	stream.linear.gather [hbm4b:s6+s4], $0xC80, $0x38;
	v63 =	vld [tilespmem:$0x0]  }
0x203: {  	_ =	swait.ge [sflag:s10], $0xC80  }
0x204: {  	[sflag:s10] =	ssyncset.done $0x0  }
0x205: {  	[sflag:s10] =	ssyncadd.s32 $0xFFFFF380  }
0x206: {  	[tilespmem:s13], [sflag:$0x1] =	stream.indirect.gather [hbm4b:s5+s12], $0x80, s4, s12, $0xb8;
	v63 =	vld [tilespmem:$0x0]  }
0x207: {  	s9 =	rddreg [dreg:$0x6]  }
0x208: {  	[tilespmem:s14], [sflag:$0x2] =	stream.indirect.gather [hbm4b:s5+s12], $0x80, s9, s12, $0xb8;
	v63 =	vld [tilespmem:$0x0]  }
0x209: {  	s7 =	rddreg [dreg:$0x7]  }
0x20a: {  	[tilespmem:s15], [sflag:$0x3] =	stream.indirect.gather [hbm4b:s5+s12], $0x80, s7, s12, $0xb8;
	v63 =	vld [tilespmem:$0x0]  }
0x20b: {  	_ =	swait.ge [sflag:s16], $0x2800  }
0x20c: {  	[sflag:s16] =	ssyncset.done $0x0  }
0x20d: {  	[sflag:s16] =	ssyncadd.s32 $0xFFFFD800  }
0x20e: {  	[spmem:s3] =	stream.indirect.scatter.add.f32 [tilespmem:s13], [sflag:$0x5], $0x80, s11, s12, $0xb8;
	v63 =	vld [tilespmem:$0x0]  }
0x20f: {  	s8 =	rddreg [dreg:$0x8]  }
0x210: {  	[tilespmem:s17], [sflag:$0x4] =	stream.indirect.gather [hbm4b:s5+s12], $0x80, s8, s12, $0xb8;
	v63 =	vld [tilespmem:$0x0]  }
0x211: {  	_ =	swait.ge [sflag:s18], $0x2800  }
0x212: {  	[sflag:s18] =	ssyncset.done $0x0  }
0x213: {  	s9 =	rddreg [dreg:$0x9];
	[sflag:s18] =	ssyncadd.s32 $0xFFFFD800  }
0x214: {  	[spmem:s3] =	stream.indirect.scatter.add.f32 [tilespmem:s14], [sflag:$0x6], $0x80, s9, s12, $0xb8;
	v63 =	vld [tilespmem:$0x0]  }
0x215: {  	_ =	swait.ge [sflag:s19], $0x2800  }
0x216: {  	[sflag:s19] =	ssyncset.done $0x0  }
0x217: {  	s7 =	rddreg [dreg:$0xa];
	[sflag:s19] =	ssyncadd.s32 $0xFFFFD800  }
0x218: {  	[tilespmem:s13], [sflag:$0x1] =	stream.indirect.gather [hbm4b:s5+s12], $0x80, s7, s12, $0xb8;
	v63 =	vld [tilespmem:$0x0]  }
0x219: {  	_ =	swait.ge [sflag:s20], $0x2800  }
0x21a: {  	[sflag:s20] =	ssyncset.done $0x0  }
0x21b: {  	s8 =	rddreg [dreg:$0xb];
	[sflag:s20] =	ssyncadd.s32 $0xFFFFD800  }
0x21c: {  	[spmem:s3] =	stream.indirect.scatter.add.f32 [tilespmem:s15], [sflag:$0x7], $0x80, s8, s12, $0xb8;
	v63 =	vld [tilespmem:$0x0]  }
0x21d: {  	_ =	swait.ge [sflag:s21], $0x2800  }
0x21e: {  	[sflag:s21] =	ssyncset.done $0x0  }
0x21f: {  	s9 =	rddreg [dreg:$0xc];
	[sflag:s21] =	ssyncadd.s32 $0xFFFFD800  }
0x220: {  	[tilespmem:s14], [sflag:$0x2] =	stream.indirect.gather [hbm4b:s5+s12], $0x80, s9, s12, $0xb8;
	v63 =	vld [tilespmem:$0x0]  }
0x221: {  	_ =	swait.ge [sflag:s22], $0x2800  }
0x222: {  	[sflag:s22] =	ssyncset.done $0x0  }
0x223: {  	s7 =	rddreg [dreg:$0xd];
	[sflag:s22] =	ssyncadd.s32 $0xFFFFD800  }
0x224: {  	[spmem:s3] =	stream.indirect.scatter.add.f32 [tilespmem:s17], [sflag:$0x8], $0x80, s7, s12, $0xb8;
	v63 =	vld [tilespmem:$0x0]  }
0x225: {  	_ =	swait.ge [sflag:s23], $0x2800  }
0x226: {  	[sflag:s23] =	ssyncset.done $0x0  }
0x227: {  	s8 =	rddreg [dreg:$0xe];
	[sflag:s23] =	ssyncadd.s32 $0xFFFFD800  }
0x228: {  	[tilespmem:s15], [sflag:$0x3] =	stream.indirect.gather [hbm4b:s5+s12], $0x80, s8, s12, $0xb8;
	v63 =	vld [tilespmem:$0x0]  }
0x229: {  	_ =	swait.ge [sflag:s16], $0x2800  }
0x22a: {  	[sflag:s16] =	ssyncset.done $0x0  }
0x22b: {  	s9 =	rddreg [dreg:$0xf];
	[sflag:s16] =	ssyncadd.s32 $0xFFFFD800  }
0x22c: {  	[spmem:s3] =	stream.indirect.scatter.add.f32 [tilespmem:s13], [sflag:$0x5], $0x80, s9, s12, $0xb8;
	v63 =	vld [tilespmem:$0x0]  }
0x22d: {  	_ =	swait.ge [sflag:s24], $0x2800  }
0x22e: {  	[sflag:s24] =	ssyncset.done $0x0  }
0x22f: {  	s7 =	rddreg [dreg:$0x10];
	[sflag:s24] =	ssyncadd.s32 $0xFFFFD800  }
0x230: {  	[tilespmem:s17], [sflag:$0x4] =	stream.indirect.gather [hbm4b:s5+s12], $0x80, s7, s12, $0xb8;
	v63 =	vld [tilespmem:$0x0]  }
0x231: {  	_ =	swait.ge [sflag:s18], $0x2800  }
0x232: {  	[sflag:s18] =	ssyncset.done $0x0  }
0x233: {  	s8 =	rddreg [dreg:$0x11];
	[sflag:s18] =	ssyncadd.s32 $0xFFFFD800  }
0x234: {  	[spmem:s3] =	stream.indirect.scatter.add.f32 [tilespmem:s14], [sflag:$0x6], $0x80, s8, s12, $0xb8;
	v63 =	vld [tilespmem:$0x0]  }
0x235: {  	_ =	swait.ge [sflag:s19], $0x2800  }
0x236: {  	[sflag:s19] =	ssyncset.done $0x0  }
0x237: {  	s9 =	rddreg [dreg:$0x12];
	[sflag:s19] =	ssyncadd.s32 $0xFFFFD800  }
0x238: {  	[tilespmem:s13], [sflag:$0x1] =	stream.indirect.gather [hbm4b:s5+s12], $0x80, s9, s12, $0xb8;
	v63 =	vld [tilespmem:$0x0]  }
0x239: {  	_ =	swait.ge [sflag:s20], $0x2800  }
0x23a: {  	[sflag:s20] =	ssyncset.done $0x0  }
0x23b: {  	s7 =	rddreg [dreg:$0x13];
	[sflag:s20] =	ssyncadd.s32 $0xFFFFD800  }
0x23c: {  	[spmem:s3] =	stream.indirect.scatter.add.f32 [tilespmem:s15], [sflag:$0x7], $0x80, s7, s12, $0xb8;
	v63 =	vld [tilespmem:$0x0]  }
0x23d: {  	_ =	swait.ge [sflag:s21], $0x2800  }
0x23e: {  	[sflag:s21] =	ssyncset.done $0x0  }
0x23f: {  	s8 =	rddreg [dreg:$0x14];
	[sflag:s21] =	ssyncadd.s32 $0xFFFFD800  }
0x240: {  	[tilespmem:s14], [sflag:$0x2] =	stream.indirect.gather [hbm4b:s5+s12], $0x80, s8, s12, $0xb8;
	v63 =	vld [tilespmem:$0x0]  }
0x241: {  	_ =	swait.ge [sflag:s22], $0x2800  }
0x242: {  	[sflag:s22] =	ssyncset.done $0x0  }
0x243: {  	s9 =	rddreg [dreg:$0x15];
	[sflag:s22] =	ssyncadd.s32 $0xFFFFD800  }
0x244: {  	[spmem:s3] =	stream.indirect.scatter.add.f32 [tilespmem:s17], [sflag:$0x8], $0x80, s9, s12, $0xb8;
	v63 =	vld [tilespmem:$0x0]  }
0x245: {  	_ =	swait.ge [sflag:s23], $0x2800  }
0x246: {  	[sflag:s23] =	ssyncset.done $0x0  }
0x247: {  	s7 =	rddreg [dreg:$0x16];
	[sflag:s23] =	ssyncadd.s32 $0xFFFFD800  }
0x248: {  	[tilespmem:s15], [sflag:$0x3] =	stream.indirect.gather [hbm4b:s5+s12], $0x80, s7, s12, $0xb8;
	v63 =	vld [tilespmem:$0x0]  }
0x249: {  	_ =	swait.ge [sflag:s16], $0x2800  }
0x24a: {  	[sflag:s16] =	ssyncset.done $0x0  }
0x24b: {  	s8 =	rddreg [dreg:$0x17];
	[sflag:s16] =	ssyncadd.s32 $0xFFFFD800  }
0x24c: {  	[spmem:s3] =	stream.indirect.scatter.add.f32 [tilespmem:s13], [sflag:$0x5], $0x80, s8, s12, $0xb8;
	v63 =	vld [tilespmem:$0x0]  }
0x24d: {  	_ =	swait.ge [sflag:s24], $0x2800  }
0x24e: {  	[sflag:s24] =	ssyncset.done $0x0  }
0x24f: {  	s9 =	rddreg [dreg:$0x18];
	[sflag:s24] =	ssyncadd.s32 $0xFFFFD800  }
0x250: {  	[tilespmem:s17], [sflag:$0x4] =	stream.indirect.gather [hbm4b:s5+s12], $0x80, s9, s12, $0xb8;
	v63 =	vld [tilespmem:$0x0]  }
0x251: {  	_ =	swait.ge [sflag:s18], $0x2800  }
0x252: {  	[sflag:s18] =	ssyncset.done $0x0  }
0x253: {  	s7 =	rddreg [dreg:$0x19];
	[sflag:s18] =	ssyncadd.s32 $0xFFFFD800  }
0x254: {  	[spmem:s3] =	stream.indirect.scatter.add.f32 [tilespmem:s14], [sflag:$0x6], $0x80, s7, s12, $0xb8;
	v63 =	vld [tilespmem:$0x0]  }
0x255: {  	_ =	swait.ge [sflag:s19], $0x2800  }
0x256: {  	[sflag:s19] =	ssyncset.done $0x0  }
0x257: {  	s8 =	rddreg [dreg:$0x1a];
	[sflag:s19] =	ssyncadd.s32 $0xFFFFD800  }
0x258: {  	[tilespmem:s13], [sflag:$0x1] =	stream.indirect.gather [hbm4b:s5+s12], $0x80, s8, s12, $0xb8;
	v63 =	vld [tilespmem:$0x0]  }
0x259: {  	_ =	swait.ge [sflag:s20], $0x2800  }
0x25a: {  	[sflag:s20] =	ssyncset.done $0x0  }
0x25b: {  	s9 =	rddreg [dreg:$0x1b];
	[sflag:s20] =	ssyncadd.s32 $0xFFFFD800  }
0x25c: {  	[spmem:s3] =	stream.indirect.scatter.add.f32 [tilespmem:s15], [sflag:$0x7], $0x80, s9, s12, $0xb8;
	v63 =	vld [tilespmem:$0x0]  }
0x25d: {  	_ =	swait.ge [sflag:s21], $0x2800  }
0x25e: {  	[sflag:s21] =	ssyncset.done $0x0  }
0x25f: {  	s7 =	rddreg [dreg:$0x1c];
	[sflag:s21] =	ssyncadd.s32 $0xFFFFD800  }
0x260: {  	[tilespmem:s14], [sflag:$0x2] =	stream.indirect.gather [hbm4b:s5+s12], $0x80, s7, s12, $0xb8;
	v63 =	vld [tilespmem:$0x0]  }
0x261: {  	_ =	swait.ge [sflag:s22], $0x2800  }
0x262: {  	[sflag:s22] =	ssyncset.done $0x0  }
0x263: {  	s8 =	rddreg [dreg:$0x1d];
	[sflag:s22] =	ssyncadd.s32 $0xFFFFD800  }
0x264: {  	[spmem:s3] =	stream.indirect.scatter.add.f32 [tilespmem:s17], [sflag:$0x8], $0x80, s8, s12, $0xb8;
	v63 =	vld [tilespmem:$0x0]  }
0x265: {  	_ =	swait.ge [sflag:s23], $0x2800  }
0x266: {  	[sflag:s23] =	ssyncset.done $0x0  }
0x267: {  	s9 =	rddreg [dreg:$0x1e];
	[sflag:s23] =	ssyncadd.s32 $0xFFFFD800  }
0x268: {  	[tilespmem:s15], [sflag:$0x3] =	stream.indirect.gather [hbm4b:s5+s12], $0x80, s9, s12, $0xb8;
	v63 =	vld [tilespmem:$0x0]  }
0x269: {  	_ =	swait.ge [sflag:s16], $0x2800  }
0x26a: {  	[sflag:s16] =	ssyncset.done $0x0  }
0x26b: {  	s7 =	rddreg [dreg:$0x1f];
	[sflag:s16] =	ssyncadd.s32 $0xFFFFD800  }
0x26c: {  	[spmem:s3] =	stream.indirect.scatter.add.f32 [tilespmem:s13], [sflag:$0x5], $0x80, s7, s12, $0xb8;
	v63 =	vld [tilespmem:$0x0]  }
0x26d: {  	_ =	swait.ge [sflag:s24], $0x2800  }
0x26e: {  	s8 =	sld [smem:$0x7EF]  }
0x26f: {  	[sflag:s24] =	ssyncset.done $0x0  }
0x270: {  	[sflag:s24] =	ssyncadd.s32 $0xFFFFD800  }
0x271: {  	[tilespmem:s17], [sflag:$0x4] =	stream.indirect.gather [hbm4b:s5+s12], $0x80, s8, s12, $0xb8;
	v63 =	vld [tilespmem:$0x0]  }
0x272: {  	_ =	swait.ge [sflag:s18], $0x2800  }
0x273: {  	s9 =	sld [smem:$0x7F0]  }
0x274: {  	[sflag:s18] =	ssyncset.done $0x0  }
0x275: {  	[sflag:s18] =	ssyncadd.s32 $0xFFFFD800  }
0x276: {  	[spmem:s3] =	stream.indirect.scatter.add.f32 [tilespmem:s14], [sflag:$0x6], $0x80, s9, s12, $0xb8;
	v63 =	vld [tilespmem:$0x0]  }
0x277: {  	_ =	swait.ge [sflag:s19], $0x2800  }
0x278: {  	s7 =	sld [smem:$0x7F1]  }
0x279: {  	[sflag:s19] =	ssyncset.done $0x0  }
0x27a: {  	[sflag:s19] =	ssyncadd.s32 $0xFFFFD800  }
0x27b: {  	[tilespmem:s13], [sflag:$0x1] =	stream.indirect.gather [hbm4b:s5+s12], $0x80, s7, s12, $0xb8;
	v63 =	vld [tilespmem:$0x0]  }
0x27c: {  	_ =	swait.ge [sflag:s20], $0x2800  }
0x27d: {  	s8 =	sld [smem:$0x7F2]  }
0x27e: {  	[sflag:s20] =	ssyncset.done $0x0  }
0x27f: {  	[sflag:s20] =	ssyncadd.s32 $0xFFFFD800  }
0x280: {  	[spmem:s3] =	stream.indirect.scatter.add.f32 [tilespmem:s15], [sflag:$0x7], $0x80, s8, s12, $0xb8;
	v63 =	vld [tilespmem:$0x0]  }
0x281: {  	_ =	swait.ge [sflag:s21], $0x2800  }
0x282: {  	s9 =	sld [smem:$0x7F3]  }
0x283: {  	[sflag:s21] =	ssyncset.done $0x0  }
0x284: {  	[sflag:s21] =	ssyncadd.s32 $0xFFFFD800  }
0x285: {  	[tilespmem:s14], [sflag:$0x2] =	stream.indirect.gather [hbm4b:s5+s12], $0x80, s9, s12, $0xb8;
	v63 =	vld [tilespmem:$0x0]  }
0x286: {  	_ =	swait.ge [sflag:s22], $0x2800  }
0x287: {  	s7 =	sld [smem:$0x7F4]  }
0x288: {  	[sflag:s22] =	ssyncset.done $0x0  }
0x289: {  	[sflag:s22] =	ssyncadd.s32 $0xFFFFD800  }
0x28a: {  	[spmem:s3] =	stream.indirect.scatter.add.f32 [tilespmem:s17], [sflag:$0x8], $0x80, s7, s12, $0xb8;
	v63 =	vld [tilespmem:$0x0]  }
0x28b: {  	_ =	swait.ge [sflag:s23], $0x2800  }
0x28c: {  	s8 =	sld [smem:$0x7F5]  }
0x28d: {  	[sflag:s23] =	ssyncset.done $0x0  }
0x28e: {  	[sflag:s23] =	ssyncadd.s32 $0xFFFFD800  }
0x28f: {  	[tilespmem:s15], [sflag:$0x3] =	stream.indirect.gather [hbm4b:s5+s12], $0x80, s8, s12, $0xb8;
	v63 =	vld [tilespmem:$0x0]  }
0x290: {  	_ =	swait.ge [sflag:s16], $0x2800  }
0x291: {  	s9 =	sld [smem:$0x7F6]  }
0x292: {  	[sflag:s16] =	ssyncset.done $0x0  }
0x293: {  	[sflag:s16] =	ssyncadd.s32 $0xFFFFD800  }
0x294: {  	[spmem:s3] =	stream.indirect.scatter.add.f32 [tilespmem:s13], [sflag:$0x5], $0x80, s9, s12, $0xb8;
	v63 =	vld [tilespmem:$0x0]  }
0x295: {  	_ =	swait.ge [sflag:s24], $0x2800  }
0x296: {  	s7 =	sld [smem:$0x7F7]  }
0x297: {  	[sflag:s24] =	ssyncset.done $0x0  }
0x298: {  	[sflag:s24] =	ssyncadd.s32 $0xFFFFD800  }
0x299: {  	[tilespmem:s17], [sflag:$0x4] =	stream.indirect.gather [hbm4b:s5+s12], $0x80, s7, s12, $0xb8;
	v63 =	vld [tilespmem:$0x0]  }
0x29a: {  	_ =	swait.ge [sflag:s18], $0x2800  }
0x29b: {  	s8 =	sld [smem:$0x7F8]  }
0x29c: {  	[sflag:s18] =	ssyncset.done $0x0  }
0x29d: {  	[sflag:s18] =	ssyncadd.s32 $0xFFFFD800  }
0x29e: {  	[spmem:s3] =	stream.indirect.scatter.add.f32 [tilespmem:s14], [sflag:$0x6], $0x80, s8, s12, $0xb8;
	v63 =	vld [tilespmem:$0x0]  }
0x29f: {  	_ =	swait.ge [sflag:s19], $0x2800  }
0x2a0: {  	s9 =	sld [smem:$0x7F9]  }
0x2a1: {  	[sflag:s19] =	ssyncset.done $0x0  }
0x2a2: {  	[sflag:s19] =	ssyncadd.s32 $0xFFFFD800  }
0x2a3: {  	[tilespmem:s13], [sflag:$0x1] =	stream.indirect.gather [hbm4b:s5+s12], $0x80, s9, s12, $0xb8;
	v63 =	vld [tilespmem:$0x0]  }
0x2a4: {  	_ =	swait.ge [sflag:s20], $0x2800  }
0x2a5: {  	s7 =	sld [smem:$0x7FA]  }
0x2a6: {  	[sflag:s20] =	ssyncset.done $0x0  }
0x2a7: {  	[sflag:s20] =	ssyncadd.s32 $0xFFFFD800  }
0x2a8: {  	[spmem:s3] =	stream.indirect.scatter.add.f32 [tilespmem:s15], [sflag:$0x7], $0x80, s7, s12, $0xb8;
	v63 =	vld [tilespmem:$0x0]  }
0x2a9: {  	_ =	swait.ge [sflag:s21], $0x2800  }
0x2aa: {  	s8 =	sld [smem:$0x7FB]  }
0x2ab: {  	[sflag:s21] =	ssyncset.done $0x0  }
0x2ac: {  	[sflag:s21] =	ssyncadd.s32 $0xFFFFD800  }
0x2ad: {  	[tilespmem:s14], [sflag:$0x2] =	stream.indirect.gather [hbm4b:s5+s12], $0x80, s8, s12, $0xb8;
	v63 =	vld [tilespmem:$0x0]  }
0x2ae: {  	_ =	swait.ge [sflag:s22], $0x2800  }
0x2af: {  	[sflag:s22] =	ssyncset.done $0x0  }
0x2b0: {  	[sflag:s22] =	ssyncadd.s32 $0xFFFFD800  }
0x2b1: {  	[spmem:s3] =	stream.indirect.scatter.add.f32 [tilespmem:s17], [sflag:$0x8], $0x80, s25, s12, $0xb8;
	v63 =	vld [tilespmem:$0x0]  }
0x2b2: {  	_ =	swait.ge [sflag:s23], $0x2800  }
0x2b3: {  	[sflag:s23] =	ssyncset.done $0x0  }
0x2b4: {  	[sflag:s23] =	ssyncadd.s32 $0xFFFFD800  }
0x2b5: {  	[tilespmem:s15], [sflag:$0x3] =	stream.indirect.gather [hbm4b:s5+s12], $0x80, s26, s12, $0xb8;
	v63 =	vld [tilespmem:$0x0]  }
0x2b6: {  	_ =	swait.ge [sflag:s16], $0x2800  }
0x2b7: {  	[sflag:s16] =	ssyncset.done $0x0  }
0x2b8: {  	[sflag:s16] =	ssyncadd.s32 $0xFFFFD800  }
0x2b9: {  	[spmem:s3] =	stream.indirect.scatter.add.f32 [tilespmem:s13], [sflag:$0x5], $0x80, s28, s12, $0xb8;
	v63 =	vld [tilespmem:$0x0]  }
0x2ba: {  	_ =	swait.ge [sflag:s24], $0x2800  }
0x2bb: {  	[sflag:s24] =	ssyncset.done $0x0  }
0x2bc: {  	[sflag:s24] =	ssyncadd.s32 $0xFFFFD800  }
0x2bd: {  	[tilespmem:s17], [sflag:$0x4] =	stream.indirect.gather [hbm4b:s5+s12], $0x80, s29, s12, $0xb8;
	v63 =	vld [tilespmem:$0x0]  }
0x2be: {  	_ =	swait.ge [sflag:s18], $0x2800  }
0x2bf: {  	[sflag:s18] =	ssyncset.done $0x0  }
0x2c0: {  	[sflag:s18] =	ssyncadd.s32 $0xFFFFD800  }
0x2c1: {  	[spmem:s3] =	stream.indirect.scatter.add.f32 [tilespmem:s14], [sflag:$0x6], $0x80, s30, s12, $0xb8;
	v63 =	vld [tilespmem:$0x0]  }
0x2c2: {  	_ =	swait.ge [sflag:s19], $0x2800  }
0x2c3: {  	[sflag:s19] =	ssyncset.done $0x0  }
0x2c4: {  	[sflag:s19] =	ssyncadd.s32 $0xFFFFD800  }
0x2c5: {  	[tilespmem:s13], [sflag:$0x1] =	stream.indirect.gather [hbm4b:s5+s12], $0x80, s31, s12, $0xb8;
	v63 =	vld [tilespmem:$0x0]  }
0x2c6: {  	_ =	swait.ge [sflag:s20], $0x2800  }
0x2c7: {  	[sflag:s20] =	ssyncset.done $0x0  }
0x2c8: {  	[sflag:s20] =	ssyncadd.s32 $0xFFFFD800  }
0x2c9: {  	[spmem:s3] =	stream.indirect.scatter.add.f32 [tilespmem:s15], [sflag:$0x7], $0x80, s1, s12, $0xb8;
	v63 =	vld [tilespmem:$0x0]  }
0x2ca: {  	_ =	swait.ge [sflag:s22], $0x2800  }
0x2cb: {  	[sflag:s22] =	ssyncset.done $0x0  }
0x2cc: {  	[sflag:s22] =	ssyncadd.s32 $0xFFFFD800  }
0x2cd: {  	[spmem:s3] =	stream.indirect.scatter.add.f32 [tilespmem:s17], [sflag:$0x8], $0x80, s0, s12, $0xb8;
	v63 =	vld [tilespmem:$0x0]  }
0x2ce: {  	_ =	swait.ge [sflag:s16], $0x2800  }
0x2cf: {  	[sflag:s16] =	ssyncset.done $0x0  }
0x2d0: {  	[sflag:s16] =	ssyncadd.s32 $0xFFFFD800  }
0x2d1: {  	[spmem:s3] =	stream.indirect.scatter.add.f32 [tilespmem:s13], [sflag:$0x5], $0x80, s2, s12, $0xb8;
	v63 =	vld [tilespmem:$0x0]  }
0x2d2: {  	_ =	swait.ge [sflag:s21], $0x2800  }
0x2d3: {  	[sflag:s21] =	ssyncset.done $0x0  }
0x2d4: {  	[sflag:s21] =	ssyncadd.s32 $0xFFFFD800  }
0x2d5: {  	_ =	swait.ge [sflag:s23], $0x2800  }
0x2d6: {  	[sflag:s23] =	ssyncset.done $0x0  }
0x2d7: {  	[sflag:s23] =	ssyncadd.s32 $0xFFFFD800  }
0x2d8: {  	_ =	swait.ge [sflag:s24], $0x2800  }
0x2d9: {  	[sflag:s24] =	ssyncset.done $0x0  }
0x2da: {  	[sflag:s24] =	ssyncadd.s32 $0xFFFFD800  }
0x2db: {  	_ =	swait.ge [sflag:s19], $0x2800  }
0x2dc: {  	[sflag:s19] =	ssyncset.done $0x0  }
0x2dd: {  	[sflag:s19] =	ssyncadd.s32 $0xFFFFD800  }
0x2de: {  	[bflag:$0x0] =	sbarrier.arrive $0xFFFF  }
0x2df: {  	s7 =	sld [smem:$0x7FC]  }
0x2e0: {  	s9 =	sld [smem:$0x7ED]  }
0x2e1: {  	s8 =	sld [smem:$0x7FD];
	_ =	sdelay $0x2  }
0x2e2: {  	[hbm:s9], [sflag:s7] =	dma.local [spmem:s8], $0x2800  }
0x2e3: {  	_ =	swait.ge [sflag:s10], $0x2800  }
0x2e4: {  	s6 =	sld [smem:$0x7EC];
	_ =	sdelay $0x2  }
0x2e5: {  	s9 =	sadd.s32 $0x1, s6;
	s6 =	sld [smem:$0x7EE];
	_ =	sdelay $0x2  }
0x2e6: {  	p0 =	sne.s32 s9, s6  }
.Ltmp1:
0x2e7: {  	_ = 	snop;
	(pc) =	sbr.rel @p0 .LBB2_1-.Ltmp1, $3  }
0x2e8: {  	_ =	sdelay $0x1  }
0x2e9: {  	[sflag:s10] =	ssyncset.done $0x0  }
0x2ea: {  	[sflag:s10] =	ssyncadd.s32 $0xFFFFD800  }
0x2eb: {  	_ =	sfence.sel $0x180000  }
0x2ec: {  	[bflag:$0x0] =	sbarrier.arrive $0xFFFF  }
0x2ed: {  	_ =	strace $0x9000004A  }
0x2ee: {  	s0 =	stileid.u32;
	[bflag:$0x2] =	sbarrier.arrive $0xFFFF  }
0x2ef: {  	p0 =	sne.s32 s0, $0x0;
	s0 =	rddreg [dreg:$0x3]  }
0x2f0: {  	s0 =	sadd.s32 @!p0 $0x100000, s0  }
0x2f1: {  	[sflag:s0] =	ssyncadd.tile.s32 @!p0 $0x1;
	_ =	shalt  }
.Lfunc_end2:
_tile_overlayer_lowered:
.L_overlay_start_2:
0x2f2: {  	(tag) =	ssettag $0x2  }
0x2f3: {  	s0 =	rddreg [dreg:$0x0];
	s2 =	stileid.u32  }
0x2f4: {  	s1 =	rddreg [dreg:$0x1];
	p0 =	sne.s32 s2, $0x0  }
0x2f5: {  	s3 =	rddreg [dreg:$0x2];
	[bflag:$0x3] =	sbarrier.arrive $0xFFFF;
	s2 =	simm.s32 @!p0 $0x1C09  }
0x2f6: {  	[timem:s3], [sflag:s2] =	dma.local @!p0 [hbm:s0], s1  }
0x2f7: {  	s0 =	simm.s32 @!p0 $0x9  }
0x2f8: {  	_ =	swait.ge @!p0 [sflag:s0], s1  }
0x2f9: {  	s1 =	ssub.s32 @!p0 $0x0, s1;
	[sflag:s0] =	ssyncset.done @!p0 $0x0  }
0x2fa: {  	[sflag:s0] =	ssyncadd.s32 @!p0 s1  }
0x2fb: {  	[bflag:$0x3] =	sbarrier.arrive $0xFFFF  }
0x2fc: {  	_ =	shalt  }

// kernel: kernel.14.cloned.1.call-start
scs
__scs_entry_jumppad:
0x0: {  	(pc) =	sbr.rel $0x88, $3  }
0x1: {  	(tag) =	ssettag $0x0;
	lr =	simm.s32 $0x1  }
0x2: {  	[smem:$0x3F99] =	sst lr;
	_ =	strace $0xD0000000  }
0x3: {  	_ = 	snop  }
0x4: {  	_ = 	snop  }
0x5: {  	_ = 	snop  }
0x6: {  	_ = 	snop  }
0x7: {  	_ = 	snop  }
__scs_overlays_trampoline_lowered:
0x8: {  	[smem:$0x3FA8] =	sst s0  }
0x9: {  	[smem:$0x3FA9] =	sst s1  }
0xa: {  	[smem:$0x3FAA] =	sst s2  }
0xb: {  	[smem:$0x3FAB] =	sst s3  }
0xc: {  	[smem:$0x3FAC] =	sst s4  }
0xd: {  	[smem:$0x3FAD] =	sst s5  }
0xe: {  	[smem:$0x3FAE] =	sst s6  }
0xf: {  	[smem:$0x3FAF] =	sst s7  }
0x10: {  	[smem:$0x3FB0] =	sst s8  }
0x11: {  	[smem:$0x3FB1] =	sst s9;
	s0 =	simm.s32 @!p0 $0x0  }
0x12: {  	s1 =	sld [smem:$0x3F97];
	s0 =	simm.s32 @p0 $0x1  }
0x13: {  	[smem:$0x3FB2] =	sst s0;
	s0 =	simm.s32 @!p1 $0x0  }
0x14: {  	s2 =	sld [smem:$0x3F96];
	s0 =	simm.s32 @p1 $0x1  }
0x15: {  	[smem:$0x3FB3] =	sst s0;
	s0 =	simm.s32 @!p2 $0x0  }
0x16: {  	s3 =	sld [smem:$0x3FDB];
	s0 =	simm.s32 @p2 $0x1  }
0x17: {  	s4 =	simm.s32 $0x1BF5;
	[smem:$0x3FB5] =	sst s0  }
0x18: {  	s0 =	sld [smem:$0x3F98];
	_ =	swait.ge [sflag:s4], $0x0  }
0x19: {  	s7 =	sld [smem:$0x3F99]  }
0x1a: {  	s8 =	sadd.s32 $0xFFFFE003, lr  }
0x1b: {  	s9 =	sadd.s32 $0xFFFFFEF7, lr;
	s5 =	simm.s32 $0xFFFFFFFF;
	p2 =	slt.u32 s8, $0xFFFFF086  }
0x1c: {  	p1 =	slt.u32 s9, $0xF7A;
	s5 =	simm.s32 @!p2 $0x0  }
0x1d: {  	s5 =	simm.s32 @p1 $0x1;
	p0 =	seq.s32 s7, s2  }
0x1e: {  	s7 =	smul.u32 @!p0 $0xF7A, s2;
	p2 =	seq.s32 @!p0 s5, $0x0  }
0x1f: {  	s9 =	smul.u32 $0xF7A, s1;
	s8 =	simm.s32 @!p0 $0x1BF5;
	p2 =	por !p2, p0  }
0x20: {  	[sflag:s8] =	ssyncset.s32 @!p0 $0xFFFFF086;
	s6 =	sadd.s32 @!p0 s3, s7;
	s7 =	simm.s32 @!p0 $0x108  }
0x21: {  	s3 =	sadd.s32 s3, s9;
	s6 =	sadd.s32 @!p0 $0x88, s6;
	s7 =	simm.s32 @p2 $0x1082  }
0x22: {  	[simem:s7], [sflag:s8] =	dma.local @!p0 [hbm:s6], $0xF7A  }
0x23: {  	s9 =	sor.u32 $0xD0000000, s2;
	s6 =	simm.s32 $0x108;
	_ =	swait.ge @!p0 [sflag:s8], $0x0  }
0x24: {  	s3 =	sadd.s32 $0x88, s3;
	s6 =	simm.s32 @!p1 $0x1082;
	[sflag:s4] =	ssyncset.s32 $0xFFFFF086  }
0x25: {  	[simem:s6], [sflag:s4] =	dma.local [hbm:s3], $0xF7A  }
0x26: {  	[smem:$0x3F99] =	sst s1;
	(tag) =	ssettag s2;
	_ =	strace s9  }
0x27: {  	s1 =	sld [smem:$0x3FA9]  }
0x28: {  	s2 =	sld [smem:$0x3FAA]  }
0x29: {  	s4 =	sld [smem:$0x3FAC]  }
0x2a: {  	p0 =	seq.s32 s5, $0x0;
	s5 =	sld [smem:$0x3FAD]  }
0x2b: {  	s6 =	sld [smem:$0x3FAE]  }
0x2c: {  	s7 =	sld [smem:$0x3FAF]  }
0x2d: {  	s3 =	simm.s32 $0x108;
	s8 =	sld [smem:$0x3FB0]  }
0x2e: {  	s3 =	simm.s32 @!p0 $0x1082;
	s9 =	sld [smem:$0x3FB1]  }
0x2f: {  	lr =	sadd.s32 s0, s3;
	s0 =	sld [smem:$0x3FA8]  }
0x30: {  	s3 =	sld [smem:$0x3FAB]  }
0x31: {  	[smem:$0x3FB4] =	sst s10  }
0x32: {  	s10 =	sld [smem:$0x3FB2];
	_ =	sdelay $0x3  }
0x33: {  	p0 =	seq.s32 s10, $0x1;
	s10 =	sld [smem:$0x3FB4];
	_ =	sdelay $0x3  }
0x34: {  	[smem:$0x3FB4] =	sst s10  }
0x35: {  	s10 =	sld [smem:$0x3FB3];
	_ =	sdelay $0x3  }
0x36: {  	p1 =	seq.s32 s10, $0x1;
	s10 =	sld [smem:$0x3FB4];
	_ =	sdelay $0x3  }
0x37: {  	[smem:$0x3FB4] =	sst s10  }
0x38: {  	s10 =	sld [smem:$0x3FB5]  }
0x39: {  	_ = 	snop;
	(pc) =	sbr.ind lr, $3  }
0x3a: {  	_ = 	snop  }
0x3b: {  	_ = 	snop  }
0x3c: {  	p2 =	seq.s32 s10, $0x1;
	s10 =	sld [smem:$0x3FB4]  }
0x3d: {  	_ =	shalt  }
0x3e: {  	_ =	shalt  }
0x3f: {  	_ =	shalt  }
0x40: {  	_ =	shalt  }
0x41: {  	_ =	shalt  }
0x42: {  	_ =	shalt  }
0x43: {  	_ =	shalt  }
0x44: {  	_ =	shalt  }
0x45: {  	_ =	shalt  }
0x46: {  	_ =	shalt  }
0x47: {  	_ =	shalt  }
0x48: {  	_ =	shalt  }
0x49: {  	_ =	shalt  }
0x4a: {  	_ =	shalt  }
0x4b: {  	_ =	shalt  }
0x4c: {  	_ =	shalt  }
0x4d: {  	_ =	shalt  }
0x4e: {  	_ =	shalt  }
0x4f: {  	_ =	shalt  }
0x50: {  	_ =	shalt  }
0x51: {  	_ =	shalt  }
0x52: {  	_ =	shalt  }
0x53: {  	_ =	shalt  }
0x54: {  	_ =	shalt  }
0x55: {  	_ =	shalt  }
0x56: {  	_ =	shalt  }
0x57: {  	_ =	shalt  }
0x58: {  	_ =	shalt  }
0x59: {  	_ =	shalt  }
0x5a: {  	_ =	shalt  }
0x5b: {  	_ =	shalt  }
0x5c: {  	_ =	shalt  }
0x5d: {  	_ =	shalt  }
0x5e: {  	_ =	shalt  }
0x5f: {  	_ =	shalt  }
0x60: {  	_ =	shalt  }
0x61: {  	_ =	shalt  }
0x62: {  	_ =	shalt  }
0x63: {  	_ =	shalt  }
0x64: {  	_ =	shalt  }
0x65: {  	_ =	shalt  }
0x66: {  	_ =	shalt  }
0x67: {  	_ =	shalt  }
0x68: {  	_ =	shalt  }
0x69: {  	_ =	shalt  }
0x6a: {  	_ =	shalt  }
0x6b: {  	_ =	shalt  }
0x6c: {  	_ =	shalt  }
0x6d: {  	_ =	shalt  }
0x6e: {  	_ =	shalt  }
0x6f: {  	_ =	shalt  }
0x70: {  	_ =	shalt  }
0x71: {  	_ =	shalt  }
0x72: {  	_ =	shalt  }
0x73: {  	_ =	shalt  }
0x74: {  	_ =	shalt  }
0x75: {  	_ =	shalt  }
0x76: {  	_ =	shalt  }
0x77: {  	_ =	shalt  }
0x78: {  	_ =	shalt  }
0x79: {  	_ =	shalt  }
0x7a: {  	_ =	shalt  }
0x7b: {  	_ =	shalt  }
0x7c: {  	_ =	shalt  }
0x7d: {  	_ =	shalt  }
0x7e: {  	_ =	shalt  }
0x7f: {  	_ =	shalt  }
0x80: {  	_ =	shalt  }
0x81: {  	_ =	shalt  }
0x82: {  	_ =	shalt  }
0x83: {  	_ =	shalt  }
0x84: {  	_ =	shalt  }
0x85: {  	_ =	shalt  }
0x86: {  	_ =	shalt  }
0x87: {  	_ =	shalt  }
.Lfunc_end0:
.L_simem_size_0:
called_computation.2_lowered:
.L_overlay_start_0:
0x88: {  	s2 =	sld [smem:$0x3FD9]  }
0x89: {  	s3 =	sld [smem:$0x3FFE];
	_ =	sdelay $0x1  }
0x8a: {  	s1 =	srdreg.scid  }
0x8b: {  	s0 =	sand.u32 $0x1, s1  }
0x8c: {  	s14 =	sshll.u32 s0, $0xA;
	s2 =	sadd.s32 s3, s2  }
0x8d: {  	s2 =	sadd.s32 s2, s14  }
0x8e: {  	[smem:$0x3FC0] =	sst s2  }
0x8f: {  	_ = 	snop  }
0x90: {  	s2 =	sld [smem:$0x3FD0];
	_ =	sdelay $0x2  }
0x91: {  	s15 =	simm.s32 $0xA;
	s4 =	simm.s32 $0x10  }
0x92: {  	[smem:s4], [sflag:s15] =	dma.local [hbm:s2], $0x1  }
0x93: {  	_ =	swait.eq [sflag:s15], $0x1  }
0x94: {  	[sflag:s15] =	ssyncset.done $0x0  }
0x95: {  	[sflag:s15] =	ssyncadd.s32 $0xFFFFFFFF  }
0x96: {  	s16 =	sld [smem:$0x11];
	(tm) =	ssettm $0x1  }
0x97: {  	s17 =	sld [smem:$0x3FFB];
	_ =	sdelay $0x3  }
0x98: {  	_ =	strace s17  }
0x99: {  	s3 =	sld [smem:$0x3FFC];
	_ =	sdelay $0x3  }
0x9a: {  	_ =	strace s3  }
0x9b: {  	s3 =	sld [smem:$0x3FFD];
	_ =	sdelay $0x3  }
0x9c: {  	_ =	strace s3  }
0x9d: {  	_ =	strace $0x8FFFFFFF  }
0x9e: {  	s18 =	sld [smem:$0x3FDB];
	_ =	sdelay $0x1  }
0x9f: {  	s19 =	simm.s32 $_scs_section_size  }
0xa0: {  	s5 =	simm.s32 $_size__tile_overlayer_lowered;
	s6 =	simm.s32 $_tile_overlayer_lowered  }
0xa1: {  	s22 =	simm.s32 $0x1BFF;
	s21 =	sshll.u32 s6, $0x1;
	s3 =	sadd.s32 s19, s18  }
0xa2: {  	s7 =	simm.s32 $0x0;
	s20 =	sshll.u32 s5, $0x1;
	s5 =	sadd.s32 s21, s3  }
0xa3: {  	[timem:s7], [sflag:s22] =	dma.local [hbm:s5], s20  }
0xa4: {  	_ =	swait.ge [sflag:s22], s20  }
0xa5: {  	s4 =	ssub.s32 $0x0, s20;
	[sflag:s22] =	ssyncset.done $0x0  }
0xa6: {  	[sflag:s22] =	ssyncadd.s32 s4;
	_ =	sdelay $0x1  }
0xa7: {  	s23 =	simm.s32 $0x1B8B  }
0xa8: {  	_ =	swait.ge [sflag:s23], $0x1  }
0xa9: {  	[sflag:s23] =	ssyncset.done $0x0  }
0xaa: {  	s25 =	simm.s32 $0x1B8E;
	s24 =	sld [smem:$0x3FFE];
	[sflag:s23] =	ssyncadd.s32 $0xFFFFFFFF  }
0xab: {  	s26 =	simm.s32 $execute0_lowered;
	[smem:$0x3FD2] =	sst s25  }
0xac: {  	s5 =	sshll.u32 s26, $0x1;
	_ =	strace $0x8000004C;
	[dreg:$0x1] =	wrdreg $0xFFFFFFFF  }
0xad: {  	s28 =	simm.s32 $_size_execute0_lowered;
	s3 =	sadd.s32 s3, s5;
	[dreg:$0x0] =	wrdreg $0x0  }
0xae: {  	s5 =	sshll.u32 s28, $0x1;
	[dreg:$0x2] =	wrdreg s3  }
0xaf: {  	[dreg:$0x3] =	wrdreg s5  }
0xb0: {  	[dreg:$0x4] =	wrdreg $0xC0  }
0xb1: {  	_ =	task [dreg:s7], $0x5FFFF  }
0xb2: {  	[dreg:$0x1] =	wrdreg $0xFFFFFFFF  }
0xb3: {  	[dreg:$0x0] =	wrdreg $0x60  }
0xb4: {  	[dreg:$0x2] =	wrdreg s24  }
0xb5: {  	[dreg:$0x3] =	wrdreg s16  }
0xb6: {  	[dreg:$0x4] =	wrdreg $0xC0000  }
0xb7: {  	[dreg:$0x5] =	wrdreg $0x9  }
0xb8: {  	_ =	task.clear_ibuf [dreg:s7], $0x6FFFF;
	_ =	strace $0x9000004C  }
0xb9: {  	s29 =	simm.s32 $0x9;
	_ =	strace $0x8000004E  }
0xba: {  	_ =	swait.ge [sflag:s29], $0x1  }
0xbb: {  	[sflag:s29] =	ssyncadd.s32 $0xFFFFFFFF  }
0xbc: {  	_ =	strace $0x9000004E  }
0xbd: {  	_ =	sfence  }
0xbe: {  	s30 =	sld [smem:$0x0];
	_ =	sdelay $0x2  }
0xbf: {  	s31 =	sshll.u32 s1, $0xD;
	s1 =	sshrl.u32 s1, $0x2  }
0xc0: {  	s3 =	sand.u32 $0x4000, s31;
	s1 =	sadd.s32 s1, s30  }
0xc1: {  	s0 =	sor.u32 s3, s0;
	s1 =	sshll.u32 s1, $0x11  }
0xc2: {  	s0 =	sor.u32 s1, s0  }
0xc3: {  	s0 =	sadd.s32 $0x8F2B, s0  }
0xc4: {  	[sflag:s0] =	ssyncadd.remote.s32 $0x1  }
0xc5: {  	_ =	sfence.sel $0xFFFF  }
0xc6: {  	[dreg:$0x0] =	wrdreg $0xFFFFFFFF;
	(pc) =	sbr.abs _section_cstart, $3  }
0xc7: {  	[dreg:$0x1] =	wrdreg $0xFFFFFFFF  }
0xc8: {  	_ =	task.clear_ibuf [dreg:s7], $0x2FFFF;
	_ =	strace $0x9FFFFFFF  }
0xc9: {  	(tm) =	ssettm $0x7FFFFFFF  }
tec
execute0_lowered:
.L_overlay_start_1:
0x0: {  	(tag) =	ssettag $0x1  }
0x1: {  	s0 =	srdreg.scid;
	s8 =	stileid.u32  }
0x2: {  	s0 =	sand.u32 $0x1, s0;
	s1 =	smul.u32 $0xA000, s8  }
0x3: {  	s4 =	smul.u32 $0x5000, s0  }
0x4: {  	s2 =	rddreg [dreg:$0x0]  }
0x5: {  	s3 =	rddreg [dreg:$0x2];
	s1 =	sadd.s32 s4, s1;
	s4 =	simm.s32 $0x0  }
0x6: {  	s24 =	simm.s32 $0x80;
	[smem:$0x7FF] =	sst s4  }
0x7: {  	s25 =	simm.s32 $0x100;
	_ =	strace $0x8000004D;
	[dreg:$0x6] =	wrdreg s24  }
0x8: {  	s26 =	simm.s32 $0x180;
	[dreg:$0x7] =	wrdreg s25  }
0x9: {  	s6 =	simm.s32 $0x200;
	[dreg:$0x8] =	wrdreg s26  }
0xa: {  	s7 =	simm.s32 $0x1100;
	[dreg:$0xa] =	wrdreg s6  }
0xb: {  	s9 =	simm.s32 $0x280;
	[dreg:$0xb] =	wrdreg s7  }
0xc: {  	s10 =	simm.s32 $0x1180;
	[dreg:$0xc] =	wrdreg s9  }
0xd: {  	s11 =	simm.s32 $0x300;
	[dreg:$0xd] =	wrdreg s10  }
0xe: {  	s12 =	simm.s32 $0x1200;
	[dreg:$0xe] =	wrdreg s11  }
0xf: {  	s13 =	simm.s32 $0x380;
	[dreg:$0xf] =	wrdreg s12  }
0x10: {  	s14 =	simm.s32 $0x1280;
	s15 =	simm.s32 $0x400;
	[dreg:$0x10] =	wrdreg s13  }
0x11: {  	s16 =	simm.s32 $0x1300;
	s17 =	simm.s32 $0x480;
	[dreg:$0x11] =	wrdreg s14  }
0x12: {  	s19 =	simm.s32 $0x1380;
	s21 =	simm.s32 $0x500;
	[dreg:$0x12] =	wrdreg s15  }
0x13: {  	s22 =	simm.s32 $0x1400;
	s28 =	simm.s32 $0x1A00;
	[dreg:$0x13] =	wrdreg s16  }
0x14: {  	s29 =	simm.s32 $0xB80;
	s20 =	smul.u32 $0x50000, s8;
	[dreg:$0x14] =	wrdreg s17  }
0x15: {  	s30 =	simm.s32 $0x1A80;
	s31 =	simm.s32 $0xC00;
	[dreg:$0x15] =	wrdreg s19  }
0x16: {  	s23 =	sshrl.u32 s20, $0x2;
	s1 =	sshrl.u32 s1, $0x3;
	[dreg:$0x16] =	wrdreg s21  }
0x17: {  	s20 =	simm.s32 $0x900;
	s1 =	sadd.s32 s1, s2;
	[dreg:$0x17] =	wrdreg s22  }
0x18: {  	s6 =	smul.u32 $0x140000, s0;
	s24 =	simm.s32 $0x580;
	[smem:$0x7F5] =	sst s20  }
0x19: {  	s7 =	smul.u32 $0x14000, s8;
	s25 =	simm.s32 $0x1480;
	[dreg:$0x18] =	wrdreg s24  }
0x1a: {  	s26 =	sshll.u32 s8, $0x6;
	s8 =	simm.s32 $0x600;
	[dreg:$0x19] =	wrdreg s25  }
0x1b: {  	s0 =	ssub.s32 $0x2, s0;
	s9 =	simm.s32 $0x1500;
	[dreg:$0x1a] =	wrdreg s8  }
0x1c: {  	s10 =	simm.s32 $0x680;
	s11 =	simm.s32 $0x1580;
	[dreg:$0x1b] =	wrdreg s9  }
0x1d: {  	s12 =	simm.s32 $0x700;
	s13 =	simm.s32 $0x1600;
	[dreg:$0x1c] =	wrdreg s10  }
0x1e: {  	s14 =	simm.s32 $0x780;
	s15 =	simm.s32 $0x1680;
	[dreg:$0x1d] =	wrdreg s11  }
0x1f: {  	s16 =	simm.s32 $0x800;
	s17 =	simm.s32 $0x1700;
	[dreg:$0x1e] =	wrdreg s12  }
0x20: {  	s19 =	simm.s32 $0x1780;
	s21 =	simm.s32 $0x1800;
	[dreg:$0x1f] =	wrdreg s13  }
0x21: {  	s22 =	simm.s32 $0x980;
	s20 =	simm.s32 $0x3;
	[smem:$0x7EF] =	sst s14  }
0x22: {  	s5 =	sadd.s32 $0x2A400, s1;
	s1 =	sadd.s32 $0x16400, s1;
	[smem:$0x7F0] =	sst s15  }
0x23: {  	s18 =	sshrl.u32 s0, $0x1;
	s10 =	simm.s32 $0x9;
	[smem:$0x7F1] =	sst s16  }
0x24: {  	s11 =	simm.s32 $0x1000;
	s12 =	simm.s32 $0x50;
	[smem:$0x7F2] =	sst s17  }
0x25: {  	s13 =	simm.s32 $0x2000;
	s14 =	simm.s32 $0x4800;
	[smem:$0x7F4] =	sst s19  }
0x26: {  	s15 =	simm.s32 $0x7000;
	s16 =	simm.s32 $0x1;
	[smem:$0x7F6] =	sst s21  }
0x27: {  	s17 =	simm.s32 $0x9800;
	s19 =	simm.s32 $0x5;
	[smem:$0x7F7] =	sst s22  }
0x28: {  	s21 =	simm.s32 $0x6;
	s24 =	simm.s32 $0xA00;
	s22 =	simm.s32 $0x4  }
0x29: {  	s25 =	simm.s32 $0x1900;
	s9 =	simm.s32 $0x0;
	[dreg:$0x4] =	wrdreg s5  }
0x2a: {  	[dreg:$0x5] =	wrdreg s1;
	s5 =	simm.s32 $0x1080;
	s6 =	sadd.s32 s7, s6  }
0x2b: {  	s0 =	ssub.s32 s0, s18;
	s7 =	sor.u32 $0x1C09, s26;
	[smem:$0x7F9] =	sst s24  }
0x2c: {  	s18 =	simm.s32 $0x880;
	[smem:$0x7FA] =	sst s25;
	s26 =	simm.s32 $0xA80  }
0x2d: {  	s24 =	simm.s32 $0x8;
	s25 =	simm.s32 $0x1980;
	[dreg:$0x9] =	wrdreg s5  }
0x2e: {  	s1 =	simm.s32 $0x1B00;
	s5 =	sadd.s32 $0x3E400, s2;
	[smem:$0x7F3] =	sst s18  }
0x2f: {  	s6 =	sshrl.u32 s6, $0x3;
	s0 =	smax.u32 s0, $0x1;
	[smem:$0x7FB] =	sst s26  }
0x30: {  	s18 =	simm.s32 $0x2;
	[smem:$0x7FC] =	sst s7;
	s2 =	sadd.s32 s6, s2  }
0x31: {  	s6 =	sadd.s32 s23, s3;
	[smem:$0x7EE] =	sst s0;
	s23 =	simm.s32 $0x1880  }
0x32: {  	s26 =	simm.s32 $0xB00;
	s2 =	sadd.s32 $0x65600, s2;
	[smem:$0x7F8] =	sst s23  }
0x33: {  	s0 =	simm.s32 $0x1B80;
	s8 =	sshrl.u32 s6, $0x3;
	[smem:$0x7ED] =	sst s2  }
0x34: {  	s23 =	simm.s32 $0x7;
	s2 =	simm.s32 $0x1C00;
	[smem:$0x7FD] =	sst s8  }
.LBB2_1:
0x35: {  	[smem:$0x7EC] =	sst s9  }
0x36: {  	s6 =	rddreg [dreg:$0x1]  }
0x37: {  	[spmem:s8], [sflag:s7] =	dma.local [hbm:s6], $0x2800  }
0x38: {  	_ =	swait.ge [sflag:s10], $0x2800  }
0x39: {  	[sflag:s10] =	ssyncset.done $0x0  }
0x3a: {  	[sflag:s10] =	ssyncadd.s32 $0xFFFFD800  }
0x3b: {  	[bflag:$0x0] =	sbarrier.arrive $0xFFFF  }
0x3c: {  	s7 =	rddreg [dreg:$0x5]  }
0x3d: {  	s6 =	sadd.s32 $0x0, s7  }
0x3e: {  	[tilespmem:s4], [sflag:$0x9] =	stream.linear.gather [hbm4b:s6+s4], $0xC80, $0x38;
	v63 =	vld [tilespmem:$0x0]  }
0x3f: {  	_ =	swait.ge [sflag:s10], $0xC80  }
0x40: {  	s8 =	rddreg [dreg:$0x4];
	[sflag:s10] =	ssyncset.done $0x0  }
0x41: {  	[sflag:s10] =	ssyncadd.s32 $0xFFFFF380;
	s6 =	sadd.s32 $0x0, s8  }
0x42: {  	[tilespmem:s11], [sflag:$0x9] =	stream.linear.gather [hbm4b:s6+s4], $0xC80, $0x38;
	v63 =	vld [tilespmem:$0x0]  }
0x43: {  	_ =	swait.ge [sflag:s10], $0xC80  }
0x44: {  	[sflag:s10] =	ssyncset.done $0x0  }
0x45: {  	[sflag:s10] =	ssyncadd.s32 $0xFFFFF380  }
0x46: {  	[tilespmem:s13], [sflag:$0x1] =	stream.indirect.gather [hbm4b:s5+s12], $0x80, s4, s12, $0xb8;
	v63 =	vld [tilespmem:$0x0]  }
0x47: {  	s9 =	rddreg [dreg:$0x6]  }
0x48: {  	[tilespmem:s14], [sflag:$0x2] =	stream.indirect.gather [hbm4b:s5+s12], $0x80, s9, s12, $0xb8;
	v63 =	vld [tilespmem:$0x0]  }
0x49: {  	s7 =	rddreg [dreg:$0x7]  }
0x4a: {  	[tilespmem:s15], [sflag:$0x3] =	stream.indirect.gather [hbm4b:s5+s12], $0x80, s7, s12, $0xb8;
	v63 =	vld [tilespmem:$0x0]  }
0x4b: {  	_ =	swait.ge [sflag:s16], $0x2800  }
0x4c: {  	[sflag:s16] =	ssyncset.done $0x0  }
0x4d: {  	[sflag:s16] =	ssyncadd.s32 $0xFFFFD800  }
0x4e: {  	[spmem:s3] =	stream.indirect.scatter.add.f32 [tilespmem:s13], [sflag:$0x5], $0x80, s11, s12, $0xb8;
	v63 =	vld [tilespmem:$0x0]  }
0x4f: {  	s9 =	rddreg [dreg:$0x8]  }
0x50: {  	[tilespmem:s17], [sflag:$0x4] =	stream.indirect.gather [hbm4b:s5+s12], $0x80, s9, s12, $0xb8;
	v63 =	vld [tilespmem:$0x0]  }
0x51: {  	_ =	swait.ge [sflag:s18], $0x2800  }
0x52: {  	[sflag:s18] =	ssyncset.done $0x0  }
0x53: {  	s7 =	rddreg [dreg:$0x9];
	[sflag:s18] =	ssyncadd.s32 $0xFFFFD800  }
0x54: {  	[spmem:s3] =	stream.indirect.scatter.add.f32 [tilespmem:s14], [sflag:$0x6], $0x80, s7, s12, $0xb8;
	v63 =	vld [tilespmem:$0x0]  }
0x55: {  	_ =	swait.ge [sflag:s19], $0x2800  }
0x56: {  	[sflag:s19] =	ssyncset.done $0x0  }
0x57: {  	s8 =	rddreg [dreg:$0xa];
	[sflag:s19] =	ssyncadd.s32 $0xFFFFD800  }
0x58: {  	[tilespmem:s13], [sflag:$0x1] =	stream.indirect.gather [hbm4b:s5+s12], $0x80, s8, s12, $0xb8;
	v63 =	vld [tilespmem:$0x0]  }
0x59: {  	_ =	swait.ge [sflag:s20], $0x2800  }
0x5a: {  	[sflag:s20] =	ssyncset.done $0x0  }
0x5b: {  	s9 =	rddreg [dreg:$0xb];
	[sflag:s20] =	ssyncadd.s32 $0xFFFFD800  }
0x5c: {  	[spmem:s3] =	stream.indirect.scatter.add.f32 [tilespmem:s15], [sflag:$0x7], $0x80, s9, s12, $0xb8;
	v63 =	vld [tilespmem:$0x0]  }
0x5d: {  	_ =	swait.ge [sflag:s21], $0x2800  }
0x5e: {  	[sflag:s21] =	ssyncset.done $0x0  }
0x5f: {  	s7 =	rddreg [dreg:$0xc];
	[sflag:s21] =	ssyncadd.s32 $0xFFFFD800  }
0x60: {  	[tilespmem:s14], [sflag:$0x2] =	stream.indirect.gather [hbm4b:s5+s12], $0x80, s7, s12, $0xb8;
	v63 =	vld [tilespmem:$0x0]  }
0x61: {  	_ =	swait.ge [sflag:s22], $0x2800  }
0x62: {  	[sflag:s22] =	ssyncset.done $0x0  }
0x63: {  	s8 =	rddreg [dreg:$0xd];
	[sflag:s22] =	ssyncadd.s32 $0xFFFFD800  }
0x64: {  	[spmem:s3] =	stream.indirect.scatter.add.f32 [tilespmem:s17], [sflag:$0x8], $0x80, s8, s12, $0xb8;
	v63 =	vld [tilespmem:$0x0]  }
0x65: {  	_ =	swait.ge [sflag:s23], $0x2800  }
0x66: {  	[sflag:s23] =	ssyncset.done $0x0  }
0x67: {  	s9 =	rddreg [dreg:$0xe];
	[sflag:s23] =	ssyncadd.s32 $0xFFFFD800  }
0x68: {  	[tilespmem:s15], [sflag:$0x3] =	stream.indirect.gather [hbm4b:s5+s12], $0x80, s9, s12, $0xb8;
	v63 =	vld [tilespmem:$0x0]  }
0x69: {  	_ =	swait.ge [sflag:s16], $0x2800  }
0x6a: {  	[sflag:s16] =	ssyncset.done $0x0  }
0x6b: {  	s7 =	rddreg [dreg:$0xf];
	[sflag:s16] =	ssyncadd.s32 $0xFFFFD800  }
0x6c: {  	[spmem:s3] =	stream.indirect.scatter.add.f32 [tilespmem:s13], [sflag:$0x5], $0x80, s7, s12, $0xb8;
	v63 =	vld [tilespmem:$0x0]  }
0x6d: {  	_ =	swait.ge [sflag:s24], $0x2800  }
0x6e: {  	[sflag:s24] =	ssyncset.done $0x0  }
0x6f: {  	s8 =	rddreg [dreg:$0x10];
	[sflag:s24] =	ssyncadd.s32 $0xFFFFD800  }
0x70: {  	[tilespmem:s17], [sflag:$0x4] =	stream.indirect.gather [hbm4b:s5+s12], $0x80, s8, s12, $0xb8;
	v63 =	vld [tilespmem:$0x0]  }
0x71: {  	_ =	swait.ge [sflag:s18], $0x2800  }
0x72: {  	[sflag:s18] =	ssyncset.done $0x0  }
0x73: {  	s9 =	rddreg [dreg:$0x11];
	[sflag:s18] =	ssyncadd.s32 $0xFFFFD800  }
0x74: {  	[spmem:s3] =	stream.indirect.scatter.add.f32 [tilespmem:s14], [sflag:$0x6], $0x80, s9, s12, $0xb8;
	v63 =	vld [tilespmem:$0x0]  }
0x75: {  	_ =	swait.ge [sflag:s19], $0x2800  }
0x76: {  	[sflag:s19] =	ssyncset.done $0x0  }
0x77: {  	s7 =	rddreg [dreg:$0x12];
	[sflag:s19] =	ssyncadd.s32 $0xFFFFD800  }
0x78: {  	[tilespmem:s13], [sflag:$0x1] =	stream.indirect.gather [hbm4b:s5+s12], $0x80, s7, s12, $0xb8;
	v63 =	vld [tilespmem:$0x0]  }
0x79: {  	_ =	swait.ge [sflag:s20], $0x2800  }
0x7a: {  	[sflag:s20] =	ssyncset.done $0x0  }
0x7b: {  	s8 =	rddreg [dreg:$0x13];
	[sflag:s20] =	ssyncadd.s32 $0xFFFFD800  }
0x7c: {  	[spmem:s3] =	stream.indirect.scatter.add.f32 [tilespmem:s15], [sflag:$0x7], $0x80, s8, s12, $0xb8;
	v63 =	vld [tilespmem:$0x0]  }
0x7d: {  	_ =	swait.ge [sflag:s21], $0x2800  }
0x7e: {  	[sflag:s21] =	ssyncset.done $0x0  }
0x7f: {  	s9 =	rddreg [dreg:$0x14];
	[sflag:s21] =	ssyncadd.s32 $0xFFFFD800  }
0x80: {  	[tilespmem:s14], [sflag:$0x2] =	stream.indirect.gather [hbm4b:s5+s12], $0x80, s9, s12, $0xb8;
	v63 =	vld [tilespmem:$0x0]  }
0x81: {  	_ =	swait.ge [sflag:s22], $0x2800  }
0x82: {  	[sflag:s22] =	ssyncset.done $0x0  }
0x83: {  	s7 =	rddreg [dreg:$0x15];
	[sflag:s22] =	ssyncadd.s32 $0xFFFFD800  }
0x84: {  	[spmem:s3] =	stream.indirect.scatter.add.f32 [tilespmem:s17], [sflag:$0x8], $0x80, s7, s12, $0xb8;
	v63 =	vld [tilespmem:$0x0]  }
0x85: {  	_ =	swait.ge [sflag:s23], $0x2800  }
0x86: {  	[sflag:s23] =	ssyncset.done $0x0  }
0x87: {  	s8 =	rddreg [dreg:$0x16];
	[sflag:s23] =	ssyncadd.s32 $0xFFFFD800  }
0x88: {  	[tilespmem:s15], [sflag:$0x3] =	stream.indirect.gather [hbm4b:s5+s12], $0x80, s8, s12, $0xb8;
	v63 =	vld [tilespmem:$0x0]  }
0x89: {  	_ =	swait.ge [sflag:s16], $0x2800  }
0x8a: {  	[sflag:s16] =	ssyncset.done $0x0  }
0x8b: {  	s9 =	rddreg [dreg:$0x17];
	[sflag:s16] =	ssyncadd.s32 $0xFFFFD800  }
0x8c: {  	[spmem:s3] =	stream.indirect.scatter.add.f32 [tilespmem:s13], [sflag:$0x5], $0x80, s9, s12, $0xb8;
	v63 =	vld [tilespmem:$0x0]  }
0x8d: {  	_ =	swait.ge [sflag:s24], $0x2800  }
0x8e: {  	[sflag:s24] =	ssyncset.done $0x0  }
0x8f: {  	s7 =	rddreg [dreg:$0x18];
	[sflag:s24] =	ssyncadd.s32 $0xFFFFD800  }
0x90: {  	[tilespmem:s17], [sflag:$0x4] =	stream.indirect.gather [hbm4b:s5+s12], $0x80, s7, s12, $0xb8;
	v63 =	vld [tilespmem:$0x0]  }
0x91: {  	_ =	swait.ge [sflag:s18], $0x2800  }
0x92: {  	[sflag:s18] =	ssyncset.done $0x0  }
0x93: {  	s8 =	rddreg [dreg:$0x19];
	[sflag:s18] =	ssyncadd.s32 $0xFFFFD800  }
0x94: {  	[spmem:s3] =	stream.indirect.scatter.add.f32 [tilespmem:s14], [sflag:$0x6], $0x80, s8, s12, $0xb8;
	v63 =	vld [tilespmem:$0x0]  }
0x95: {  	_ =	swait.ge [sflag:s19], $0x2800  }
0x96: {  	[sflag:s19] =	ssyncset.done $0x0  }
0x97: {  	s9 =	rddreg [dreg:$0x1a];
	[sflag:s19] =	ssyncadd.s32 $0xFFFFD800  }
0x98: {  	[tilespmem:s13], [sflag:$0x1] =	stream.indirect.gather [hbm4b:s5+s12], $0x80, s9, s12, $0xb8;
	v63 =	vld [tilespmem:$0x0]  }
0x99: {  	_ =	swait.ge [sflag:s20], $0x2800  }
0x9a: {  	[sflag:s20] =	ssyncset.done $0x0  }
0x9b: {  	s7 =	rddreg [dreg:$0x1b];
	[sflag:s20] =	ssyncadd.s32 $0xFFFFD800  }
0x9c: {  	[spmem:s3] =	stream.indirect.scatter.add.f32 [tilespmem:s15], [sflag:$0x7], $0x80, s7, s12, $0xb8;
	v63 =	vld [tilespmem:$0x0]  }
0x9d: {  	_ =	swait.ge [sflag:s21], $0x2800  }
0x9e: {  	[sflag:s21] =	ssyncset.done $0x0  }
0x9f: {  	s8 =	rddreg [dreg:$0x1c];
	[sflag:s21] =	ssyncadd.s32 $0xFFFFD800  }
0xa0: {  	[tilespmem:s14], [sflag:$0x2] =	stream.indirect.gather [hbm4b:s5+s12], $0x80, s8, s12, $0xb8;
	v63 =	vld [tilespmem:$0x0]  }
0xa1: {  	_ =	swait.ge [sflag:s22], $0x2800  }
0xa2: {  	[sflag:s22] =	ssyncset.done $0x0  }
0xa3: {  	s9 =	rddreg [dreg:$0x1d];
	[sflag:s22] =	ssyncadd.s32 $0xFFFFD800  }
0xa4: {  	[spmem:s3] =	stream.indirect.scatter.add.f32 [tilespmem:s17], [sflag:$0x8], $0x80, s9, s12, $0xb8;
	v63 =	vld [tilespmem:$0x0]  }
0xa5: {  	_ =	swait.ge [sflag:s23], $0x2800  }
0xa6: {  	[sflag:s23] =	ssyncset.done $0x0  }
0xa7: {  	s7 =	rddreg [dreg:$0x1e];
	[sflag:s23] =	ssyncadd.s32 $0xFFFFD800  }
0xa8: {  	[tilespmem:s15], [sflag:$0x3] =	stream.indirect.gather [hbm4b:s5+s12], $0x80, s7, s12, $0xb8;
	v63 =	vld [tilespmem:$0x0]  }
0xa9: {  	_ =	swait.ge [sflag:s16], $0x2800  }
0xaa: {  	[sflag:s16] =	ssyncset.done $0x0  }
0xab: {  	s8 =	rddreg [dreg:$0x1f];
	[sflag:s16] =	ssyncadd.s32 $0xFFFFD800  }
0xac: {  	[spmem:s3] =	stream.indirect.scatter.add.f32 [tilespmem:s13], [sflag:$0x5], $0x80, s8, s12, $0xb8;
	v63 =	vld [tilespmem:$0x0]  }
0xad: {  	_ =	swait.ge [sflag:s24], $0x2800  }
0xae: {  	s9 =	sld [smem:$0x7EF]  }
0xaf: {  	[sflag:s24] =	ssyncset.done $0x0  }
0xb0: {  	[sflag:s24] =	ssyncadd.s32 $0xFFFFD800  }
0xb1: {  	[tilespmem:s17], [sflag:$0x4] =	stream.indirect.gather [hbm4b:s5+s12], $0x80, s9, s12, $0xb8;
	v63 =	vld [tilespmem:$0x0]  }
0xb2: {  	_ =	swait.ge [sflag:s18], $0x2800  }
0xb3: {  	s7 =	sld [smem:$0x7F0]  }
0xb4: {  	[sflag:s18] =	ssyncset.done $0x0  }
0xb5: {  	[sflag:s18] =	ssyncadd.s32 $0xFFFFD800  }
0xb6: {  	[spmem:s3] =	stream.indirect.scatter.add.f32 [tilespmem:s14], [sflag:$0x6], $0x80, s7, s12, $0xb8;
	v63 =	vld [tilespmem:$0x0]  }
0xb7: {  	_ =	swait.ge [sflag:s19], $0x2800  }
0xb8: {  	s8 =	sld [smem:$0x7F1]  }
0xb9: {  	[sflag:s19] =	ssyncset.done $0x0  }
0xba: {  	[sflag:s19] =	ssyncadd.s32 $0xFFFFD800  }
0xbb: {  	[tilespmem:s13], [sflag:$0x1] =	stream.indirect.gather [hbm4b:s5+s12], $0x80, s8, s12, $0xb8;
	v63 =	vld [tilespmem:$0x0]  }
0xbc: {  	_ =	swait.ge [sflag:s20], $0x2800  }
0xbd: {  	s9 =	sld [smem:$0x7F2]  }
0xbe: {  	[sflag:s20] =	ssyncset.done $0x0  }
0xbf: {  	[sflag:s20] =	ssyncadd.s32 $0xFFFFD800  }
0xc0: {  	[spmem:s3] =	stream.indirect.scatter.add.f32 [tilespmem:s15], [sflag:$0x7], $0x80, s9, s12, $0xb8;
	v63 =	vld [tilespmem:$0x0]  }
0xc1: {  	_ =	swait.ge [sflag:s21], $0x2800  }
0xc2: {  	s7 =	sld [smem:$0x7F3]  }
0xc3: {  	[sflag:s21] =	ssyncset.done $0x0  }
0xc4: {  	[sflag:s21] =	ssyncadd.s32 $0xFFFFD800  }
0xc5: {  	[tilespmem:s14], [sflag:$0x2] =	stream.indirect.gather [hbm4b:s5+s12], $0x80, s7, s12, $0xb8;
	v63 =	vld [tilespmem:$0x0]  }
0xc6: {  	_ =	swait.ge [sflag:s22], $0x2800  }
0xc7: {  	s8 =	sld [smem:$0x7F4]  }
0xc8: {  	[sflag:s22] =	ssyncset.done $0x0  }
0xc9: {  	[sflag:s22] =	ssyncadd.s32 $0xFFFFD800  }
0xca: {  	[spmem:s3] =	stream.indirect.scatter.add.f32 [tilespmem:s17], [sflag:$0x8], $0x80, s8, s12, $0xb8;
	v63 =	vld [tilespmem:$0x0]  }
0xcb: {  	_ =	swait.ge [sflag:s23], $0x2800  }
0xcc: {  	s9 =	sld [smem:$0x7F5]  }
0xcd: {  	[sflag:s23] =	ssyncset.done $0x0  }
0xce: {  	[sflag:s23] =	ssyncadd.s32 $0xFFFFD800  }
0xcf: {  	[tilespmem:s15], [sflag:$0x3] =	stream.indirect.gather [hbm4b:s5+s12], $0x80, s9, s12, $0xb8;
	v63 =	vld [tilespmem:$0x0]  }
0xd0: {  	_ =	swait.ge [sflag:s16], $0x2800  }
0xd1: {  	s7 =	sld [smem:$0x7F6]  }
0xd2: {  	[sflag:s16] =	ssyncset.done $0x0  }
0xd3: {  	[sflag:s16] =	ssyncadd.s32 $0xFFFFD800  }
0xd4: {  	[spmem:s3] =	stream.indirect.scatter.add.f32 [tilespmem:s13], [sflag:$0x5], $0x80, s7, s12, $0xb8;
	v63 =	vld [tilespmem:$0x0]  }
0xd5: {  	_ =	swait.ge [sflag:s24], $0x2800  }
0xd6: {  	s8 =	sld [smem:$0x7F7]  }
0xd7: {  	[sflag:s24] =	ssyncset.done $0x0  }
0xd8: {  	[sflag:s24] =	ssyncadd.s32 $0xFFFFD800  }
0xd9: {  	[tilespmem:s17], [sflag:$0x4] =	stream.indirect.gather [hbm4b:s5+s12], $0x80, s8, s12, $0xb8;
	v63 =	vld [tilespmem:$0x0]  }
0xda: {  	_ =	swait.ge [sflag:s18], $0x2800  }
0xdb: {  	s9 =	sld [smem:$0x7F8]  }
0xdc: {  	[sflag:s18] =	ssyncset.done $0x0  }
0xdd: {  	[sflag:s18] =	ssyncadd.s32 $0xFFFFD800  }
0xde: {  	[spmem:s3] =	stream.indirect.scatter.add.f32 [tilespmem:s14], [sflag:$0x6], $0x80, s9, s12, $0xb8;
	v63 =	vld [tilespmem:$0x0]  }
0xdf: {  	_ =	swait.ge [sflag:s19], $0x2800  }
0xe0: {  	s7 =	sld [smem:$0x7F9]  }
0xe1: {  	[sflag:s19] =	ssyncset.done $0x0  }
0xe2: {  	[sflag:s19] =	ssyncadd.s32 $0xFFFFD800  }
0xe3: {  	[tilespmem:s13], [sflag:$0x1] =	stream.indirect.gather [hbm4b:s5+s12], $0x80, s7, s12, $0xb8;
	v63 =	vld [tilespmem:$0x0]  }
0xe4: {  	_ =	swait.ge [sflag:s20], $0x2800  }
0xe5: {  	s8 =	sld [smem:$0x7FA]  }
0xe6: {  	[sflag:s20] =	ssyncset.done $0x0  }
0xe7: {  	[sflag:s20] =	ssyncadd.s32 $0xFFFFD800  }
0xe8: {  	[spmem:s3] =	stream.indirect.scatter.add.f32 [tilespmem:s15], [sflag:$0x7], $0x80, s8, s12, $0xb8;
	v63 =	vld [tilespmem:$0x0]  }
0xe9: {  	_ =	swait.ge [sflag:s21], $0x2800  }
0xea: {  	s9 =	sld [smem:$0x7FB]  }
0xeb: {  	[sflag:s21] =	ssyncset.done $0x0  }
0xec: {  	[sflag:s21] =	ssyncadd.s32 $0xFFFFD800  }
0xed: {  	[tilespmem:s14], [sflag:$0x2] =	stream.indirect.gather [hbm4b:s5+s12], $0x80, s9, s12, $0xb8;
	v63 =	vld [tilespmem:$0x0]  }
0xee: {  	_ =	swait.ge [sflag:s22], $0x2800  }
0xef: {  	[sflag:s22] =	ssyncset.done $0x0  }
0xf0: {  	[sflag:s22] =	ssyncadd.s32 $0xFFFFD800  }
0xf1: {  	[spmem:s3] =	stream.indirect.scatter.add.f32 [tilespmem:s17], [sflag:$0x8], $0x80, s25, s12, $0xb8;
	v63 =	vld [tilespmem:$0x0]  }
0xf2: {  	_ =	swait.ge [sflag:s23], $0x2800  }
0xf3: {  	[sflag:s23] =	ssyncset.done $0x0  }
0xf4: {  	[sflag:s23] =	ssyncadd.s32 $0xFFFFD800  }
0xf5: {  	[tilespmem:s15], [sflag:$0x3] =	stream.indirect.gather [hbm4b:s5+s12], $0x80, s26, s12, $0xb8;
	v63 =	vld [tilespmem:$0x0]  }
0xf6: {  	_ =	swait.ge [sflag:s16], $0x2800  }
0xf7: {  	[sflag:s16] =	ssyncset.done $0x0  }
0xf8: {  	[sflag:s16] =	ssyncadd.s32 $0xFFFFD800  }
0xf9: {  	[spmem:s3] =	stream.indirect.scatter.add.f32 [tilespmem:s13], [sflag:$0x5], $0x80, s28, s12, $0xb8;
	v63 =	vld [tilespmem:$0x0]  }
0xfa: {  	_ =	swait.ge [sflag:s24], $0x2800  }
0xfb: {  	[sflag:s24] =	ssyncset.done $0x0  }
0xfc: {  	[sflag:s24] =	ssyncadd.s32 $0xFFFFD800  }
0xfd: {  	[tilespmem:s17], [sflag:$0x4] =	stream.indirect.gather [hbm4b:s5+s12], $0x80, s29, s12, $0xb8;
	v63 =	vld [tilespmem:$0x0]  }
0xfe: {  	_ =	swait.ge [sflag:s18], $0x2800  }
0xff: {  	[sflag:s18] =	ssyncset.done $0x0  }
0x100: {  	[sflag:s18] =	ssyncadd.s32 $0xFFFFD800  }
0x101: {  	[spmem:s3] =	stream.indirect.scatter.add.f32 [tilespmem:s14], [sflag:$0x6], $0x80, s30, s12, $0xb8;
	v63 =	vld [tilespmem:$0x0]  }
0x102: {  	_ =	swait.ge [sflag:s19], $0x2800  }
0x103: {  	[sflag:s19] =	ssyncset.done $0x0  }
0x104: {  	[sflag:s19] =	ssyncadd.s32 $0xFFFFD800  }
0x105: {  	[tilespmem:s13], [sflag:$0x1] =	stream.indirect.gather [hbm4b:s5+s12], $0x80, s31, s12, $0xb8;
	v63 =	vld [tilespmem:$0x0]  }
0x106: {  	_ =	swait.ge [sflag:s20], $0x2800  }
0x107: {  	[sflag:s20] =	ssyncset.done $0x0  }
0x108: {  	[sflag:s20] =	ssyncadd.s32 $0xFFFFD800  }
0x109: {  	[spmem:s3] =	stream.indirect.scatter.add.f32 [tilespmem:s15], [sflag:$0x7], $0x80, s1, s12, $0xb8;
	v63 =	vld [tilespmem:$0x0]  }
0x10a: {  	_ =	swait.ge [sflag:s22], $0x2800  }
0x10b: {  	[sflag:s22] =	ssyncset.done $0x0  }
0x10c: {  	[sflag:s22] =	ssyncadd.s32 $0xFFFFD800  }
0x10d: {  	[spmem:s3] =	stream.indirect.scatter.add.f32 [tilespmem:s17], [sflag:$0x8], $0x80, s0, s12, $0xb8;
	v63 =	vld [tilespmem:$0x0]  }
0x10e: {  	_ =	swait.ge [sflag:s16], $0x2800  }
0x10f: {  	[sflag:s16] =	ssyncset.done $0x0  }
0x110: {  	[sflag:s16] =	ssyncadd.s32 $0xFFFFD800  }
0x111: {  	[spmem:s3] =	stream.indirect.scatter.add.f32 [tilespmem:s13], [sflag:$0x5], $0x80, s2, s12, $0xb8;
	v63 =	vld [tilespmem:$0x0]  }
0x112: {  	_ =	swait.ge [sflag:s21], $0x2800  }
0x113: {  	[sflag:s21] =	ssyncset.done $0x0  }
0x114: {  	[sflag:s21] =	ssyncadd.s32 $0xFFFFD800  }
0x115: {  	_ =	swait.ge [sflag:s23], $0x2800  }
0x116: {  	[sflag:s23] =	ssyncset.done $0x0  }
0x117: {  	[sflag:s23] =	ssyncadd.s32 $0xFFFFD800  }
0x118: {  	_ =	swait.ge [sflag:s24], $0x2800  }
0x119: {  	[sflag:s24] =	ssyncset.done $0x0  }
0x11a: {  	[sflag:s24] =	ssyncadd.s32 $0xFFFFD800  }
0x11b: {  	s6 =	simm.s32 $0x400;
	_ =	swait.ge [sflag:s19], $0x2800  }
0x11c: {  	s8 =	simm.s32 $0x200;
	s9 =	rddreg [dreg:$0x5];
	[sflag:s19] =	ssyncset.done $0x0  }
.LBB2_2:
0x11d: {  	[sflag:s19] =	ssyncadd.s32 $0xFFFFD800;
	s9 =	sadd.s32 s8, s9  }
0x11e: {  	[tilespmem:s4], [sflag:$0x9] =	stream.linear.gather [hbm4b:s9+s4], $0xC80, $0x38;
	v63 =	vld [tilespmem:$0x0]  }
0x11f: {  	_ =	swait.ge [sflag:s10], $0xC80  }
0x120: {  	s9 =	rddreg [dreg:$0x4];
	[sflag:s10] =	ssyncset.done $0x0  }
0x121: {  	[sflag:s10] =	ssyncadd.s32 $0xFFFFF380;
	s9 =	sadd.s32 s8, s9  }
0x122: {  	[tilespmem:s11], [sflag:$0x9] =	stream.linear.gather [hbm4b:s9+s4], $0xC80, $0x38;
	v63 =	vld [tilespmem:$0x0]  }
0x123: {  	_ =	swait.ge [sflag:s10], $0xC80  }
0x124: {  	[sflag:s10] =	ssyncset.done $0x0  }
0x125: {  	s7 =	smov.u32 s6;
	[sflag:s10] =	ssyncadd.s32 $0xFFFFF380  }
0x126: {  	[tilespmem:s13], [sflag:$0x1] =	stream.indirect.gather [hbm4b:s5+s12], $0x80, s4, s12, $0xb8;
	v63 =	vld [tilespmem:$0x0]  }
0x127: {  	s8 =	smov.u32 s7;
	s7 =	rddreg [dreg:$0x6]  }
0x128: {  	[tilespmem:s14], [sflag:$0x2] =	stream.indirect.gather [hbm4b:s5+s12], $0x80, s7, s12, $0xb8;
	v63 =	vld [tilespmem:$0x0]  }
0x129: {  	s9 =	rddreg [dreg:$0x7]  }
0x12a: {  	[tilespmem:s15], [sflag:$0x3] =	stream.indirect.gather [hbm4b:s5+s12], $0x80, s9, s12, $0xb8;
	v63 =	vld [tilespmem:$0x0]  }
0x12b: {  	_ =	swait.ge [sflag:s16], $0x2800  }
0x12c: {  	[sflag:s16] =	ssyncset.done $0x0  }
0x12d: {  	[sflag:s16] =	ssyncadd.s32 $0xFFFFD800  }
0x12e: {  	[spmem:s3] =	stream.indirect.scatter.add.f32 [tilespmem:s13], [sflag:$0x5], $0x80, s11, s12, $0xb8;
	v63 =	vld [tilespmem:$0x0]  }
0x12f: {  	s9 =	rddreg [dreg:$0x8]  }
0x130: {  	[tilespmem:s17], [sflag:$0x4] =	stream.indirect.gather [hbm4b:s5+s12], $0x80, s9, s12, $0xb8;
	v63 =	vld [tilespmem:$0x0]  }
0x131: {  	_ =	swait.ge [sflag:s18], $0x2800  }
0x132: {  	[sflag:s18] =	ssyncset.done $0x0  }
0x133: {  	s9 =	rddreg [dreg:$0x9];
	[sflag:s18] =	ssyncadd.s32 $0xFFFFD800  }
0x134: {  	[spmem:s3] =	stream.indirect.scatter.add.f32 [tilespmem:s14], [sflag:$0x6], $0x80, s9, s12, $0xb8;
	v63 =	vld [tilespmem:$0x0]  }
0x135: {  	_ =	swait.ge [sflag:s19], $0x2800  }
0x136: {  	[sflag:s19] =	ssyncset.done $0x0  }
0x137: {  	s9 =	rddreg [dreg:$0xa];
	[sflag:s19] =	ssyncadd.s32 $0xFFFFD800  }
0x138: {  	[tilespmem:s13], [sflag:$0x1] =	stream.indirect.gather [hbm4b:s5+s12], $0x80, s9, s12, $0xb8;
	v63 =	vld [tilespmem:$0x0]  }
0x139: {  	_ =	swait.ge [sflag:s20], $0x2800  }
0x13a: {  	[sflag:s20] =	ssyncset.done $0x0  }
0x13b: {  	s9 =	rddreg [dreg:$0xb];
	[sflag:s20] =	ssyncadd.s32 $0xFFFFD800  }
0x13c: {  	[spmem:s3] =	stream.indirect.scatter.add.f32 [tilespmem:s15], [sflag:$0x7], $0x80, s9, s12, $0xb8;
	v63 =	vld [tilespmem:$0x0]  }
0x13d: {  	_ =	swait.ge [sflag:s21], $0x2800  }
0x13e: {  	[sflag:s21] =	ssyncset.done $0x0  }
0x13f: {  	s9 =	rddreg [dreg:$0xc];
	[sflag:s21] =	ssyncadd.s32 $0xFFFFD800  }
0x140: {  	[tilespmem:s14], [sflag:$0x2] =	stream.indirect.gather [hbm4b:s5+s12], $0x80, s9, s12, $0xb8;
	v63 =	vld [tilespmem:$0x0]  }
0x141: {  	_ =	swait.ge [sflag:s22], $0x2800  }
0x142: {  	[sflag:s22] =	ssyncset.done $0x0  }
0x143: {  	s9 =	rddreg [dreg:$0xd];
	[sflag:s22] =	ssyncadd.s32 $0xFFFFD800  }
0x144: {  	[spmem:s3] =	stream.indirect.scatter.add.f32 [tilespmem:s17], [sflag:$0x8], $0x80, s9, s12, $0xb8;
	v63 =	vld [tilespmem:$0x0]  }
0x145: {  	_ =	swait.ge [sflag:s23], $0x2800  }
0x146: {  	[sflag:s23] =	ssyncset.done $0x0  }
0x147: {  	s9 =	rddreg [dreg:$0xe];
	[sflag:s23] =	ssyncadd.s32 $0xFFFFD800  }
0x148: {  	[tilespmem:s15], [sflag:$0x3] =	stream.indirect.gather [hbm4b:s5+s12], $0x80, s9, s12, $0xb8;
	v63 =	vld [tilespmem:$0x0]  }
0x149: {  	_ =	swait.ge [sflag:s16], $0x2800  }
0x14a: {  	[sflag:s16] =	ssyncset.done $0x0  }
0x14b: {  	s9 =	rddreg [dreg:$0xf];
	[sflag:s16] =	ssyncadd.s32 $0xFFFFD800  }
0x14c: {  	[spmem:s3] =	stream.indirect.scatter.add.f32 [tilespmem:s13], [sflag:$0x5], $0x80, s9, s12, $0xb8;
	v63 =	vld [tilespmem:$0x0]  }
0x14d: {  	_ =	swait.ge [sflag:s24], $0x2800  }
0x14e: {  	[sflag:s24] =	ssyncset.done $0x0  }
0x14f: {  	s9 =	rddreg [dreg:$0x10];
	[sflag:s24] =	ssyncadd.s32 $0xFFFFD800  }
0x150: {  	[tilespmem:s17], [sflag:$0x4] =	stream.indirect.gather [hbm4b:s5+s12], $0x80, s9, s12, $0xb8;
	v63 =	vld [tilespmem:$0x0]  }
0x151: {  	_ =	swait.ge [sflag:s18], $0x2800  }
0x152: {  	[sflag:s18] =	ssyncset.done $0x0  }
0x153: {  	s9 =	rddreg [dreg:$0x11];
	[sflag:s18] =	ssyncadd.s32 $0xFFFFD800  }
0x154: {  	[spmem:s3] =	stream.indirect.scatter.add.f32 [tilespmem:s14], [sflag:$0x6], $0x80, s9, s12, $0xb8;
	v63 =	vld [tilespmem:$0x0]  }
0x155: {  	_ =	swait.ge [sflag:s19], $0x2800  }
0x156: {  	[sflag:s19] =	ssyncset.done $0x0  }
0x157: {  	s9 =	rddreg [dreg:$0x12];
	[sflag:s19] =	ssyncadd.s32 $0xFFFFD800  }
0x158: {  	[tilespmem:s13], [sflag:$0x1] =	stream.indirect.gather [hbm4b:s5+s12], $0x80, s9, s12, $0xb8;
	v63 =	vld [tilespmem:$0x0]  }
0x159: {  	_ =	swait.ge [sflag:s20], $0x2800  }
0x15a: {  	[sflag:s20] =	ssyncset.done $0x0  }
0x15b: {  	s9 =	rddreg [dreg:$0x13];
	[sflag:s20] =	ssyncadd.s32 $0xFFFFD800  }
0x15c: {  	[spmem:s3] =	stream.indirect.scatter.add.f32 [tilespmem:s15], [sflag:$0x7], $0x80, s9, s12, $0xb8;
	v63 =	vld [tilespmem:$0x0]  }
0x15d: {  	_ =	swait.ge [sflag:s21], $0x2800  }
0x15e: {  	[sflag:s21] =	ssyncset.done $0x0  }
0x15f: {  	s9 =	rddreg [dreg:$0x14];
	[sflag:s21] =	ssyncadd.s32 $0xFFFFD800  }
0x160: {  	[tilespmem:s14], [sflag:$0x2] =	stream.indirect.gather [hbm4b:s5+s12], $0x80, s9, s12, $0xb8;
	v63 =	vld [tilespmem:$0x0]  }
0x161: {  	_ =	swait.ge [sflag:s22], $0x2800  }
0x162: {  	[sflag:s22] =	ssyncset.done $0x0  }
0x163: {  	s9 =	rddreg [dreg:$0x15];
	[sflag:s22] =	ssyncadd.s32 $0xFFFFD800  }
0x164: {  	[spmem:s3] =	stream.indirect.scatter.add.f32 [tilespmem:s17], [sflag:$0x8], $0x80, s9, s12, $0xb8;
	v63 =	vld [tilespmem:$0x0]  }
0x165: {  	_ =	swait.ge [sflag:s23], $0x2800  }
0x166: {  	[sflag:s23] =	ssyncset.done $0x0  }
0x167: {  	s9 =	rddreg [dreg:$0x16];
	[sflag:s23] =	ssyncadd.s32 $0xFFFFD800  }
0x168: {  	[tilespmem:s15], [sflag:$0x3] =	stream.indirect.gather [hbm4b:s5+s12], $0x80, s9, s12, $0xb8;
	v63 =	vld [tilespmem:$0x0]  }
0x169: {  	_ =	swait.ge [sflag:s16], $0x2800  }
0x16a: {  	[sflag:s16] =	ssyncset.done $0x0  }
0x16b: {  	s9 =	rddreg [dreg:$0x17];
	[sflag:s16] =	ssyncadd.s32 $0xFFFFD800  }
0x16c: {  	[spmem:s3] =	stream.indirect.scatter.add.f32 [tilespmem:s13], [sflag:$0x5], $0x80, s9, s12, $0xb8;
	v63 =	vld [tilespmem:$0x0]  }
0x16d: {  	_ =	swait.ge [sflag:s24], $0x2800  }
0x16e: {  	[sflag:s24] =	ssyncset.done $0x0  }
0x16f: {  	s9 =	rddreg [dreg:$0x18];
	[sflag:s24] =	ssyncadd.s32 $0xFFFFD800  }
0x170: {  	[tilespmem:s17], [sflag:$0x4] =	stream.indirect.gather [hbm4b:s5+s12], $0x80, s9, s12, $0xb8;
	v63 =	vld [tilespmem:$0x0]  }
0x171: {  	_ =	swait.ge [sflag:s18], $0x2800  }
0x172: {  	[sflag:s18] =	ssyncset.done $0x0  }
0x173: {  	s9 =	rddreg [dreg:$0x19];
	[sflag:s18] =	ssyncadd.s32 $0xFFFFD800  }
0x174: {  	[spmem:s3] =	stream.indirect.scatter.add.f32 [tilespmem:s14], [sflag:$0x6], $0x80, s9, s12, $0xb8;
	v63 =	vld [tilespmem:$0x0]  }
0x175: {  	_ =	swait.ge [sflag:s19], $0x2800  }
0x176: {  	[sflag:s19] =	ssyncset.done $0x0  }
0x177: {  	s9 =	rddreg [dreg:$0x1a];
	[sflag:s19] =	ssyncadd.s32 $0xFFFFD800  }
0x178: {  	[tilespmem:s13], [sflag:$0x1] =	stream.indirect.gather [hbm4b:s5+s12], $0x80, s9, s12, $0xb8;
	v63 =	vld [tilespmem:$0x0]  }
0x179: {  	_ =	swait.ge [sflag:s20], $0x2800  }
0x17a: {  	[sflag:s20] =	ssyncset.done $0x0  }
0x17b: {  	s9 =	rddreg [dreg:$0x1b];
	[sflag:s20] =	ssyncadd.s32 $0xFFFFD800  }
0x17c: {  	[spmem:s3] =	stream.indirect.scatter.add.f32 [tilespmem:s15], [sflag:$0x7], $0x80, s9, s12, $0xb8;
	v63 =	vld [tilespmem:$0x0]  }
0x17d: {  	_ =	swait.ge [sflag:s21], $0x2800  }
0x17e: {  	[sflag:s21] =	ssyncset.done $0x0  }
0x17f: {  	s9 =	rddreg [dreg:$0x1c];
	[sflag:s21] =	ssyncadd.s32 $0xFFFFD800  }
0x180: {  	[tilespmem:s14], [sflag:$0x2] =	stream.indirect.gather [hbm4b:s5+s12], $0x80, s9, s12, $0xb8;
	v63 =	vld [tilespmem:$0x0]  }
0x181: {  	_ =	swait.ge [sflag:s22], $0x2800  }
0x182: {  	[sflag:s22] =	ssyncset.done $0x0  }
0x183: {  	s9 =	rddreg [dreg:$0x1d];
	[sflag:s22] =	ssyncadd.s32 $0xFFFFD800  }
0x184: {  	[spmem:s3] =	stream.indirect.scatter.add.f32 [tilespmem:s17], [sflag:$0x8], $0x80, s9, s12, $0xb8;
	v63 =	vld [tilespmem:$0x0]  }
0x185: {  	_ =	swait.ge [sflag:s23], $0x2800  }
0x186: {  	[sflag:s23] =	ssyncset.done $0x0  }
0x187: {  	s9 =	rddreg [dreg:$0x1e];
	[sflag:s23] =	ssyncadd.s32 $0xFFFFD800  }
0x188: {  	[tilespmem:s15], [sflag:$0x3] =	stream.indirect.gather [hbm4b:s5+s12], $0x80, s9, s12, $0xb8;
	v63 =	vld [tilespmem:$0x0]  }
0x189: {  	_ =	swait.ge [sflag:s16], $0x2800  }
0x18a: {  	[sflag:s16] =	ssyncset.done $0x0  }
0x18b: {  	s9 =	rddreg [dreg:$0x1f];
	[sflag:s16] =	ssyncadd.s32 $0xFFFFD800  }
0x18c: {  	[spmem:s3] =	stream.indirect.scatter.add.f32 [tilespmem:s13], [sflag:$0x5], $0x80, s9, s12, $0xb8;
	v63 =	vld [tilespmem:$0x0]  }
0x18d: {  	_ =	swait.ge [sflag:s24], $0x2800  }
0x18e: {  	s9 =	sld [smem:$0x7EF]  }
0x18f: {  	[sflag:s24] =	ssyncset.done $0x0  }
0x190: {  	[sflag:s24] =	ssyncadd.s32 $0xFFFFD800  }
0x191: {  	[tilespmem:s17], [sflag:$0x4] =	stream.indirect.gather [hbm4b:s5+s12], $0x80, s9, s12, $0xb8;
	v63 =	vld [tilespmem:$0x0]  }
0x192: {  	_ =	swait.ge [sflag:s18], $0x2800  }
0x193: {  	s9 =	sld [smem:$0x7F0]  }
0x194: {  	[sflag:s18] =	ssyncset.done $0x0  }
0x195: {  	[sflag:s18] =	ssyncadd.s32 $0xFFFFD800  }
0x196: {  	[spmem:s3] =	stream.indirect.scatter.add.f32 [tilespmem:s14], [sflag:$0x6], $0x80, s9, s12, $0xb8;
	v63 =	vld [tilespmem:$0x0]  }
0x197: {  	_ =	swait.ge [sflag:s19], $0x2800  }
0x198: {  	s9 =	sld [smem:$0x7F1]  }
0x199: {  	[sflag:s19] =	ssyncset.done $0x0  }
0x19a: {  	[sflag:s19] =	ssyncadd.s32 $0xFFFFD800  }
0x19b: {  	[tilespmem:s13], [sflag:$0x1] =	stream.indirect.gather [hbm4b:s5+s12], $0x80, s9, s12, $0xb8;
	v63 =	vld [tilespmem:$0x0]  }
0x19c: {  	_ =	swait.ge [sflag:s20], $0x2800  }
0x19d: {  	s9 =	sld [smem:$0x7F2]  }
0x19e: {  	[sflag:s20] =	ssyncset.done $0x0  }
0x19f: {  	[sflag:s20] =	ssyncadd.s32 $0xFFFFD800  }
0x1a0: {  	[spmem:s3] =	stream.indirect.scatter.add.f32 [tilespmem:s15], [sflag:$0x7], $0x80, s9, s12, $0xb8;
	v63 =	vld [tilespmem:$0x0]  }
0x1a1: {  	_ =	swait.ge [sflag:s21], $0x2800  }
0x1a2: {  	s9 =	sld [smem:$0x7F3]  }
0x1a3: {  	[sflag:s21] =	ssyncset.done $0x0  }
0x1a4: {  	[sflag:s21] =	ssyncadd.s32 $0xFFFFD800  }
0x1a5: {  	[tilespmem:s14], [sflag:$0x2] =	stream.indirect.gather [hbm4b:s5+s12], $0x80, s9, s12, $0xb8;
	v63 =	vld [tilespmem:$0x0]  }
0x1a6: {  	_ =	swait.ge [sflag:s22], $0x2800  }
0x1a7: {  	s9 =	sld [smem:$0x7F4]  }
0x1a8: {  	[sflag:s22] =	ssyncset.done $0x0  }
0x1a9: {  	[sflag:s22] =	ssyncadd.s32 $0xFFFFD800  }
0x1aa: {  	[spmem:s3] =	stream.indirect.scatter.add.f32 [tilespmem:s17], [sflag:$0x8], $0x80, s9, s12, $0xb8;
	v63 =	vld [tilespmem:$0x0]  }
0x1ab: {  	_ =	swait.ge [sflag:s23], $0x2800  }
0x1ac: {  	s9 =	sld [smem:$0x7F5]  }
0x1ad: {  	[sflag:s23] =	ssyncset.done $0x0  }
0x1ae: {  	[sflag:s23] =	ssyncadd.s32 $0xFFFFD800  }
0x1af: {  	[tilespmem:s15], [sflag:$0x3] =	stream.indirect.gather [hbm4b:s5+s12], $0x80, s9, s12, $0xb8;
	v63 =	vld [tilespmem:$0x0]  }
0x1b0: {  	_ =	swait.ge [sflag:s16], $0x2800  }
0x1b1: {  	s9 =	sld [smem:$0x7F6]  }
0x1b2: {  	[sflag:s16] =	ssyncset.done $0x0  }
0x1b3: {  	[sflag:s16] =	ssyncadd.s32 $0xFFFFD800  }
0x1b4: {  	[spmem:s3] =	stream.indirect.scatter.add.f32 [tilespmem:s13], [sflag:$0x5], $0x80, s9, s12, $0xb8;
	v63 =	vld [tilespmem:$0x0]  }
0x1b5: {  	_ =	swait.ge [sflag:s24], $0x2800  }
0x1b6: {  	s9 =	sld [smem:$0x7F7]  }
0x1b7: {  	[sflag:s24] =	ssyncset.done $0x0  }
0x1b8: {  	[sflag:s24] =	ssyncadd.s32 $0xFFFFD800  }
0x1b9: {  	[tilespmem:s17], [sflag:$0x4] =	stream.indirect.gather [hbm4b:s5+s12], $0x80, s9, s12, $0xb8;
	v63 =	vld [tilespmem:$0x0]  }
0x1ba: {  	_ =	swait.ge [sflag:s18], $0x2800  }
0x1bb: {  	s9 =	sld [smem:$0x7F8]  }
0x1bc: {  	[sflag:s18] =	ssyncset.done $0x0  }
0x1bd: {  	[sflag:s18] =	ssyncadd.s32 $0xFFFFD800  }
0x1be: {  	[spmem:s3] =	stream.indirect.scatter.add.f32 [tilespmem:s14], [sflag:$0x6], $0x80, s9, s12, $0xb8;
	v63 =	vld [tilespmem:$0x0]  }
0x1bf: {  	_ =	swait.ge [sflag:s19], $0x2800  }
0x1c0: {  	s9 =	sld [smem:$0x7F9]  }
0x1c1: {  	[sflag:s19] =	ssyncset.done $0x0  }
0x1c2: {  	[sflag:s19] =	ssyncadd.s32 $0xFFFFD800  }
0x1c3: {  	[tilespmem:s13], [sflag:$0x1] =	stream.indirect.gather [hbm4b:s5+s12], $0x80, s9, s12, $0xb8;
	v63 =	vld [tilespmem:$0x0]  }
0x1c4: {  	_ =	swait.ge [sflag:s20], $0x2800  }
0x1c5: {  	s9 =	sld [smem:$0x7FA]  }
0x1c6: {  	[sflag:s20] =	ssyncset.done $0x0  }
0x1c7: {  	[sflag:s20] =	ssyncadd.s32 $0xFFFFD800  }
0x1c8: {  	[spmem:s3] =	stream.indirect.scatter.add.f32 [tilespmem:s15], [sflag:$0x7], $0x80, s9, s12, $0xb8;
	v63 =	vld [tilespmem:$0x0]  }
0x1c9: {  	_ =	swait.ge [sflag:s21], $0x2800  }
0x1ca: {  	s9 =	sld [smem:$0x7FB]  }
0x1cb: {  	[sflag:s21] =	ssyncset.done $0x0  }
0x1cc: {  	[sflag:s21] =	ssyncadd.s32 $0xFFFFD800  }
0x1cd: {  	[tilespmem:s14], [sflag:$0x2] =	stream.indirect.gather [hbm4b:s5+s12], $0x80, s9, s12, $0xb8;
	v63 =	vld [tilespmem:$0x0]  }
0x1ce: {  	_ =	swait.ge [sflag:s22], $0x2800  }
0x1cf: {  	[sflag:s22] =	ssyncset.done $0x0  }
0x1d0: {  	[sflag:s22] =	ssyncadd.s32 $0xFFFFD800  }
0x1d1: {  	[spmem:s3] =	stream.indirect.scatter.add.f32 [tilespmem:s17], [sflag:$0x8], $0x80, s25, s12, $0xb8;
	v63 =	vld [tilespmem:$0x0]  }
0x1d2: {  	_ =	swait.ge [sflag:s23], $0x2800  }
0x1d3: {  	[sflag:s23] =	ssyncset.done $0x0  }
0x1d4: {  	[sflag:s23] =	ssyncadd.s32 $0xFFFFD800  }
0x1d5: {  	[tilespmem:s15], [sflag:$0x3] =	stream.indirect.gather [hbm4b:s5+s12], $0x80, s26, s12, $0xb8;
	v63 =	vld [tilespmem:$0x0]  }
0x1d6: {  	_ =	swait.ge [sflag:s16], $0x2800  }
0x1d7: {  	[sflag:s16] =	ssyncset.done $0x0  }
0x1d8: {  	[sflag:s16] =	ssyncadd.s32 $0xFFFFD800  }
0x1d9: {  	[spmem:s3] =	stream.indirect.scatter.add.f32 [tilespmem:s13], [sflag:$0x5], $0x80, s28, s12, $0xb8;
	v63 =	vld [tilespmem:$0x0]  }
0x1da: {  	_ =	swait.ge [sflag:s24], $0x2800  }
0x1db: {  	[sflag:s24] =	ssyncset.done $0x0  }
0x1dc: {  	[sflag:s24] =	ssyncadd.s32 $0xFFFFD800  }
0x1dd: {  	[tilespmem:s17], [sflag:$0x4] =	stream.indirect.gather [hbm4b:s5+s12], $0x80, s29, s12, $0xb8;
	v63 =	vld [tilespmem:$0x0]  }
0x1de: {  	_ =	swait.ge [sflag:s18], $0x2800  }
0x1df: {  	[sflag:s18] =	ssyncset.done $0x0  }
0x1e0: {  	[sflag:s18] =	ssyncadd.s32 $0xFFFFD800  }
0x1e1: {  	[spmem:s3] =	stream.indirect.scatter.add.f32 [tilespmem:s14], [sflag:$0x6], $0x80, s30, s12, $0xb8;
	v63 =	vld [tilespmem:$0x0]  }
0x1e2: {  	_ =	swait.ge [sflag:s19], $0x2800  }
0x1e3: {  	[sflag:s19] =	ssyncset.done $0x0  }
0x1e4: {  	[sflag:s19] =	ssyncadd.s32 $0xFFFFD800  }
0x1e5: {  	[tilespmem:s13], [sflag:$0x1] =	stream.indirect.gather [hbm4b:s5+s12], $0x80, s31, s12, $0xb8;
	v63 =	vld [tilespmem:$0x0]  }
0x1e6: {  	_ =	swait.ge [sflag:s20], $0x2800  }
0x1e7: {  	[sflag:s20] =	ssyncset.done $0x0  }
0x1e8: {  	[sflag:s20] =	ssyncadd.s32 $0xFFFFD800  }
0x1e9: {  	[spmem:s3] =	stream.indirect.scatter.add.f32 [tilespmem:s15], [sflag:$0x7], $0x80, s1, s12, $0xb8;
	v63 =	vld [tilespmem:$0x0]  }
0x1ea: {  	_ =	swait.ge [sflag:s22], $0x2800  }
0x1eb: {  	[sflag:s22] =	ssyncset.done $0x0  }
0x1ec: {  	[sflag:s22] =	ssyncadd.s32 $0xFFFFD800  }
0x1ed: {  	[spmem:s3] =	stream.indirect.scatter.add.f32 [tilespmem:s17], [sflag:$0x8], $0x80, s0, s12, $0xb8;
	v63 =	vld [tilespmem:$0x0]  }
0x1ee: {  	_ =	swait.ge [sflag:s16], $0x2800  }
0x1ef: {  	[sflag:s16] =	ssyncset.done $0x0  }
0x1f0: {  	[sflag:s16] =	ssyncadd.s32 $0xFFFFD800  }
0x1f1: {  	[spmem:s3] =	stream.indirect.scatter.add.f32 [tilespmem:s13], [sflag:$0x5], $0x80, s2, s12, $0xb8;
	v63 =	vld [tilespmem:$0x0]  }
0x1f2: {  	_ =	swait.ge [sflag:s21], $0x2800  }
0x1f3: {  	[sflag:s21] =	ssyncset.done $0x0  }
0x1f4: {  	[sflag:s21] =	ssyncadd.s32 $0xFFFFD800  }
0x1f5: {  	_ =	swait.ge [sflag:s23], $0x2800  }
0x1f6: {  	[sflag:s23] =	ssyncset.done $0x0  }
0x1f7: {  	p0 =	sne.s32 s6, $0x800;
	[sflag:s23] =	ssyncadd.s32 $0xFFFFD800  }
.Ltmp0:
0x1f8: {  	_ =	swait.ge [sflag:s24], $0x2800;
	(pc) =	sbr.rel @p0 .LBB2_2-.Ltmp0, $4  }
0x1f9: {  	[sflag:s24] =	ssyncset.done $0x0  }
0x1fa: {  	[sflag:s24] =	ssyncadd.s32 $0xFFFFD800  }
0x1fb: {  	_ =	swait.ge [sflag:s19], $0x2800  }
0x1fc: {  	s6 =	sadd.s32 $0x200, s6;
	s9 =	rddreg [dreg:$0x5];
	[sflag:s19] =	ssyncset.done $0x0  }
0x1fd: {  	[sflag:s19] =	ssyncadd.s32 $0xFFFFD800;
	s6 =	sadd.s32 s8, s9  }
0x1fe: {  	[tilespmem:s4], [sflag:$0x9] =	stream.linear.gather [hbm4b:s6+s4], $0xC80, $0x38;
	v63 =	vld [tilespmem:$0x0]  }
0x1ff: {  	_ =	swait.ge [sflag:s10], $0xC80  }
0x200: {  	s7 =	rddreg [dreg:$0x4];
	[sflag:s10] =	ssyncset.done $0x0  }
0x201: {  	[sflag:s10] =	ssyncadd.s32 $0xFFFFF380;
	s6 =	sadd.s32 s8, s7  }
0x202: {  	[tilespmem:s11], [sflag:$0x9] =	stream.linear.gather [hbm4b:s6+s4], $0xC80, $0x38;
	v63 =	vld [tilespmem:$0x0]  }
0x203: {  	_ =	swait.ge [sflag:s10], $0xC80  }
0x204: {  	[sflag:s10] =	ssyncset.done $0x0  }
0x205: {  	[sflag:s10] =	ssyncadd.s32 $0xFFFFF380  }
0x206: {  	[tilespmem:s13], [sflag:$0x1] =	stream.indirect.gather [hbm4b:s5+s12], $0x80, s4, s12, $0xb8;
	v63 =	vld [tilespmem:$0x0]  }
0x207: {  	s9 =	rddreg [dreg:$0x6]  }
0x208: {  	[tilespmem:s14], [sflag:$0x2] =	stream.indirect.gather [hbm4b:s5+s12], $0x80, s9, s12, $0xb8;
	v63 =	vld [tilespmem:$0x0]  }
0x209: {  	s7 =	rddreg [dreg:$0x7]  }
0x20a: {  	[tilespmem:s15], [sflag:$0x3] =	stream.indirect.gather [hbm4b:s5+s12], $0x80, s7, s12, $0xb8;
	v63 =	vld [tilespmem:$0x0]  }
0x20b: {  	_ =	swait.ge [sflag:s16], $0x2800  }
0x20c: {  	[sflag:s16] =	ssyncset.done $0x0  }
0x20d: {  	[sflag:s16] =	ssyncadd.s32 $0xFFFFD800  }
0x20e: {  	[spmem:s3] =	stream.indirect.scatter.add.f32 [tilespmem:s13], [sflag:$0x5], $0x80, s11, s12, $0xb8;
	v63 =	vld [tilespmem:$0x0]  }
0x20f: {  	s8 =	rddreg [dreg:$0x8]  }
0x210: {  	[tilespmem:s17], [sflag:$0x4] =	stream.indirect.gather [hbm4b:s5+s12], $0x80, s8, s12, $0xb8;
	v63 =	vld [tilespmem:$0x0]  }
0x211: {  	_ =	swait.ge [sflag:s18], $0x2800  }
0x212: {  	[sflag:s18] =	ssyncset.done $0x0  }
0x213: {  	s9 =	rddreg [dreg:$0x9];
	[sflag:s18] =	ssyncadd.s32 $0xFFFFD800  }
0x214: {  	[spmem:s3] =	stream.indirect.scatter.add.f32 [tilespmem:s14], [sflag:$0x6], $0x80, s9, s12, $0xb8;
	v63 =	vld [tilespmem:$0x0]  }
0x215: {  	_ =	swait.ge [sflag:s19], $0x2800  }
0x216: {  	[sflag:s19] =	ssyncset.done $0x0  }
0x217: {  	s7 =	rddreg [dreg:$0xa];
	[sflag:s19] =	ssyncadd.s32 $0xFFFFD800  }
0x218: {  	[tilespmem:s13], [sflag:$0x1] =	stream.indirect.gather [hbm4b:s5+s12], $0x80, s7, s12, $0xb8;
	v63 =	vld [tilespmem:$0x0]  }
0x219: {  	_ =	swait.ge [sflag:s20], $0x2800  }
0x21a: {  	[sflag:s20] =	ssyncset.done $0x0  }
0x21b: {  	s8 =	rddreg [dreg:$0xb];
	[sflag:s20] =	ssyncadd.s32 $0xFFFFD800  }
0x21c: {  	[spmem:s3] =	stream.indirect.scatter.add.f32 [tilespmem:s15], [sflag:$0x7], $0x80, s8, s12, $0xb8;
	v63 =	vld [tilespmem:$0x0]  }
0x21d: {  	_ =	swait.ge [sflag:s21], $0x2800  }
0x21e: {  	[sflag:s21] =	ssyncset.done $0x0  }
0x21f: {  	s9 =	rddreg [dreg:$0xc];
	[sflag:s21] =	ssyncadd.s32 $0xFFFFD800  }
0x220: {  	[tilespmem:s14], [sflag:$0x2] =	stream.indirect.gather [hbm4b:s5+s12], $0x80, s9, s12, $0xb8;
	v63 =	vld [tilespmem:$0x0]  }
0x221: {  	_ =	swait.ge [sflag:s22], $0x2800  }
0x222: {  	[sflag:s22] =	ssyncset.done $0x0  }
0x223: {  	s7 =	rddreg [dreg:$0xd];
	[sflag:s22] =	ssyncadd.s32 $0xFFFFD800  }
0x224: {  	[spmem:s3] =	stream.indirect.scatter.add.f32 [tilespmem:s17], [sflag:$0x8], $0x80, s7, s12, $0xb8;
	v63 =	vld [tilespmem:$0x0]  }
0x225: {  	_ =	swait.ge [sflag:s23], $0x2800  }
0x226: {  	[sflag:s23] =	ssyncset.done $0x0  }
0x227: {  	s8 =	rddreg [dreg:$0xe];
	[sflag:s23] =	ssyncadd.s32 $0xFFFFD800  }
0x228: {  	[tilespmem:s15], [sflag:$0x3] =	stream.indirect.gather [hbm4b:s5+s12], $0x80, s8, s12, $0xb8;
	v63 =	vld [tilespmem:$0x0]  }
0x229: {  	_ =	swait.ge [sflag:s16], $0x2800  }
0x22a: {  	[sflag:s16] =	ssyncset.done $0x0  }
0x22b: {  	s9 =	rddreg [dreg:$0xf];
	[sflag:s16] =	ssyncadd.s32 $0xFFFFD800  }
0x22c: {  	[spmem:s3] =	stream.indirect.scatter.add.f32 [tilespmem:s13], [sflag:$0x5], $0x80, s9, s12, $0xb8;
	v63 =	vld [tilespmem:$0x0]  }
0x22d: {  	_ =	swait.ge [sflag:s24], $0x2800  }
0x22e: {  	[sflag:s24] =	ssyncset.done $0x0  }
0x22f: {  	s7 =	rddreg [dreg:$0x10];
	[sflag:s24] =	ssyncadd.s32 $0xFFFFD800  }
0x230: {  	[tilespmem:s17], [sflag:$0x4] =	stream.indirect.gather [hbm4b:s5+s12], $0x80, s7, s12, $0xb8;
	v63 =	vld [tilespmem:$0x0]  }
0x231: {  	_ =	swait.ge [sflag:s18], $0x2800  }
0x232: {  	[sflag:s18] =	ssyncset.done $0x0  }
0x233: {  	s8 =	rddreg [dreg:$0x11];
	[sflag:s18] =	ssyncadd.s32 $0xFFFFD800  }
0x234: {  	[spmem:s3] =	stream.indirect.scatter.add.f32 [tilespmem:s14], [sflag:$0x6], $0x80, s8, s12, $0xb8;
	v63 =	vld [tilespmem:$0x0]  }
0x235: {  	_ =	swait.ge [sflag:s19], $0x2800  }
0x236: {  	[sflag:s19] =	ssyncset.done $0x0  }
0x237: {  	s9 =	rddreg [dreg:$0x12];
	[sflag:s19] =	ssyncadd.s32 $0xFFFFD800  }
0x238: {  	[tilespmem:s13], [sflag:$0x1] =	stream.indirect.gather [hbm4b:s5+s12], $0x80, s9, s12, $0xb8;
	v63 =	vld [tilespmem:$0x0]  }
0x239: {  	_ =	swait.ge [sflag:s20], $0x2800  }
0x23a: {  	[sflag:s20] =	ssyncset.done $0x0  }
0x23b: {  	s7 =	rddreg [dreg:$0x13];
	[sflag:s20] =	ssyncadd.s32 $0xFFFFD800  }
0x23c: {  	[spmem:s3] =	stream.indirect.scatter.add.f32 [tilespmem:s15], [sflag:$0x7], $0x80, s7, s12, $0xb8;
	v63 =	vld [tilespmem:$0x0]  }
0x23d: {  	_ =	swait.ge [sflag:s21], $0x2800  }
0x23e: {  	[sflag:s21] =	ssyncset.done $0x0  }
0x23f: {  	s8 =	rddreg [dreg:$0x14];
	[sflag:s21] =	ssyncadd.s32 $0xFFFFD800  }
0x240: {  	[tilespmem:s14], [sflag:$0x2] =	stream.indirect.gather [hbm4b:s5+s12], $0x80, s8, s12, $0xb8;
	v63 =	vld [tilespmem:$0x0]  }
0x241: {  	_ =	swait.ge [sflag:s22], $0x2800  }
0x242: {  	[sflag:s22] =	ssyncset.done $0x0  }
0x243: {  	s9 =	rddreg [dreg:$0x15];
	[sflag:s22] =	ssyncadd.s32 $0xFFFFD800  }
0x244: {  	[spmem:s3] =	stream.indirect.scatter.add.f32 [tilespmem:s17], [sflag:$0x8], $0x80, s9, s12, $0xb8;
	v63 =	vld [tilespmem:$0x0]  }
0x245: {  	_ =	swait.ge [sflag:s23], $0x2800  }
0x246: {  	[sflag:s23] =	ssyncset.done $0x0  }
0x247: {  	s7 =	rddreg [dreg:$0x16];
	[sflag:s23] =	ssyncadd.s32 $0xFFFFD800  }
0x248: {  	[tilespmem:s15], [sflag:$0x3] =	stream.indirect.gather [hbm4b:s5+s12], $0x80, s7, s12, $0xb8;
	v63 =	vld [tilespmem:$0x0]  }
0x249: {  	_ =	swait.ge [sflag:s16], $0x2800  }
0x24a: {  	[sflag:s16] =	ssyncset.done $0x0  }
0x24b: {  	s8 =	rddreg [dreg:$0x17];
	[sflag:s16] =	ssyncadd.s32 $0xFFFFD800  }
0x24c: {  	[spmem:s3] =	stream.indirect.scatter.add.f32 [tilespmem:s13], [sflag:$0x5], $0x80, s8, s12, $0xb8;
	v63 =	vld [tilespmem:$0x0]  }
0x24d: {  	_ =	swait.ge [sflag:s24], $0x2800  }
0x24e: {  	[sflag:s24] =	ssyncset.done $0x0  }
0x24f: {  	s9 =	rddreg [dreg:$0x18];
	[sflag:s24] =	ssyncadd.s32 $0xFFFFD800  }
0x250: {  	[tilespmem:s17], [sflag:$0x4] =	stream.indirect.gather [hbm4b:s5+s12], $0x80, s9, s12, $0xb8;
	v63 =	vld [tilespmem:$0x0]  }
0x251: {  	_ =	swait.ge [sflag:s18], $0x2800  }
0x252: {  	[sflag:s18] =	ssyncset.done $0x0  }
0x253: {  	s7 =	rddreg [dreg:$0x19];
	[sflag:s18] =	ssyncadd.s32 $0xFFFFD800  }
0x254: {  	[spmem:s3] =	stream.indirect.scatter.add.f32 [tilespmem:s14], [sflag:$0x6], $0x80, s7, s12, $0xb8;
	v63 =	vld [tilespmem:$0x0]  }
0x255: {  	_ =	swait.ge [sflag:s19], $0x2800  }
0x256: {  	[sflag:s19] =	ssyncset.done $0x0  }
0x257: {  	s8 =	rddreg [dreg:$0x1a];
	[sflag:s19] =	ssyncadd.s32 $0xFFFFD800  }
0x258: {  	[tilespmem:s13], [sflag:$0x1] =	stream.indirect.gather [hbm4b:s5+s12], $0x80, s8, s12, $0xb8;
	v63 =	vld [tilespmem:$0x0]  }
0x259: {  	_ =	swait.ge [sflag:s20], $0x2800  }
0x25a: {  	[sflag:s20] =	ssyncset.done $0x0  }
0x25b: {  	s9 =	rddreg [dreg:$0x1b];
	[sflag:s20] =	ssyncadd.s32 $0xFFFFD800  }
0x25c: {  	[spmem:s3] =	stream.indirect.scatter.add.f32 [tilespmem:s15], [sflag:$0x7], $0x80, s9, s12, $0xb8;
	v63 =	vld [tilespmem:$0x0]  }
0x25d: {  	_ =	swait.ge [sflag:s21], $0x2800  }
0x25e: {  	[sflag:s21] =	ssyncset.done $0x0  }
0x25f: {  	s7 =	rddreg [dreg:$0x1c];
	[sflag:s21] =	ssyncadd.s32 $0xFFFFD800  }
0x260: {  	[tilespmem:s14], [sflag:$0x2] =	stream.indirect.gather [hbm4b:s5+s12], $0x80, s7, s12, $0xb8;
	v63 =	vld [tilespmem:$0x0]  }
0x261: {  	_ =	swait.ge [sflag:s22], $0x2800  }
0x262: {  	[sflag:s22] =	ssyncset.done $0x0  }
0x263: {  	s8 =	rddreg [dreg:$0x1d];
	[sflag:s22] =	ssyncadd.s32 $0xFFFFD800  }
0x264: {  	[spmem:s3] =	stream.indirect.scatter.add.f32 [tilespmem:s17], [sflag:$0x8], $0x80, s8, s12, $0xb8;
	v63 =	vld [tilespmem:$0x0]  }
0x265: {  	_ =	swait.ge [sflag:s23], $0x2800  }
0x266: {  	[sflag:s23] =	ssyncset.done $0x0  }
0x267: {  	s9 =	rddreg [dreg:$0x1e];
	[sflag:s23] =	ssyncadd.s32 $0xFFFFD800  }
0x268: {  	[tilespmem:s15], [sflag:$0x3] =	stream.indirect.gather [hbm4b:s5+s12], $0x80, s9, s12, $0xb8;
	v63 =	vld [tilespmem:$0x0]  }
0x269: {  	_ =	swait.ge [sflag:s16], $0x2800  }
0x26a: {  	[sflag:s16] =	ssyncset.done $0x0  }
0x26b: {  	s7 =	rddreg [dreg:$0x1f];
	[sflag:s16] =	ssyncadd.s32 $0xFFFFD800  }
0x26c: {  	[spmem:s3] =	stream.indirect.scatter.add.f32 [tilespmem:s13], [sflag:$0x5], $0x80, s7, s12, $0xb8;
	v63 =	vld [tilespmem:$0x0]  }
0x26d: {  	_ =	swait.ge [sflag:s24], $0x2800  }
0x26e: {  	s8 =	sld [smem:$0x7EF]  }
0x26f: {  	[sflag:s24] =	ssyncset.done $0x0  }
0x270: {  	[sflag:s24] =	ssyncadd.s32 $0xFFFFD800  }
0x271: {  	[tilespmem:s17], [sflag:$0x4] =	stream.indirect.gather [hbm4b:s5+s12], $0x80, s8, s12, $0xb8;
	v63 =	vld [tilespmem:$0x0]  }
0x272: {  	_ =	swait.ge [sflag:s18], $0x2800  }
0x273: {  	s9 =	sld [smem:$0x7F0]  }
0x274: {  	[sflag:s18] =	ssyncset.done $0x0  }
0x275: {  	[sflag:s18] =	ssyncadd.s32 $0xFFFFD800  }
0x276: {  	[spmem:s3] =	stream.indirect.scatter.add.f32 [tilespmem:s14], [sflag:$0x6], $0x80, s9, s12, $0xb8;
	v63 =	vld [tilespmem:$0x0]  }
0x277: {  	_ =	swait.ge [sflag:s19], $0x2800  }
0x278: {  	s7 =	sld [smem:$0x7F1]  }
0x279: {  	[sflag:s19] =	ssyncset.done $0x0  }
0x27a: {  	[sflag:s19] =	ssyncadd.s32 $0xFFFFD800  }
0x27b: {  	[tilespmem:s13], [sflag:$0x1] =	stream.indirect.gather [hbm4b:s5+s12], $0x80, s7, s12, $0xb8;
	v63 =	vld [tilespmem:$0x0]  }
0x27c: {  	_ =	swait.ge [sflag:s20], $0x2800  }
0x27d: {  	s8 =	sld [smem:$0x7F2]  }
0x27e: {  	[sflag:s20] =	ssyncset.done $0x0  }
0x27f: {  	[sflag:s20] =	ssyncadd.s32 $0xFFFFD800  }
0x280: {  	[spmem:s3] =	stream.indirect.scatter.add.f32 [tilespmem:s15], [sflag:$0x7], $0x80, s8, s12, $0xb8;
	v63 =	vld [tilespmem:$0x0]  }
0x281: {  	_ =	swait.ge [sflag:s21], $0x2800  }
0x282: {  	s9 =	sld [smem:$0x7F3]  }
0x283: {  	[sflag:s21] =	ssyncset.done $0x0  }
0x284: {  	[sflag:s21] =	ssyncadd.s32 $0xFFFFD800  }
0x285: {  	[tilespmem:s14], [sflag:$0x2] =	stream.indirect.gather [hbm4b:s5+s12], $0x80, s9, s12, $0xb8;
	v63 =	vld [tilespmem:$0x0]  }
0x286: {  	_ =	swait.ge [sflag:s22], $0x2800  }
0x287: {  	s7 =	sld [smem:$0x7F4]  }
0x288: {  	[sflag:s22] =	ssyncset.done $0x0  }
0x289: {  	[sflag:s22] =	ssyncadd.s32 $0xFFFFD800  }
0x28a: {  	[spmem:s3] =	stream.indirect.scatter.add.f32 [tilespmem:s17], [sflag:$0x8], $0x80, s7, s12, $0xb8;
	v63 =	vld [tilespmem:$0x0]  }
0x28b: {  	_ =	swait.ge [sflag:s23], $0x2800  }
0x28c: {  	s8 =	sld [smem:$0x7F5]  }
0x28d: {  	[sflag:s23] =	ssyncset.done $0x0  }
0x28e: {  	[sflag:s23] =	ssyncadd.s32 $0xFFFFD800  }
0x28f: {  	[tilespmem:s15], [sflag:$0x3] =	stream.indirect.gather [hbm4b:s5+s12], $0x80, s8, s12, $0xb8;
	v63 =	vld [tilespmem:$0x0]  }
0x290: {  	_ =	swait.ge [sflag:s16], $0x2800  }
0x291: {  	s9 =	sld [smem:$0x7F6]  }
0x292: {  	[sflag:s16] =	ssyncset.done $0x0  }
0x293: {  	[sflag:s16] =	ssyncadd.s32 $0xFFFFD800  }
0x294: {  	[spmem:s3] =	stream.indirect.scatter.add.f32 [tilespmem:s13], [sflag:$0x5], $0x80, s9, s12, $0xb8;
	v63 =	vld [tilespmem:$0x0]  }
0x295: {  	_ =	swait.ge [sflag:s24], $0x2800  }
0x296: {  	s7 =	sld [smem:$0x7F7]  }
0x297: {  	[sflag:s24] =	ssyncset.done $0x0  }
0x298: {  	[sflag:s24] =	ssyncadd.s32 $0xFFFFD800  }
0x299: {  	[tilespmem:s17], [sflag:$0x4] =	stream.indirect.gather [hbm4b:s5+s12], $0x80, s7, s12, $0xb8;
	v63 =	vld [tilespmem:$0x0]  }
0x29a: {  	_ =	swait.ge [sflag:s18], $0x2800  }
0x29b: {  	s8 =	sld [smem:$0x7F8]  }
0x29c: {  	[sflag:s18] =	ssyncset.done $0x0  }
0x29d: {  	[sflag:s18] =	ssyncadd.s32 $0xFFFFD800  }
0x29e: {  	[spmem:s3] =	stream.indirect.scatter.add.f32 [tilespmem:s14], [sflag:$0x6], $0x80, s8, s12, $0xb8;
	v63 =	vld [tilespmem:$0x0]  }
0x29f: {  	_ =	swait.ge [sflag:s19], $0x2800  }
0x2a0: {  	s9 =	sld [smem:$0x7F9]  }
0x2a1: {  	[sflag:s19] =	ssyncset.done $0x0  }
0x2a2: {  	[sflag:s19] =	ssyncadd.s32 $0xFFFFD800  }
0x2a3: {  	[tilespmem:s13], [sflag:$0x1] =	stream.indirect.gather [hbm4b:s5+s12], $0x80, s9, s12, $0xb8;
	v63 =	vld [tilespmem:$0x0]  }
0x2a4: {  	_ =	swait.ge [sflag:s20], $0x2800  }
0x2a5: {  	s7 =	sld [smem:$0x7FA]  }
0x2a6: {  	[sflag:s20] =	ssyncset.done $0x0  }
0x2a7: {  	[sflag:s20] =	ssyncadd.s32 $0xFFFFD800  }
0x2a8: {  	[spmem:s3] =	stream.indirect.scatter.add.f32 [tilespmem:s15], [sflag:$0x7], $0x80, s7, s12, $0xb8;
	v63 =	vld [tilespmem:$0x0]  }
0x2a9: {  	_ =	swait.ge [sflag:s21], $0x2800  }
0x2aa: {  	s8 =	sld [smem:$0x7FB]  }
0x2ab: {  	[sflag:s21] =	ssyncset.done $0x0  }
0x2ac: {  	[sflag:s21] =	ssyncadd.s32 $0xFFFFD800  }
0x2ad: {  	[tilespmem:s14], [sflag:$0x2] =	stream.indirect.gather [hbm4b:s5+s12], $0x80, s8, s12, $0xb8;
	v63 =	vld [tilespmem:$0x0]  }
0x2ae: {  	_ =	swait.ge [sflag:s22], $0x2800  }
0x2af: {  	[sflag:s22] =	ssyncset.done $0x0  }
0x2b0: {  	[sflag:s22] =	ssyncadd.s32 $0xFFFFD800  }
0x2b1: {  	[spmem:s3] =	stream.indirect.scatter.add.f32 [tilespmem:s17], [sflag:$0x8], $0x80, s25, s12, $0xb8;
	v63 =	vld [tilespmem:$0x0]  }
0x2b2: {  	_ =	swait.ge [sflag:s23], $0x2800  }
0x2b3: {  	[sflag:s23] =	ssyncset.done $0x0  }
0x2b4: {  	[sflag:s23] =	ssyncadd.s32 $0xFFFFD800  }
0x2b5: {  	[tilespmem:s15], [sflag:$0x3] =	stream.indirect.gather [hbm4b:s5+s12], $0x80, s26, s12, $0xb8;
	v63 =	vld [tilespmem:$0x0]  }
0x2b6: {  	_ =	swait.ge [sflag:s16], $0x2800  }
0x2b7: {  	[sflag:s16] =	ssyncset.done $0x0  }
0x2b8: {  	[sflag:s16] =	ssyncadd.s32 $0xFFFFD800  }
0x2b9: {  	[spmem:s3] =	stream.indirect.scatter.add.f32 [tilespmem:s13], [sflag:$0x5], $0x80, s28, s12, $0xb8;
	v63 =	vld [tilespmem:$0x0]  }
0x2ba: {  	_ =	swait.ge [sflag:s24], $0x2800  }
0x2bb: {  	[sflag:s24] =	ssyncset.done $0x0  }
0x2bc: {  	[sflag:s24] =	ssyncadd.s32 $0xFFFFD800  }
0x2bd: {  	[tilespmem:s17], [sflag:$0x4] =	stream.indirect.gather [hbm4b:s5+s12], $0x80, s29, s12, $0xb8;
	v63 =	vld [tilespmem:$0x0]  }
0x2be: {  	_ =	swait.ge [sflag:s18], $0x2800  }
0x2bf: {  	[sflag:s18] =	ssyncset.done $0x0  }
0x2c0: {  	[sflag:s18] =	ssyncadd.s32 $0xFFFFD800  }
0x2c1: {  	[spmem:s3] =	stream.indirect.scatter.add.f32 [tilespmem:s14], [sflag:$0x6], $0x80, s30, s12, $0xb8;
	v63 =	vld [tilespmem:$0x0]  }
0x2c2: {  	_ =	swait.ge [sflag:s19], $0x2800  }
0x2c3: {  	[sflag:s19] =	ssyncset.done $0x0  }
0x2c4: {  	[sflag:s19] =	ssyncadd.s32 $0xFFFFD800  }
0x2c5: {  	[tilespmem:s13], [sflag:$0x1] =	stream.indirect.gather [hbm4b:s5+s12], $0x80, s31, s12, $0xb8;
	v63 =	vld [tilespmem:$0x0]  }
0x2c6: {  	_ =	swait.ge [sflag:s20], $0x2800  }
0x2c7: {  	[sflag:s20] =	ssyncset.done $0x0  }
0x2c8: {  	[sflag:s20] =	ssyncadd.s32 $0xFFFFD800  }
0x2c9: {  	[spmem:s3] =	stream.indirect.scatter.add.f32 [tilespmem:s15], [sflag:$0x7], $0x80, s1, s12, $0xb8;
	v63 =	vld [tilespmem:$0x0]  }
0x2ca: {  	_ =	swait.ge [sflag:s22], $0x2800  }
0x2cb: {  	[sflag:s22] =	ssyncset.done $0x0  }
0x2cc: {  	[sflag:s22] =	ssyncadd.s32 $0xFFFFD800  }
0x2cd: {  	[spmem:s3] =	stream.indirect.scatter.add.f32 [tilespmem:s17], [sflag:$0x8], $0x80, s0, s12, $0xb8;
	v63 =	vld [tilespmem:$0x0]  }
0x2ce: {  	_ =	swait.ge [sflag:s16], $0x2800  }
0x2cf: {  	[sflag:s16] =	ssyncset.done $0x0  }
0x2d0: {  	[sflag:s16] =	ssyncadd.s32 $0xFFFFD800  }
0x2d1: {  	[spmem:s3] =	stream.indirect.scatter.add.f32 [tilespmem:s13], [sflag:$0x5], $0x80, s2, s12, $0xb8;
	v63 =	vld [tilespmem:$0x0]  }
0x2d2: {  	_ =	swait.ge [sflag:s21], $0x2800  }
0x2d3: {  	[sflag:s21] =	ssyncset.done $0x0  }
0x2d4: {  	[sflag:s21] =	ssyncadd.s32 $0xFFFFD800  }
0x2d5: {  	_ =	swait.ge [sflag:s23], $0x2800  }
0x2d6: {  	[sflag:s23] =	ssyncset.done $0x0  }
0x2d7: {  	[sflag:s23] =	ssyncadd.s32 $0xFFFFD800  }
0x2d8: {  	_ =	swait.ge [sflag:s24], $0x2800  }
0x2d9: {  	[sflag:s24] =	ssyncset.done $0x0  }
0x2da: {  	[sflag:s24] =	ssyncadd.s32 $0xFFFFD800  }
0x2db: {  	_ =	swait.ge [sflag:s19], $0x2800  }
0x2dc: {  	[sflag:s19] =	ssyncset.done $0x0  }
0x2dd: {  	[sflag:s19] =	ssyncadd.s32 $0xFFFFD800  }
0x2de: {  	[bflag:$0x0] =	sbarrier.arrive $0xFFFF  }
0x2df: {  	s7 =	sld [smem:$0x7FC]  }
0x2e0: {  	s9 =	sld [smem:$0x7ED]  }
0x2e1: {  	s8 =	sld [smem:$0x7FD];
	_ =	sdelay $0x2  }
0x2e2: {  	[hbm:s9], [sflag:s7] =	dma.local [spmem:s8], $0x2800  }
0x2e3: {  	_ =	swait.ge [sflag:s10], $0x2800  }
0x2e4: {  	s6 =	sld [smem:$0x7EC];
	_ =	sdelay $0x2  }
0x2e5: {  	s9 =	sadd.s32 $0x1, s6;
	s6 =	sld [smem:$0x7EE];
	_ =	sdelay $0x2  }
0x2e6: {  	p0 =	sne.s32 s9, s6  }
.Ltmp1:
0x2e7: {  	_ = 	snop;
	(pc) =	sbr.rel @p0 .LBB2_1-.Ltmp1, $3  }
0x2e8: {  	_ =	sdelay $0x1  }
0x2e9: {  	[sflag:s10] =	ssyncset.done $0x0  }
0x2ea: {  	[sflag:s10] =	ssyncadd.s32 $0xFFFFD800  }
0x2eb: {  	_ =	sfence.sel $0x180000  }
0x2ec: {  	[bflag:$0x0] =	sbarrier.arrive $0xFFFF  }
0x2ed: {  	_ =	strace $0x9000004D  }
0x2ee: {  	s0 =	stileid.u32;
	[bflag:$0x2] =	sbarrier.arrive $0xFFFF  }
0x2ef: {  	p0 =	sne.s32 s0, $0x0;
	s0 =	rddreg [dreg:$0x3]  }
0x2f0: {  	s0 =	sadd.s32 @!p0 $0x100000, s0  }
0x2f1: {  	[sflag:s0] =	ssyncadd.tile.s32 @!p0 $0x1;
	_ =	shalt  }
.Lfunc_end2:
_tile_overlayer_lowered:
.L_overlay_start_2:
0x2f2: {  	(tag) =	ssettag $0x2  }
0x2f3: {  	s0 =	rddreg [dreg:$0x0];
	s2 =	stileid.u32  }
0x2f4: {  	s1 =	rddreg [dreg:$0x1];
	p0 =	sne.s32 s2, $0x0  }
0x2f5: {  	s3 =	rddreg [dreg:$0x2];
	[bflag:$0x3] =	sbarrier.arrive $0xFFFF;
	s2 =	simm.s32 @!p0 $0x1C09  }
0x2f6: {  	[timem:s3], [sflag:s2] =	dma.local @!p0 [hbm:s0], s1  }
0x2f7: {  	s0 =	simm.s32 @!p0 $0x9  }
0x2f8: {  	_ =	swait.ge @!p0 [sflag:s0], s1  }
0x2f9: {  	s1 =	ssub.s32 @!p0 $0x0, s1;
	[sflag:s0] =	ssyncset.done @!p0 $0x0  }
0x2fa: {  	[sflag:s0] =	ssyncadd.s32 @!p0 s1  }
0x2fb: {  	[bflag:$0x3] =	sbarrier.arrive $0xFFFF  }
0x2fc: {  	_ =	shalt  }

// kernel: kernel.8.cloned.1.call-start
scs
__scs_entry_jumppad:
0x0: {  	(pc) =	sbr.rel $0x88, $3  }
0x1: {  	(tag) =	ssettag $0x0;
	lr =	simm.s32 $0x1  }
0x2: {  	[smem:$0x3F99] =	sst lr;
	_ =	strace $0xD0000000  }
0x3: {  	_ = 	snop  }
0x4: {  	_ = 	snop  }
0x5: {  	_ = 	snop  }
0x6: {  	_ = 	snop  }
0x7: {  	_ = 	snop  }
__scs_overlays_trampoline_lowered:
0x8: {  	[smem:$0x3FA8] =	sst s0  }
0x9: {  	[smem:$0x3FA9] =	sst s1  }
0xa: {  	[smem:$0x3FAA] =	sst s2  }
0xb: {  	[smem:$0x3FAB] =	sst s3  }
0xc: {  	[smem:$0x3FAC] =	sst s4  }
0xd: {  	[smem:$0x3FAD] =	sst s5  }
0xe: {  	[smem:$0x3FAE] =	sst s6  }
0xf: {  	[smem:$0x3FAF] =	sst s7  }
0x10: {  	[smem:$0x3FB0] =	sst s8  }
0x11: {  	[smem:$0x3FB1] =	sst s9;
	s0 =	simm.s32 @!p0 $0x0  }
0x12: {  	s1 =	sld [smem:$0x3F97];
	s0 =	simm.s32 @p0 $0x1  }
0x13: {  	[smem:$0x3FB2] =	sst s0;
	s0 =	simm.s32 @!p1 $0x0  }
0x14: {  	s2 =	sld [smem:$0x3F96];
	s0 =	simm.s32 @p1 $0x1  }
0x15: {  	[smem:$0x3FB3] =	sst s0;
	s0 =	simm.s32 @!p2 $0x0  }
0x16: {  	s3 =	sld [smem:$0x3FDB];
	s0 =	simm.s32 @p2 $0x1  }
0x17: {  	s4 =	simm.s32 $0x1BF5;
	[smem:$0x3FB5] =	sst s0  }
0x18: {  	s0 =	sld [smem:$0x3F98];
	_ =	swait.ge [sflag:s4], $0x0  }
0x19: {  	s7 =	sld [smem:$0x3F99]  }
0x1a: {  	s8 =	sadd.s32 $0xFFFFE003, lr  }
0x1b: {  	s9 =	sadd.s32 $0xFFFFFEF7, lr;
	s5 =	simm.s32 $0xFFFFFFFF;
	p2 =	slt.u32 s8, $0xFFFFF086  }
0x1c: {  	p1 =	slt.u32 s9, $0xF7A;
	s5 =	simm.s32 @!p2 $0x0  }
0x1d: {  	s5 =	simm.s32 @p1 $0x1;
	p0 =	seq.s32 s7, s2  }
0x1e: {  	s7 =	smul.u32 @!p0 $0xF7A, s2;
	p2 =	seq.s32 @!p0 s5, $0x0  }
0x1f: {  	s9 =	smul.u32 $0xF7A, s1;
	s8 =	simm.s32 @!p0 $0x1BF5;
	p2 =	por !p2, p0  }
0x20: {  	[sflag:s8] =	ssyncset.s32 @!p0 $0xFFFFF086;
	s6 =	sadd.s32 @!p0 s3, s7;
	s7 =	simm.s32 @!p0 $0x108  }
0x21: {  	s3 =	sadd.s32 s3, s9;
	s6 =	sadd.s32 @!p0 $0x88, s6;
	s7 =	simm.s32 @p2 $0x1082  }
0x22: {  	[simem:s7], [sflag:s8] =	dma.local @!p0 [hbm:s6], $0xF7A  }
0x23: {  	s9 =	sor.u32 $0xD0000000, s2;
	s6 =	simm.s32 $0x108;
	_ =	swait.ge @!p0 [sflag:s8], $0x0  }
0x24: {  	s3 =	sadd.s32 $0x88, s3;
	s6 =	simm.s32 @!p1 $0x1082;
	[sflag:s4] =	ssyncset.s32 $0xFFFFF086  }
0x25: {  	[simem:s6], [sflag:s4] =	dma.local [hbm:s3], $0xF7A  }
0x26: {  	[smem:$0x3F99] =	sst s1;
	(tag) =	ssettag s2;
	_ =	strace s9  }
0x27: {  	s1 =	sld [smem:$0x3FA9]  }
0x28: {  	s2 =	sld [smem:$0x3FAA]  }
0x29: {  	s4 =	sld [smem:$0x3FAC]  }
0x2a: {  	p0 =	seq.s32 s5, $0x0;
	s5 =	sld [smem:$0x3FAD]  }
0x2b: {  	s6 =	sld [smem:$0x3FAE]  }
0x2c: {  	s7 =	sld [smem:$0x3FAF]  }
0x2d: {  	s3 =	simm.s32 $0x108;
	s8 =	sld [smem:$0x3FB0]  }
0x2e: {  	s3 =	simm.s32 @!p0 $0x1082;
	s9 =	sld [smem:$0x3FB1]  }
0x2f: {  	lr =	sadd.s32 s0, s3;
	s0 =	sld [smem:$0x3FA8]  }
0x30: {  	s3 =	sld [smem:$0x3FAB]  }
0x31: {  	[smem:$0x3FB4] =	sst s10  }
0x32: {  	s10 =	sld [smem:$0x3FB2];
	_ =	sdelay $0x3  }
0x33: {  	p0 =	seq.s32 s10, $0x1;
	s10 =	sld [smem:$0x3FB4];
	_ =	sdelay $0x3  }
0x34: {  	[smem:$0x3FB4] =	sst s10  }
0x35: {  	s10 =	sld [smem:$0x3FB3];
	_ =	sdelay $0x3  }
0x36: {  	p1 =	seq.s32 s10, $0x1;
	s10 =	sld [smem:$0x3FB4];
	_ =	sdelay $0x3  }
0x37: {  	[smem:$0x3FB4] =	sst s10  }
0x38: {  	s10 =	sld [smem:$0x3FB5]  }
0x39: {  	_ = 	snop;
	(pc) =	sbr.ind lr, $3  }
0x3a: {  	_ = 	snop  }
0x3b: {  	_ = 	snop  }
0x3c: {  	p2 =	seq.s32 s10, $0x1;
	s10 =	sld [smem:$0x3FB4]  }
0x3d: {  	_ =	shalt  }
0x3e: {  	_ =	shalt  }
0x3f: {  	_ =	shalt  }
0x40: {  	_ =	shalt  }
0x41: {  	_ =	shalt  }
0x42: {  	_ =	shalt  }
0x43: {  	_ =	shalt  }
0x44: {  	_ =	shalt  }
0x45: {  	_ =	shalt  }
0x46: {  	_ =	shalt  }
0x47: {  	_ =	shalt  }
0x48: {  	_ =	shalt  }
0x49: {  	_ =	shalt  }
0x4a: {  	_ =	shalt  }
0x4b: {  	_ =	shalt  }
0x4c: {  	_ =	shalt  }
0x4d: {  	_ =	shalt  }
0x4e: {  	_ =	shalt  }
0x4f: {  	_ =	shalt  }
0x50: {  	_ =	shalt  }
0x51: {  	_ =	shalt  }
0x52: {  	_ =	shalt  }
0x53: {  	_ =	shalt  }
0x54: {  	_ =	shalt  }
0x55: {  	_ =	shalt  }
0x56: {  	_ =	shalt  }
0x57: {  	_ =	shalt  }
0x58: {  	_ =	shalt  }
0x59: {  	_ =	shalt  }
0x5a: {  	_ =	shalt  }
0x5b: {  	_ =	shalt  }
0x5c: {  	_ =	shalt  }
0x5d: {  	_ =	shalt  }
0x5e: {  	_ =	shalt  }
0x5f: {  	_ =	shalt  }
0x60: {  	_ =	shalt  }
0x61: {  	_ =	shalt  }
0x62: {  	_ =	shalt  }
0x63: {  	_ =	shalt  }
0x64: {  	_ =	shalt  }
0x65: {  	_ =	shalt  }
0x66: {  	_ =	shalt  }
0x67: {  	_ =	shalt  }
0x68: {  	_ =	shalt  }
0x69: {  	_ =	shalt  }
0x6a: {  	_ =	shalt  }
0x6b: {  	_ =	shalt  }
0x6c: {  	_ =	shalt  }
0x6d: {  	_ =	shalt  }
0x6e: {  	_ =	shalt  }
0x6f: {  	_ =	shalt  }
0x70: {  	_ =	shalt  }
0x71: {  	_ =	shalt  }
0x72: {  	_ =	shalt  }
0x73: {  	_ =	shalt  }
0x74: {  	_ =	shalt  }
0x75: {  	_ =	shalt  }
0x76: {  	_ =	shalt  }
0x77: {  	_ =	shalt  }
0x78: {  	_ =	shalt  }
0x79: {  	_ =	shalt  }
0x7a: {  	_ =	shalt  }
0x7b: {  	_ =	shalt  }
0x7c: {  	_ =	shalt  }
0x7d: {  	_ =	shalt  }
0x7e: {  	_ =	shalt  }
0x7f: {  	_ =	shalt  }
0x80: {  	_ =	shalt  }
0x81: {  	_ =	shalt  }
0x82: {  	_ =	shalt  }
0x83: {  	_ =	shalt  }
0x84: {  	_ =	shalt  }
0x85: {  	_ =	shalt  }
0x86: {  	_ =	shalt  }
0x87: {  	_ =	shalt  }
.Lfunc_end0:
.L_simem_size_0:
called_computation_lowered:
.L_overlay_start_0:
0x88: {  	s2 =	sld [smem:$0x3FD9]  }
0x89: {  	s3 =	sld [smem:$0x3FFE];
	_ =	sdelay $0x1  }
0x8a: {  	s1 =	srdreg.scid  }
0x8b: {  	s0 =	sand.u32 $0x1, s1  }
0x8c: {  	s14 =	sshll.u32 s0, $0xA;
	s2 =	sadd.s32 s3, s2  }
0x8d: {  	s2 =	sadd.s32 s2, s14  }
0x8e: {  	[smem:$0x3FC0] =	sst s2  }
0x8f: {  	_ = 	snop  }
0x90: {  	s2 =	sld [smem:$0x3FD0];
	_ =	sdelay $0x2  }
0x91: {  	s15 =	simm.s32 $0xA;
	s4 =	simm.s32 $0x10  }
0x92: {  	[smem:s4], [sflag:s15] =	dma.local [hbm:s2], $0x1  }
0x93: {  	_ =	swait.eq [sflag:s15], $0x1  }
0x94: {  	[sflag:s15] =	ssyncset.done $0x0  }
0x95: {  	s16 =	sld [smem:$0x10];
	[sflag:s15] =	ssyncadd.s32 $0xFFFFFFFF  }
0x96: {  	s17 =	sld [smem:$0x11];
	(tm) =	ssettm $0x1  }
0x97: {  	s18 =	sld [smem:$0x3FFB];
	_ =	sdelay $0x3  }
0x98: {  	_ =	strace s18  }
0x99: {  	s4 =	sld [smem:$0x3FFC];
	_ =	sdelay $0x3  }
0x9a: {  	_ =	strace s4  }
0x9b: {  	s4 =	sld [smem:$0x3FFD];
	_ =	sdelay $0x3  }
0x9c: {  	_ =	strace s4  }
0x9d: {  	_ =	strace $0x8FFFFFFF  }
0x9e: {  	s19 =	sld [smem:$0x3FDB];
	_ =	sdelay $0x1  }
0x9f: {  	s5 =	simm.s32 $_scs_section_size  }
0xa0: {  	s6 =	simm.s32 $_size__tile_overlayer_lowered;
	s7 =	simm.s32 $_tile_overlayer_lowered  }
0xa1: {  	s22 =	simm.s32 $0x1BFF;
	s21 =	sshll.u32 s7, $0x1;
	s4 =	sadd.s32 s5, s19  }
0xa2: {  	s8 =	simm.s32 $0x0;
	s20 =	sshll.u32 s6, $0x1;
	s6 =	sadd.s32 s21, s4  }
0xa3: {  	[timem:s8], [sflag:s22] =	dma.local [hbm:s6], s20  }
0xa4: {  	_ =	swait.ge [sflag:s22], s20  }
0xa5: {  	s5 =	ssub.s32 $0x0, s20;
	[sflag:s22] =	ssyncset.done $0x0  }
0xa6: {  	[sflag:s22] =	ssyncadd.s32 s5;
	_ =	sdelay $0x1  }
0xa7: {  	s23 =	simm.s32 $0x1B8B  }
0xa8: {  	_ =	swait.ge [sflag:s23], $0x1  }
0xa9: {  	[sflag:s23] =	ssyncset.done $0x0  }
0xaa: {  	s25 =	simm.s32 $0x1B8E;
	s24 =	sld [smem:$0x3FFE];
	[sflag:s23] =	ssyncadd.s32 $0xFFFFFFFF  }
0xab: {  	s26 =	simm.s32 $execute0_lowered;
	[smem:$0x3FD2] =	sst s25  }
0xac: {  	s6 =	sshll.u32 s26, $0x1;
	_ =	strace $0x80000046;
	[dreg:$0x1] =	wrdreg $0xFFFFFFFF  }
0xad: {  	s28 =	simm.s32 $_size_execute0_lowered;
	s4 =	sadd.s32 s4, s6;
	[dreg:$0x0] =	wrdreg $0x0  }
0xae: {  	s6 =	sshll.u32 s28, $0x1;
	[dreg:$0x2] =	wrdreg s4  }
0xaf: {  	[dreg:$0x3] =	wrdreg s6  }
0xb0: {  	[dreg:$0x4] =	wrdreg $0xC0  }
0xb1: {  	_ =	task [dreg:s8], $0x5FFFF  }
0xb2: {  	[dreg:$0x1] =	wrdreg $0xFFFFFFFF  }
0xb3: {  	[dreg:$0x0] =	wrdreg $0x60  }
0xb4: {  	[dreg:$0x2] =	wrdreg s16  }
0xb5: {  	[dreg:$0x3] =	wrdreg s17  }
0xb6: {  	[dreg:$0x4] =	wrdreg s24  }
0xb7: {  	[dreg:$0x5] =	wrdreg $0x9  }
0xb8: {  	_ =	task.clear_ibuf [dreg:s8], $0x6FFFF;
	_ =	strace $0x90000046  }
0xb9: {  	s29 =	simm.s32 $0x9;
	_ =	strace $0x80000048  }
0xba: {  	_ =	swait.ge [sflag:s29], $0x1  }
0xbb: {  	[sflag:s29] =	ssyncadd.s32 $0xFFFFFFFF  }
0xbc: {  	_ =	strace $0x90000048  }
0xbd: {  	_ =	sfence  }
0xbe: {  	s30 =	sld [smem:$0x0];
	_ =	sdelay $0x2  }
0xbf: {  	s31 =	sshll.u32 s1, $0xD;
	s1 =	sshrl.u32 s1, $0x2  }
0xc0: {  	s3 =	sand.u32 $0x4000, s31;
	s1 =	sadd.s32 s1, s30  }
0xc1: {  	s0 =	sor.u32 s3, s0;
	s1 =	sshll.u32 s1, $0x11  }
0xc2: {  	s0 =	sor.u32 s1, s0  }
0xc3: {  	s0 =	sadd.s32 $0x8F2B, s0  }
0xc4: {  	[sflag:s0] =	ssyncadd.remote.s32 $0x1  }
0xc5: {  	_ =	sfence.sel $0xFFFF  }
0xc6: {  	[dreg:$0x0] =	wrdreg $0xFFFFFFFF;
	(pc) =	sbr.abs _section_cstart, $3  }
0xc7: {  	[dreg:$0x1] =	wrdreg $0xFFFFFFFF  }
0xc8: {  	_ =	task.clear_ibuf [dreg:s8], $0x2FFFF;
	_ =	strace $0x9FFFFFFF  }
0xc9: {  	(tm) =	ssettm $0x7FFFFFFF  }
tec
execute0_lowered:
.L_overlay_start_1:
0x0: {  	(tag) =	ssettag $0x1  }
0x1: {  	s4 =	rddreg [dreg:$0x0]  }
0x2: {  	s5 =	rddreg [dreg:$0x1]  }
0x3: {  	s1 =	srdreg.scid;
	s0 =	stileid.u32  }
0x4: {  	s6 =	rddreg [dreg:$0x2];
	s2 =	simm.s32 $0x0;
	s11 =	simm.s32 $0x7700  }
0x5: {  	s12 =	simm.s32 $0x2780;
	s13 =	simm.s32 $0x80;
	s14 =	simm.s32 $0x100  }
0x6: {  	s3 =	sand.u32 $0x1, s1;
	s7 =	sshll.u32 s0, $0x1;
	s1 =	rddreg [dreg:$0x3]  }
0x7: {  	s15 =	simm.s32 $0x0;
	[smem:$0x7FF] =	sst s2;
	s7 =	sor.u32 s3, s7  }
0x8: {  	s9 =	ssub.s32 $0x2, s3;
	_ =	strace $0x80000047;
	s8 =	smul.u32 $0xA00, s7  }
0x9: {  	s3 =	sadd.s32 $0x1E00, s6;
	s10 =	sshrl.u32 s9, $0x1;
	s7 =	smul.u32 $0x4E2, s7  }
0xa: {  	s9 =	ssub.s32 s9, s10;
	s10 =	simm.s32 $0x1;
	s8 =	sadd.s32 s8, s6  }
0xb: {  	s4 =	sadd.s32 s4, s7;
	s5 =	sadd.s32 s5, s7;
	s6 =	sadd.s32 $0x2400, s8  }
0xc: {  	v0 =	vimm.f32 $1.000000000e+00;
	s7 =	sadd.s32 $0x2410, s8;
	s8 =	smax.u32 s9, $0x1;
	s9 =	simm.s32 $0x4F00  }
.LBB2_1:
0xd: {  	[tilespmem:s9], [sflag:$0x1] =	stream.linear.gather [hbm4b:s3+s2], $0x2800, $0x38;
	[tilespmem:$0x9F00] =	vst v63  }
0xe: {  	_ =	swait.ge [sflag:s10], $0x2800  }
0xf: {  	[sflag:s10] =	ssyncset.done $0x0  }
0x10: {  	[sflag:s10] =	ssyncadd.s32 $0xFFFFD800  }
0x11: {  	[tilespmem:s11], [sflag:$0x1] =	stream.linear.gather [hbm4b:s3+s2], $0x2800, $0x38;
	[tilespmem:$0x9F00] =	vst v63  }
0x12: {  	_ =	swait.ge [sflag:s10], $0x2800  }
0x13: {  	[sflag:s10] =	ssyncset.done $0x0  }
0x14: {  	[sflag:s10] =	ssyncadd.s32 $0xFFFFD800  }
0x15: {  	[tilespmem:s2], [sflag:$0x1] =	stream.linear.gather [hbm4b:s4+s2], $0x2710, $0x38;
	[tilespmem:$0x9F00] =	vst v63  }
0x16: {  	_ =	swait.ge [sflag:s10], $0x2710  }
0x17: {  	[sflag:s10] =	ssyncset.done $0x0  }
0x18: {  	[sflag:s10] =	ssyncadd.s32 $0xFFFFD8F0  }
0x19: {  	[tilespmem:s12], [sflag:$0x1] =	stream.linear.gather [hbm4b:s5+s2], $0x2710, $0x38;
	[tilespmem:$0x9F00] =	vst v63  }
0x1a: {  	_ =	swait.ge [sflag:s10], $0x2710  }
0x1b: {  	[sflag:s10] =	ssyncset.done $0x0  }
0x1c: {  	s16 =	simm.s32 $0x0;
	[sflag:s10] =	ssyncadd.s32 $0xFFFFD8F0  }
.LBB2_2:
0x1d: {  	s17 =	sshra.s32 s16, $0x2  }
0x1e: {  	v1 =	vld [tilespmem:s17+$0x0];
	_ =	sdelay $0x7  }
0x1f: {  	[tilespmem:v1+s9+$0x0] =	vst.idx.add.f32.msk $0xffff, v0  }
0x20: {  	v1 =	vld [tilespmem:s17+$0x2780];
	_ =	sdelay $0x7  }
0x21: {  	[tilespmem:v1+s11+$0x0] =	vst.idx.add.f32.msk $0xffff, v0  }
0x22: {  	v1 =	vld [tilespmem:s17+$0x10];
	_ =	sdelay $0x7  }
0x23: {  	[tilespmem:v1+s9+$0x0] =	vst.idx.add.f32.msk $0xffff, v0  }
0x24: {  	v1 =	vld [tilespmem:s17+$0x2790];
	_ =	sdelay $0x7  }
0x25: {  	[tilespmem:v1+s11+$0x0] =	vst.idx.add.f32.msk $0xffff, v0  }
0x26: {  	v1 =	vld [tilespmem:s17+$0x20];
	_ =	sdelay $0x7  }
0x27: {  	[tilespmem:v1+s9+$0x0] =	vst.idx.add.f32.msk $0xffff, v0  }
0x28: {  	v1 =	vld [tilespmem:s17+$0x27A0];
	_ =	sdelay $0x7  }
0x29: {  	[tilespmem:v1+s11+$0x0] =	vst.idx.add.f32.msk $0xffff, v0  }
0x2a: {  	v1 =	vld [tilespmem:s17+$0x30];
	_ =	sdelay $0x7  }
0x2b: {  	[tilespmem:v1+s9+$0x0] =	vst.idx.add.f32.msk $0xffff, v0  }
0x2c: {  	v1 =	vld [tilespmem:s17+$0x27B0];
	_ =	sdelay $0x7  }
0x2d: {  	[tilespmem:v1+s11+$0x0] =	vst.idx.add.f32.msk $0xffff, v0  }
0x2e: {  	v1 =	vld [tilespmem:s17+$0x40];
	_ =	sdelay $0x7  }
0x2f: {  	[tilespmem:v1+s9+$0x0] =	vst.idx.add.f32.msk $0xffff, v0  }
0x30: {  	v1 =	vld [tilespmem:s17+$0x27C0];
	_ =	sdelay $0x2  }
0x31: {  	p0 =	sne.s32 s16, $0x9B00  }
.Ltmp0:
0x32: {  	_ = 	snop;
	(pc) =	sbr.rel @p0 .LBB2_2-.Ltmp0, $2  }
0x33: {  	_ =	sdelay $0x2  }
0x34: {  	s16 =	sadd.s32 $0x140, s16;
	[tilespmem:v1+s11+$0x0] =	vst.idx.add.f32.msk $0xffff, v0  }
0x35: {  	[hbm4b:s6+s13] =	stream.strided.scatter [tilespmem:s9], [sflag:$0x1], $0x2800, s14, s13, $0x38;
	[tilespmem:$0x9F00] =	vst v63  }
0x36: {  	s15 =	sadd.s32 $0x1, s15;
	_ =	swait.ge [sflag:s10], $0x2800  }
0x37: {  	p0 =	sne.s32 s15, s8;
	[sflag:s10] =	ssyncset.done $0x0  }
.Ltmp1:
0x38: {  	[sflag:s10] =	ssyncadd.s32 $0xFFFFD800;
	(pc) =	sbr.rel @p0 .LBB2_1-.Ltmp1, $4  }
0x39: {  	[hbm4b:s7+s13] =	stream.strided.scatter [tilespmem:s11], [sflag:$0x1], $0x2800, s14, s13, $0x38;
	[tilespmem:$0x9F00] =	vst v63  }
0x3a: {  	_ =	swait.ge [sflag:s10], $0x2800  }
0x3b: {  	[sflag:s10] =	ssyncset.done $0x0  }
0x3c: {  	[sflag:s10] =	ssyncadd.s32 $0xFFFFD800  }
0x3d: {  	_ =	sfence.sel $0x180000  }
0x3e: {  	[bflag:$0x0] =	sbarrier.arrive $0xFFFF  }
0x3f: {  	p0 =	sne.s32 s0, $0x0;
	_ =	strace $0x90000047  }
0x40: {  	s0 =	sadd.s32 @!p0 $0x100000, s1;
	[bflag:$0x2] =	sbarrier.arrive $0xFFFF  }
0x41: {  	[sflag:s0] =	ssyncadd.tile.s32 @!p0 $0x1;
	_ =	shalt  }
.Lfunc_end2:
_tile_overlayer_lowered:
.L_overlay_start_2:
0x42: {  	(tag) =	ssettag $0x2  }
0x43: {  	s0 =	rddreg [dreg:$0x0];
	s2 =	stileid.u32  }
0x44: {  	s1 =	rddreg [dreg:$0x1];
	p0 =	sne.s32 s2, $0x0  }
0x45: {  	s3 =	rddreg [dreg:$0x2];
	[bflag:$0x3] =	sbarrier.arrive $0xFFFF;
	s2 =	simm.s32 @!p0 $0x1C01  }
0x46: {  	[timem:s3], [sflag:s2] =	dma.local @!p0 [hbm:s0], s1  }
0x47: {  	s0 =	simm.s32 @!p0 $0x1  }
0x48: {  	_ =	swait.ge @!p0 [sflag:s0], s1  }
0x49: {  	s1 =	ssub.s32 @!p0 $0x0, s1;
	[sflag:s0] =	ssyncset.done @!p0 $0x0  }
0x4a: {  	[sflag:s0] =	ssyncadd.s32 @!p0 s1  }
0x4b: {  	[bflag:$0x3] =	sbarrier.arrive $0xFFFF  }
0x4c: {  	_ =	shalt  }

</sc_bundles>
